<compile_context>
chip_gen: v7x
topology: tpu7x:2x2x1
jax: 0.10.2.dev20260603
libtpu: 0.0.44.dev20260713+nightly
codegen_flags: <defaults>
</compile_context>

<pallas_src>
import functools

import jax
import jax.numpy as jnp
from jax import lax
from jax.experimental import pallas as pl
from jax.experimental.pallas import tpu as pltpu
from jax.experimental.pallas import tpu_sc as plsc


def _sc_gather(idx2d, table, n_rows, half):
    info = plsc.get_sparse_core_info()
    nc, ns = info.num_cores, info.num_subcores
    nw = nc * ns
    rows_per_w = n_rows // nw
    KC = 20
    CK = KC * 128
    n_chunks = rows_per_w // CK
    assert rows_per_w % CK == 0

    idx_tiles = rows_per_w // 128

    mesh = plsc.VectorSubcoreMesh(core_axis_name="c", subcore_axis_name="s")

    @functools.partial(
        pl.kernel,
        out_type=jax.ShapeDtypeStruct((n_rows, half), jnp.float32),
        mesh=mesh,
        compiler_params=pltpu.CompilerParams(use_tc_tiling_on_sc=False),
        scratch_types=[
            pltpu.VMEM((idx_tiles, 128), jnp.int32),
            pltpu.VMEM((CK, half), jnp.float32),
            pltpu.SemaphoreType.DMA,
        ],
    )
    def gather_kernel(idx_hbm, table_hbm, out_hbm, idx_v, rows_v, sem):
        wid = lax.axis_index("s") * nc + lax.axis_index("c")
        row_base = wid * rows_per_w
        pltpu.sync_copy(idx_hbm.at[pl.ds(wid * idx_tiles, idx_tiles)], idx_v)

        def body(i, carry):
            copies = []
            for j in range(KC):
                copies.append(
                    pltpu.async_copy(
                        table_hbm.at[idx_v.at[i * KC + j]],
                        rows_v.at[pl.ds(j * 128, 128)],
                        sem,
                    )
                )
            for cpy in copies:
                cpy.wait()
            pltpu.sync_copy(rows_v, out_hbm.at[pl.ds(row_base + i * CK, CK)])
            return carry

        lax.fori_loop(0, n_chunks, body, 0)

    return gather_kernel(idx2d, table)


def _tc_table_pack(table_t, eye, vocab, half):
    CB = 4096
    OB = CB * half // 128
    vocab_pad = pl.cdiv(vocab, 512) * 512
    n_out = vocab_pad * half // 128
    grid = pl.cdiv(vocab, CB)

    def body(t_ref, eye_ref, out_ref):
        x = t_ref[...]
        y = jnp.transpose(x, (1, 0))
        for sch in range(CB // 512):
            z = jnp.concatenate(
                [y[512 * sch + 128 * m:512 * sch + 128 * (m + 1), :]
                 for m in range(4)], axis=1
            )
            out_ref[pl.ds(128 * sch, 128), :] = z

    return pl.pallas_call(
        body,
        grid=(grid,),
        in_specs=[
            pl.BlockSpec((half, CB), lambda i: (0, i)),
            pl.BlockSpec((half, half), lambda i: (0, 0)),
        ],
        out_specs=pl.BlockSpec((OB, 128), lambda i: (i, 0)),
        out_shape=jax.ShapeDtypeStruct((n_out, 128), jnp.float32),
    )(table_t, eye)


def _tc_fused(emb5, vals_t, w4, u4col, c4col, b, l, hidden):
    BB = 128
    lg = l // 4
    grid = b // BB

    def body(emb_ref, vals_ref, w_ref, u_ref, c_ref, out_ref):
        w = w_ref[...]
        u = u_ref[...]
        c = c_ref[...]
        for g in range(lg):
            e_g = emb_ref[:, g, :]
            ot = jax.lax.dot_general(
                w, e_g, (((0,), (1,)), ((), ())),
                preferred_element_type=jnp.float32,
            )
            vg = vals_ref[pl.ds(4 * g, 4), :]
            vt = jnp.dot(u, vg, preferred_element_type=jnp.float32)
            out_ref[pl.ds(4 * g, 4)] = (ot + vt + c).reshape(4, hidden, BB)

    return pl.pallas_call(
        body,
        grid=(grid,),
        in_specs=[
            pl.BlockSpec((BB, lg, 128), lambda i: (i, 0, 0)),
            pl.BlockSpec((l, BB), lambda i: (0, i)),
            pl.BlockSpec((128, 4 * hidden), lambda i: (0, 0)),
            pl.BlockSpec((4 * hidden, 4), lambda i: (0, 0)),
            pl.BlockSpec((4 * hidden, 1), lambda i: (0, 0)),
        ],
        out_specs=pl.BlockSpec((l, hidden, BB), lambda i: (0, 0, i)),
        out_shape=jax.ShapeDtypeStruct((l, hidden, b), jnp.float32),
    )(emb5, vals_t, w4, u4col, c4col)


def kernel(lab_codes, lab_values, code_table, value_W, value_b, out_W, out_b):
    B, L = lab_codes.shape
    vocab, half = code_table.shape
    hidden = out_W.shape[0]
    n_rows = B * L
    n4 = n_rows // 4

    w1t = out_W[:, :half].T
    w2 = out_W[:, half:]
    u_col = (w2 @ value_W[:, 0]).reshape(hidden, 1)
    c_col = (w2 @ value_b + out_b).reshape(hidden, 1)
    eye4 = jnp.eye(4, dtype=jnp.float32)
    w4 = jnp.kron(eye4, w1t)
    u4col = jnp.kron(eye4, u_col)
    c4col = jnp.tile(c_col, (4, 1))

    eye = jnp.eye(half, dtype=jnp.float32)
    packed = _tc_table_pack(code_table.T, eye, vocab, half)
    table2 = packed.reshape(packed.shape[0] * 128 // half, half)

    idx = lab_codes.reshape(n_rows // 128, 128).astype(jnp.int32)
    idx2d = 512 * (idx // 512) + 4 * (idx % 128) + (idx // 128) % 4
    emb = _sc_gather(idx2d, table2, n_rows, half)
    emb5 = emb.reshape(B, L // 4, 4 * half)

    vals_t = lab_values.T
    out_t = _tc_fused(emb5, vals_t, w4, u4col, c4col, B, L, hidden)
    return out_t.transpose(2, 0, 1)

# --- scband reference (transcript-rebuilt; emitter-appended) ---
"""Pipeline reference for scband-labrador-embedding-1417339208040 (READ-ONLY COPY).

The authoritative reference and input builder live on the scoring server;
editing this copy changes nothing except your own understanding.
"""

import jax, jax.numpy as jnp
import numpy as np

VOCAB = 1000000
HIDDEN = 64
HALF = HIDDEN // 2
B, L = 4096, 200


def setup_inputs(seed: int = 0) -> dict:
    key = jax.random.key(seed)
    k1, k2, k3, k4, k5 = jax.random.split(key, 5)
    lab_codes = jax.random.randint(k1, (B, L), 0, VOCAB)
    lab_values = jax.random.uniform(k2, (B, L), dtype=jnp.float32)
    code_table = jax.random.normal(k3, (VOCAB, HALF), dtype=jnp.float32) * 0.02
    value_W = jax.random.normal(k4, (HALF, 1), dtype=jnp.float32) * 0.02
    value_b = jnp.zeros((HALF,), dtype=jnp.float32)
    out_W = jax.random.normal(k5, (HIDDEN, HIDDEN), dtype=jnp.float32) * 0.02
    out_b = jnp.zeros((HIDDEN,), dtype=jnp.float32)
    return {
        "lab_codes": lab_codes,
        "lab_values": lab_values,
        "code_table": code_table,
        "value_W": value_W,
        "value_b": value_b,
        "out_W": out_W,
        "out_b": out_b,
    }


def reference(lab_codes, lab_values, code_table, value_W, value_b, out_W, out_b):
    # code embedding: gather rows from the table (SparseCore-friendly gather)
    code_emb = jnp.take(code_table, lab_codes, axis=0)  # [B, L, HALF]
    # value projection: Linear(1 -> HALF), torch weight is [out, in]
    val_emb = lab_values[..., None] @ value_W.T + value_b  # [B, L, HALF]
    combined = jnp.concatenate([code_emb, val_emb], axis=-1)  # [B, L, HIDDEN]
    out = combined @ out_W.T + out_b  # [B, L, HIDDEN]
    return out

if __name__ == "__main__":
    import jax
    _d = setup_inputs()
    print(jax.jit(kernel)(*tuple(_d.values())))

</pallas_src>

<mosaic_0001>
#map = affine_map<(d0, d1) -> (0, 0)>
module attributes {stable_mosaic.version = 14 : i64} {
  func.func @gather_kernel(%arg0: i32, %arg1: i32, %arg2: memref<6400x128xi32, #tpu.memory_space<hbm>>, %arg3: memref<1000448x32xf32, #tpu.memory_space<hbm>>, %arg4: memref<819200x32xf32, #tpu.memory_space<hbm>>, %arg5: memref<200x128xi32, #tpu.memory_space<vmem>>, %arg6: memref<2560x32xf32, #tpu.memory_space<vmem>>, %arg7: memref<!tpu.dma_semaphore, #tpu.memory_space<semaphore_mem>>) attributes {dimension_semantics = [#tpu.dimension_semantics<core_parallel>, #tpu.dimension_semantics<subcore_parallel>], iteration_bounds = array<i64: 2, 16>, scalar_prefetch = 0 : i64, scratch_operands = 3 : i64, tpu.core_type = #tpu.core_type<sc_vector_subcore>, window_params = [{transform_indices = #map}, {transform_indices = #map}, {transform_indices = #map}]} {
    %mul3A = arith.constant 2 : i32
    %mul3A_0 = arith.muli %arg1, %mul3A : i32
    %add3A = arith.addi %mul3A_0, %arg0 : i32
    %mul3A_1 = arith.constant 25600 : i32
    %mul3A_2 = arith.muli %add3A, %mul3A_1 : i32
    %mul3A_3 = arith.constant 200 : i32
    %mul3A_4 = arith.muli %add3A, %mul3A_3 : i32
    "tpu.region"() ({
      %run_scoped3A = tpu.sem_alloc : memref<!tpu.dma_semaphore, #tpu.memory_space<semaphore_mem>>
      %dma_start3A = arith.constant 0 : i32
      %dma_start3A_10 = tpu.memref_slice %arg2[%mul3A_4, %dma_start3A] : memref<6400x128xi32, #tpu.memory_space<hbm>> -> memref<200x128xi32, #tpu.memory_space<hbm>>
      %dma_start3A_11 = arith.constant 0 : i32
      %dma_start3A_12 = tpu.memref_slice %arg2[%mul3A_4, %dma_start3A_11] : memref<6400x128xi32, #tpu.memory_space<hbm>> -> memref<200x128xi32, #tpu.memory_space<hbm>>
      tpu.enqueue_dma source(%dma_start3A_12 : memref<200x128xi32, #tpu.memory_space<hbm>>) target(%arg5 : memref<200x128xi32, #tpu.memory_space<vmem>>) target_semaphore(%run_scoped3A : memref<!tpu.dma_semaphore, #tpu.memory_space<semaphore_mem>>)
      %dma_wait3A = arith.constant 0 : i32
      %dma_wait3A_13 = tpu.memref_slice %arg2[%mul3A_4, %dma_wait3A] : memref<6400x128xi32, #tpu.memory_space<hbm>> -> memref<200x128xi32, #tpu.memory_space<hbm>>
      %dma_wait3A_14 = arith.constant 0 : i32
      %dma_wait3A_15 = tpu.memref_slice %arg2[%mul3A_4, %dma_wait3A_14] : memref<6400x128xi32, #tpu.memory_space<hbm>> -> memref<200x128xi32, #tpu.memory_space<hbm>>
      tpu.wait_dma2 semaphore(%run_scoped3A : memref<!tpu.dma_semaphore, #tpu.memory_space<semaphore_mem>>) src(%dma_wait3A_15 : memref<200x128xi32, #tpu.memory_space<hbm>>) dst(%arg5 : memref<200x128xi32, #tpu.memory_space<vmem>>)
      tpu.yield
    }) : () -> ()
    %scan3A = arith.constant 0 : i32
    %scan3A_5 = arith.constant 0 : i32
    %scan3A_6 = arith.constant 10 : i32
    %scan3A_7 = arith.addi %scan3A_5, %scan3A_6 : i32
    %scan3A_8 = arith.constant 1 : i32
    scf.for %scan3A_10 = %scan3A_5 to %scan3A_7 step %scan3A_8  : i32 {
      %mul3A_11 = arith.constant 20 : i32
      %mul3A_12 = arith.muli %scan3A_10, %mul3A_11 : i32
      %add3A_13 = arith.constant 0 : i32
      %add3A_14 = arith.addi %mul3A_12, %add3A_13 : i32
      %dma_start3A = arith.constant 0 : i32
      %dma_start3A_15 = arith.constant 0 : i32
      %dma_start3A_16 = tpu.memref_slice %arg6[%dma_start3A, %dma_start3A_15] : memref<2560x32xf32, #tpu.memory_space<vmem>> -> memref<128x32xf32, #tpu.memory_space<vmem>>
      %dma_start3A_17 = arith.constant 0 : i32
      %dma_start3A_18 = tpu.memref_slice %arg5[%add3A_14, %dma_start3A_17] : memref<200x128xi32, #tpu.memory_space<vmem>> -> memref<1x128xi32, #tpu.memory_space<vmem>>
      %dma_start3A_19 = tpu.memref_squeeze %dma_start3A_18 : memref<1x128xi32, #tpu.memory_space<vmem>> -> memref<128xi32, #tpu.memory_space<vmem>>
      %dma_start3A_20 = arith.constant 0 : i32
      %dma_start3A_21 = arith.constant 0 : i32
      %dma_start3A_22 = tpu.memref_slice %arg3[%dma_start3A_20, %dma_start3A_21] : memref<1000448x32xf32, #tpu.memory_space<hbm>> -> memref<1000448x32xf32, #tpu.memory_space<hbm>>
      tpu.enqueue_indirect_dma source(%dma_start3A_22 : memref<1000448x32xf32, #tpu.memory_space<hbm>>) target(%dma_start3A_16 : memref<128x32xf32, #tpu.memory_space<vmem>>) offsets(%dma_start3A_19 : memref<128xi32, #tpu.memory_space<vmem>>) semaphore(%arg7 : memref<!tpu.dma_semaphore, #tpu.memory_space<semaphore_mem>>)
      %mul3A_23 = arith.constant 20 : i32
      %mul3A_24 = arith.muli %scan3A_10, %mul3A_23 : i32
      %add3A_25 = arith.constant 1 : i32
      %add3A_26 = arith.addi %mul3A_24, %add3A_25 : i32
      %dma_start3A_27 = arith.constant 128 : i32
      %dma_start3A_28 = arith.constant 0 : i32
      %dma_start3A_29 = tpu.memref_slice %arg6[%dma_start3A_27, %dma_start3A_28] : memref<2560x32xf32, #tpu.memory_space<vmem>> -> memref<128x32xf32, #tpu.memory_space<vmem>>
      %dma_start3A_30 = arith.constant 0 : i32
      %dma_start3A_31 = tpu.memref_slice %arg5[%add3A_26, %dma_start3A_30] : memref<200x128xi32, #tpu.memory_space<vmem>> -> memref<1x128xi32, #tpu.memory_space<vmem>>
      %dma_start3A_32 = tpu.memref_squeeze %dma_start3A_31 : memref<1x128xi32, #tpu.memory_space<vmem>> -> memref<128xi32, #tpu.memory_space<vmem>>
      %dma_start3A_33 = arith.constant 0 : i32
      %dma_start3A_34 = arith.constant 0 : i32
      %dma_start3A_35 = tpu.memref_slice %arg3[%dma_start3A_33, %dma_start3A_34] : memref<1000448x32xf32, #tpu.memory_space<hbm>> -> memref<1000448x32xf32, #tpu.memory_space<hbm>>
      tpu.enqueue_indirect_dma source(%dma_start3A_35 : memref<1000448x32xf32, #tpu.memory_space<hbm>>) target(%dma_start3A_29 : memref<128x32xf32, #tpu.memory_space<vmem>>) offsets(%dma_start3A_32 : memref<128xi32, #tpu.memory_space<vmem>>) semaphore(%arg7 : memref<!tpu.dma_semaphore, #tpu.memory_space<semaphore_mem>>)
      %mul3A_36 = arith.constant 20 : i32
      %mul3A_37 = arith.muli %scan3A_10, %mul3A_36 : i32
      %add3A_38 = arith.constant 2 : i32
      %add3A_39 = arith.addi %mul3A_37, %add3A_38 : i32
      %dma_start3A_40 = arith.constant 256 : i32
      %dma_start3A_41 = arith.constant 0 : i32
      %dma_start3A_42 = tpu.memref_slice %arg6[%dma_start3A_40, %dma_start3A_41] : memref<2560x32xf32, #tpu.memory_space<vmem>> -> memref<128x32xf32, #tpu.memory_space<vmem>>
      %dma_start3A_43 = arith.constant 0 : i32
      %dma_start3A_44 = tpu.memref_slice %arg5[%add3A_39, %dma_start3A_43] : memref<200x128xi32, #tpu.memory_space<vmem>> -> memref<1x128xi32, #tpu.memory_space<vmem>>
      %dma_start3A_45 = tpu.memref_squeeze %dma_start3A_44 : memref<1x128xi32, #tpu.memory_space<vmem>> -> memref<128xi32, #tpu.memory_space<vmem>>
      %dma_start3A_46 = arith.constant 0 : i32
      %dma_start3A_47 = arith.constant 0 : i32
      %dma_start3A_48 = tpu.memref_slice %arg3[%dma_start3A_46, %dma_start3A_47] : memref<1000448x32xf32, #tpu.memory_space<hbm>> -> memref<1000448x32xf32, #tpu.memory_space<hbm>>
      tpu.enqueue_indirect_dma source(%dma_start3A_48 : memref<1000448x32xf32, #tpu.memory_space<hbm>>) target(%dma_start3A_42 : memref<128x32xf32, #tpu.memory_space<vmem>>) offsets(%dma_start3A_45 : memref<128xi32, #tpu.memory_space<vmem>>) semaphore(%arg7 : memref<!tpu.dma_semaphore, #tpu.memory_space<semaphore_mem>>)
      %mul3A_49 = arith.constant 20 : i32
      %mul3A_50 = arith.muli %scan3A_10, %mul3A_49 : i32
      %add3A_51 = arith.constant 3 : i32
      %add3A_52 = arith.addi %mul3A_50, %add3A_51 : i32
      %dma_start3A_53 = arith.constant 384 : i32
      %dma_start3A_54 = arith.constant 0 : i32
      %dma_start3A_55 = tpu.memref_slice %arg6[%dma_start3A_53, %dma_start3A_54] : memref<2560x32xf32, #tpu.memory_space<vmem>> -> memref<128x32xf32, #tpu.memory_space<vmem>>
      %dma_start3A_56 = arith.constant 0 : i32
      %dma_start3A_57 = tpu.memref_slice %arg5[%add3A_52, %dma_start3A_56] : memref<200x128xi32, #tpu.memory_space<vmem>> -> memref<1x128xi32, #tpu.memory_space<vmem>>
      %dma_start3A_58 = tpu.memref_squeeze %dma_start3A_57 : memref<1x128xi32, #tpu.memory_space<vmem>> -> memref<128xi32, #tpu.memory_space<vmem>>
      %dma_start3A_59 = arith.constant 0 : i32
      %dma_start3A_60 = arith.constant 0 : i32
      %dma_start3A_61 = tpu.memref_slice %arg3[%dma_start3A_59, %dma_start3A_60] : memref<1000448x32xf32, #tpu.memory_space<hbm>> -> memref<1000448x32xf32, #tpu.memory_space<hbm>>
      tpu.enqueue_indirect_dma source(%dma_start3A_61 : memref<1000448x32xf32, #tpu.memory_space<hbm>>) target(%dma_start3A_55 : memref<128x32xf32, #tpu.memory_space<vmem>>) offsets(%dma_start3A_58 : memref<128xi32, #tpu.memory_space<vmem>>) semaphore(%arg7 : memref<!tpu.dma_semaphore, #tpu.memory_space<semaphore_mem>>)
      %mul3A_62 = arith.constant 20 : i32
      %mul3A_63 = arith.muli %scan3A_10, %mul3A_62 : i32
      %add3A_64 = arith.constant 4 : i32
      %add3A_65 = arith.addi %mul3A_63, %add3A_64 : i32
      %dma_start3A_66 = arith.constant 512 : i32
      %dma_start3A_67 = arith.constant 0 : i32
      %dma_start3A_68 = tpu.memref_slice %arg6[%dma_start3A_66, %dma_start3A_67] : memref<2560x32xf32, #tpu.memory_space<vmem>> -> memref<128x32xf32, #tpu.memory_space<vmem>>
      %dma_start3A_69 = arith.constant 0 : i32
      %dma_start3A_70 = tpu.memref_slice %arg5[%add3A_65, %dma_start3A_69] : memref<200x128xi32, #tpu.memory_space<vmem>> -> memref<1x128xi32, #tpu.memory_space<vmem>>
      %dma_start3A_71 = tpu.memref_squeeze %dma_start3A_70 : memref<1x128xi32, #tpu.memory_space<vmem>> -> memref<128xi32, #tpu.memory_space<vmem>>
      %dma_start3A_72 = arith.constant 0 : i32
      %dma_start3A_73 = arith.constant 0 : i32
      %dma_start3A_74 = tpu.memref_slice %arg3[%dma_start3A_72, %dma_start3A_73] : memref<1000448x32xf32, #tpu.memory_space<hbm>> -> memref<1000448x32xf32, #tpu.memory_space<hbm>>
      tpu.enqueue_indirect_dma source(%dma_start3A_74 : memref<1000448x32xf32, #tpu.memory_space<hbm>>) target(%dma_start3A_68 : memref<128x32xf32, #tpu.memory_space<vmem>>) offsets(%dma_start3A_71 : memref<128xi32, #tpu.memory_space<vmem>>) semaphore(%arg7 : memref<!tpu.dma_semaphore, #tpu.memory_space<semaphore_mem>>)
      %mul3A_75 = arith.constant 20 : i32
      %mul3A_76 = arith.muli %scan3A_10, %mul3A_75 : i32
      %add3A_77 = arith.constant 5 : i32
      %add3A_78 = arith.addi %mul3A_76, %add3A_77 : i32
      %dma_start3A_79 = arith.constant 640 : i32
      %dma_start3A_80 = arith.constant 0 : i32
      %dma_start3A_81 = tpu.memref_slice %arg6[%dma_start3A_79, %dma_start3A_80] : memref<2560x32xf32, #tpu.memory_space<vmem>> -> memref<128x32xf32, #tpu.memory_space<vmem>>
      %dma_start3A_82 = arith.constant 0 : i32
      %dma_start3A_83 = tpu.memref_slice %arg5[%add3A_78, %dma_start3A_82] : memref<200x128xi32, #tpu.memory_space<vmem>> -> memref<1x128xi32, #tpu.memory_space<vmem>>
      %dma_start3A_84 = tpu.memref_squeeze %dma_start3A_83 : memref<1x128xi32, #tpu.memory_space<vmem>> -> memref<128xi32, #tpu.memory_space<vmem>>
      %dma_start3A_85 = arith.constant 0 : i32
      %dma_start3A_86 = arith.constant 0 : i32
      %dma_start3A_87 = tpu.memref_slice %arg3[%dma_start3A_85, %dma_start3A_86] : memref<1000448x32xf32, #tpu.memory_space<hbm>> -> memref<1000448x32xf32, #tpu.memory_space<hbm>>
      tpu.enqueue_indirect_dma source(%dma_start3A_87 : memref<1000448x32xf32, #tpu.memory_space<hbm>>) target(%dma_start3A_81 : memref<128x32xf32, #tpu.memory_space<vmem>>) offsets(%dma_start3A_84 : memref<128xi32, #tpu.memory_space<vmem>>) semaphore(%arg7 : memref<!tpu.dma_semaphore, #tpu.memory_space<semaphore_mem>>)
      %mul3A_88 = arith.constant 20 : i32
      %mul3A_89 = arith.muli %scan3A_10, %mul3A_88 : i32
      %add3A_90 = arith.constant 6 : i32
      %add3A_91 = arith.addi %mul3A_89, %add3A_90 : i32
      %dma_start3A_92 = arith.constant 768 : i32
      %dma_start3A_93 = arith.constant 0 : i32
      %dma_start3A_94 = tpu.memref_slice %arg6[%dma_start3A_92, %dma_start3A_93] : memref<2560x32xf32, #tpu.memory_space<vmem>> -> memref<128x32xf32, #tpu.memory_space<vmem>>
      %dma_start3A_95 = arith.constant 0 : i32
      %dma_start3A_96 = tpu.memref_slice %arg5[%add3A_91, %dma_start3A_95] : memref<200x128xi32, #tpu.memory_space<vmem>> -> memref<1x128xi32, #tpu.memory_space<vmem>>
      %dma_start3A_97 = tpu.memref_squeeze %dma_start3A_96 : memref<1x128xi32, #tpu.memory_space<vmem>> -> memref<128xi32, #tpu.memory_space<vmem>>
      %dma_start3A_98 = arith.constant 0 : i32
      %dma_start3A_99 = arith.constant 0 : i32
      %dma_start3A_100 = tpu.memref_slice %arg3[%dma_start3A_98, %dma_start3A_99] : memref<1000448x32xf32, #tpu.memory_space<hbm>> -> memref<1000448x32xf32, #tpu.memory_space<hbm>>
      tpu.enqueue_indirect_dma source(%dma_start3A_100 : memref<1000448x32xf32, #tpu.memory_space<hbm>>) target(%dma_start3A_94 : memref<128x32xf32, #tpu.memory_space<vmem>>) offsets(%dma_start3A_97 : memref<128xi32, #tpu.memory_space<vmem>>) semaphore(%arg7 : memref<!tpu.dma_semaphore, #tpu.memory_space<semaphore_mem>>)
      %mul3A_101 = arith.constant 20 : i32
      %mul3A_102 = arith.muli %scan3A_10, %mul3A_101 : i32
      %add3A_103 = arith.constant 7 : i32
      %add3A_104 = arith.addi %mul3A_102, %add3A_103 : i32
      %dma_start3A_105 = arith.constant 896 : i32
      %dma_start3A_106 = arith.constant 0 : i32
      %dma_start3A_107 = tpu.memref_slice %arg6[%dma_start3A_105, %dma_start3A_106] : memref<2560x32xf32, #tpu.memory_space<vmem>> -> memref<128x32xf32, #tpu.memory_space<vmem>>
      %dma_start3A_108 = arith.constant 0 : i32
      %dma_start3A_109 = tpu.memref_slice %arg5[%add3A_104, %dma_start3A_108] : memref<200x128xi32, #tpu.memory_space<vmem>> -> memref<1x128xi32, #tpu.memory_space<vmem>>
      %dma_start3A_110 = tpu.memref_squeeze %dma_start3A_109 : memref<1x128xi32, #tpu.memory_space<vmem>> -> memref<128xi32, #tpu.memory_space<vmem>>
      %dma_start3A_111 = arith.constant 0 : i32
      %dma_start3A_112 = arith.constant 0 : i32
      %dma_start3A_113 = tpu.memref_slice %arg3[%dma_start3A_111, %dma_start3A_112] : memref<1000448x32xf32, #tpu.memory_space<hbm>> -> memref<1000448x32xf32, #tpu.memory_space<hbm>>
      tpu.enqueue_indirect_dma source(%dma_start3A_113 : memref<1000448x32xf32, #tpu.memory_space<hbm>>) target(%dma_start3A_107 : memref<128x32xf32, #tpu.memory_space<vmem>>) offsets(%dma_start3A_110 : memref<128xi32, #tpu.memory_space<vmem>>) semaphore(%arg7 : memref<!tpu.dma_semaphore, #tpu.memory_space<semaphore_mem>>)
      %mul3A_114 = arith.constant 20 : i32
      %mul3A_115 = arith.muli %scan3A_10, %mul3A_114 : i32
      %add3A_116 = arith.constant 8 : i32
      %add3A_117 = arith.addi %mul3A_115, %add3A_116 : i32
      %dma_start3A_118 = arith.constant 1024 : i32
      %dma_start3A_119 = arith.constant 0 : i32
      %dma_start3A_120 = tpu.memref_slice %arg6[%dma_start3A_118, %dma_start3A_119] : memref<2560x32xf32, #tpu.memory_space<vmem>> -> memref<128x32xf32, #tpu.memory_space<vmem>>
      %dma_start3A_121 = arith.constant 0 : i32
      %dma_start3A_122 = tpu.memref_slice %arg5[%add3A_117, %dma_start3A_121] : memref<200x128xi32, #tpu.memory_space<vmem>> -> memref<1x128xi32, #tpu.memory_space<vmem>>
      %dma_start3A_123 = tpu.memref_squeeze %dma_start3A_122 : memref<1x128xi32, #tpu.memory_space<vmem>> -> memref<128xi32, #tpu.memory_space<vmem>>
      %dma_start3A_124 = arith.constant 0 : i32
      %dma_start3A_125 = arith.constant 0 : i32
      %dma_start3A_126 = tpu.memref_slice %arg3[%dma_start3A_124, %dma_start3A_125] : memref<1000448x32xf32, #tpu.memory_space<hbm>> -> memref<1000448x32xf32, #tpu.memory_space<hbm>>
      tpu.enqueue_indirect_dma source(%dma_start3A_126 : memref<1000448x32xf32, #tpu.memory_space<hbm>>) target(%dma_start3A_120 : memref<128x32xf32, #tpu.memory_space<vmem>>) offsets(%dma_start3A_123 : memref<128xi32, #tpu.memory_space<vmem>>) semaphore(%arg7 : memref<!tpu.dma_semaphore, #tpu.memory_space<semaphore_mem>>)
      %mul3A_127 = arith.constant 20 : i32
      %mul3A_128 = arith.muli %scan3A_10, %mul3A_127 : i32
      %add3A_129 = arith.constant 9 : i32
      %add3A_130 = arith.addi %mul3A_128, %add3A_129 : i32
      %dma_start3A_131 = arith.constant 1152 : i32
      %dma_start3A_132 = arith.constant 0 : i32
      %dma_start3A_133 = tpu.memref_slice %arg6[%dma_start3A_131, %dma_start3A_132] : memref<2560x32xf32, #tpu.memory_space<vmem>> -> memref<128x32xf32, #tpu.memory_space<vmem>>
      %dma_start3A_134 = arith.constant 0 : i32
      %dma_start3A_135 = tpu.memref_slice %arg5[%add3A_130, %dma_start3A_134] : memref<200x128xi32, #tpu.memory_space<vmem>> -> memref<1x128xi32, #tpu.memory_space<vmem>>
      %dma_start3A_136 = tpu.memref_squeeze %dma_start3A_135 : memref<1x128xi32, #tpu.memory_space<vmem>> -> memref<128xi32, #tpu.memory_space<vmem>>
      %dma_start3A_137 = arith.constant 0 : i32
      %dma_start3A_138 = arith.constant 0 : i32
      %dma_start3A_139 = tpu.memref_slice %arg3[%dma_start3A_137, %dma_start3A_138] : memref<1000448x32xf32, #tpu.memory_space<hbm>> -> memref<1000448x32xf32, #tpu.memory_space<hbm>>
      tpu.enqueue_indirect_dma source(%dma_start3A_139 : memref<1000448x32xf32, #tpu.memory_space<hbm>>) target(%dma_start3A_133 : memref<128x32xf32, #tpu.memory_space<vmem>>) offsets(%dma_start3A_136 : memref<128xi32, #tpu.memory_space<vmem>>) semaphore(%arg7 : memref<!tpu.dma_semaphore, #tpu.memory_space<semaphore_mem>>)
      %mul3A_140 = arith.constant 20 : i32
      %mul3A_141 = arith.muli %scan3A_10, %mul3A_140 : i32
      %add3A_142 = arith.constant 10 : i32
      %add3A_143 = arith.addi %mul3A_141, %add3A_142 : i32
      %dma_start3A_144 = arith.constant 1280 : i32
      %dma_start3A_145 = arith.constant 0 : i32
      %dma_start3A_146 = tpu.memref_slice %arg6[%dma_start3A_144, %dma_start3A_145] : memref<2560x32xf32, #tpu.memory_space<vmem>> -> memref<128x32xf32, #tpu.memory_space<vmem>>
      %dma_start3A_147 = arith.constant 0 : i32
      %dma_start3A_148 = tpu.memref_slice %arg5[%add3A_143, %dma_start3A_147] : memref<200x128xi32, #tpu.memory_space<vmem>> -> memref<1x128xi32, #tpu.memory_space<vmem>>
      %dma_start3A_149 = tpu.memref_squeeze %dma_start3A_148 : memref<1x128xi32, #tpu.memory_space<vmem>> -> memref<128xi32, #tpu.memory_space<vmem>>
      %dma_start3A_150 = arith.constant 0 : i32
      %dma_start3A_151 = arith.constant 0 : i32
      %dma_start3A_152 = tpu.memref_slice %arg3[%dma_start3A_150, %dma_start3A_151] : memref<1000448x32xf32, #tpu.memory_space<hbm>> -> memref<1000448x32xf32, #tpu.memory_space<hbm>>
      tpu.enqueue_indirect_dma source(%dma_start3A_152 : memref<1000448x32xf32, #tpu.memory_space<hbm>>) target(%dma_start3A_146 : memref<128x32xf32, #tpu.memory_space<vmem>>) offsets(%dma_start3A_149 : memref<128xi32, #tpu.memory_space<vmem>>) semaphore(%arg7 : memref<!tpu.dma_semaphore, #tpu.memory_space<semaphore_mem>>)
      %mul3A_153 = arith.constant 20 : i32
      %mul3A_154 = arith.muli %scan3A_10, %mul3A_153 : i32
      %add3A_155 = arith.constant 11 : i32
      %add3A_156 = arith.addi %mul3A_154, %add3A_155 : i32
      %dma_start3A_157 = arith.constant 1408 : i32
      %dma_start3A_158 = arith.constant 0 : i32
      %dma_start3A_159 = tpu.memref_slice %arg6[%dma_start3A_157, %dma_start3A_158] : memref<2560x32xf32, #tpu.memory_space<vmem>> -> memref<128x32xf32, #tpu.memory_space<vmem>>
      %dma_start3A_160 = arith.constant 0 : i32
      %dma_start3A_161 = tpu.memref_slice %arg5[%add3A_156, %dma_start3A_160] : memref<200x128xi32, #tpu.memory_space<vmem>> -> memref<1x128xi32, #tpu.memory_space<vmem>>
      %dma_start3A_162 = tpu.memref_squeeze %dma_start3A_161 : memref<1x128xi32, #tpu.memory_space<vmem>> -> memref<128xi32, #tpu.memory_space<vmem>>
      %dma_start3A_163 = arith.constant 0 : i32
      %dma_start3A_164 = arith.constant 0 : i32
      %dma_start3A_165 = tpu.memref_slice %arg3[%dma_start3A_163, %dma_start3A_164] : memref<1000448x32xf32, #tpu.memory_space<hbm>> -> memref<1000448x32xf32, #tpu.memory_space<hbm>>
      tpu.enqueue_indirect_dma source(%dma_start3A_165 : memref<1000448x32xf32, #tpu.memory_space<hbm>>) target(%dma_start3A_159 : memref<128x32xf32, #tpu.memory_space<vmem>>) offsets(%dma_start3A_162 : memref<128xi32, #tpu.memory_space<vmem>>) semaphore(%arg7 : memref<!tpu.dma_semaphore, #tpu.memory_space<semaphore_mem>>)
      %mul3A_166 = arith.constant 20 : i32
      %mul3A_167 = arith.muli %scan3A_10, %mul3A_166 : i32
      %add3A_168 = arith.constant 12 : i32
      %add3A_169 = arith.addi %mul3A_167, %add3A_168 : i32
      %dma_start3A_170 = arith.constant 1536 : i32
      %dma_start3A_171 = arith.constant 0 : i32
      %dma_start3A_172 = tpu.memref_slice %arg6[%dma_start3A_170, %dma_start3A_171] : memref<2560x32xf32, #tpu.memory_space<vmem>> -> memref<128x32xf32, #tpu.memory_space<vmem>>
      %dma_start3A_173 = arith.constant 0 : i32
      %dma_start3A_174 = tpu.memref_slice %arg5[%add3A_169, %dma_start3A_173] : memref<200x128xi32, #tpu.memory_space<vmem>> -> memref<1x128xi32, #tpu.memory_space<vmem>>
      %dma_start3A_175 = tpu.memref_squeeze %dma_start3A_174 : memref<1x128xi32, #tpu.memory_space<vmem>> -> memref<128xi32, #tpu.memory_space<vmem>>
      %dma_start3A_176 = arith.constant 0 : i32
      %dma_start3A_177 = arith.constant 0 : i32
      %dma_start3A_178 = tpu.memref_slice %arg3[%dma_start3A_176, %dma_start3A_177] : memref<1000448x32xf32, #tpu.memory_space<hbm>> -> memref<1000448x32xf32, #tpu.memory_space<hbm>>
      tpu.enqueue_indirect_dma source(%dma_start3A_178 : memref<1000448x32xf32, #tpu.memory_space<hbm>>) target(%dma_start3A_172 : memref<128x32xf32, #tpu.memory_space<vmem>>) offsets(%dma_start3A_175 : memref<128xi32, #tpu.memory_space<vmem>>) semaphore(%arg7 : memref<!tpu.dma_semaphore, #tpu.memory_space<semaphore_mem>>)
      %mul3A_179 = arith.constant 20 : i32
      %mul3A_180 = arith.muli %scan3A_10, %mul3A_179 : i32
      %add3A_181 = arith.constant 13 : i32
      %add3A_182 = arith.addi %mul3A_180, %add3A_181 : i32
      %dma_start3A_183 = arith.constant 1664 : i32
      %dma_start3A_184 = arith.constant 0 : i32
      %dma_start3A_185 = tpu.memref_slice %arg6[%dma_start3A_183, %dma_start3A_184] : memref<2560x32xf32, #tpu.memory_space<vmem>> -> memref<128x32xf32, #tpu.memory_space<vmem>>
      %dma_start3A_186 = arith.constant 0 : i32
      %dma_start3A_187 = tpu.memref_slice %arg5[%add3A_182, %dma_start3A_186] : memref<200x128xi32, #tpu.memory_space<vmem>> -> memref<1x128xi32, #tpu.memory_space<vmem>>
      %dma_start3A_188 = tpu.memref_squeeze %dma_start3A_187 : memref<1x128xi32, #tpu.memory_space<vmem>> -> memref<128xi32, #tpu.memory_space<vmem>>
      %dma_start3A_189 = arith.constant 0 : i32
      %dma_start3A_190 = arith.constant 0 : i32
      %dma_start3A_191 = tpu.memref_slice %arg3[%dma_start3A_189, %dma_start3A_190] : memref<1000448x32xf32, #tpu.memory_space<hbm>> -> memref<1000448x32xf32, #tpu.memory_space<hbm>>
      tpu.enqueue_indirect_dma source(%dma_start3A_191 : memref<1000448x32xf32, #tpu.memory_space<hbm>>) target(%dma_start3A_185 : memref<128x32xf32, #tpu.memory_space<vmem>>) offsets(%dma_start3A_188 : memref<128xi32, #tpu.memory_space<vmem>>) semaphore(%arg7 : memref<!tpu.dma_semaphore, #tpu.memory_space<semaphore_mem>>)
      %mul3A_192 = arith.constant 20 : i32
      %mul3A_193 = arith.muli %scan3A_10, %mul3A_192 : i32
      %add3A_194 = arith.constant 14 : i32
      %add3A_195 = arith.addi %mul3A_193, %add3A_194 : i32
      %dma_start3A_196 = arith.constant 1792 : i32
      %dma_start3A_197 = arith.constant 0 : i32
      %dma_start3A_198 = tpu.memref_slice %arg6[%dma_start3A_196, %dma_start3A_197] : memref<2560x32xf32, #tpu.memory_space<vmem>> -> memref<128x32xf32, #tpu.memory_space<vmem>>
      %dma_start3A_199 = arith.constant 0 : i32
      %dma_start3A_200 = tpu.memref_slice %arg5[%add3A_195, %dma_start3A_199] : memref<200x128xi32, #tpu.memory_space<vmem>> -> memref<1x128xi32, #tpu.memory_space<vmem>>
      %dma_start3A_201 = tpu.memref_squeeze %dma_start3A_200 : memref<1x128xi32, #tpu.memory_space<vmem>> -> memref<128xi32, #tpu.memory_space<vmem>>
      %dma_start3A_202 = arith.constant 0 : i32
      %dma_start3A_203 = arith.constant 0 : i32
      %dma_start3A_204 = tpu.memref_slice %arg3[%dma_start3A_202, %dma_start3A_203] : memref<1000448x32xf32, #tpu.memory_space<hbm>> -> memref<1000448x32xf32, #tpu.memory_space<hbm>>
      tpu.enqueue_indirect_dma source(%dma_start3A_204 : memref<1000448x32xf32, #tpu.memory_space<hbm>>) target(%dma_start3A_198 : memref<128x32xf32, #tpu.memory_space<vmem>>) offsets(%dma_start3A_201 : memref<128xi32, #tpu.memory_space<vmem>>) semaphore(%arg7 : memref<!tpu.dma_semaphore, #tpu.memory_space<semaphore_mem>>)
      %mul3A_205 = arith.constant 20 : i32
      %mul3A_206 = arith.muli %scan3A_10, %mul3A_205 : i32
      %add3A_207 = arith.constant 15 : i32
      %add3A_208 = arith.addi %mul3A_206, %add3A_207 : i32
      %dma_start3A_209 = arith.constant 1920 : i32
      %dma_start3A_210 = arith.constant 0 : i32
      %dma_start3A_211 = tpu.memref_slice %arg6[%dma_start3A_209, %dma_start3A_210] : memref<2560x32xf32, #tpu.memory_space<vmem>> -> memref<128x32xf32, #tpu.memory_space<vmem>>
      %dma_start3A_212 = arith.constant 0 : i32
      %dma_start3A_213 = tpu.memref_slice %arg5[%add3A_208, %dma_start3A_212] : memref<200x128xi32, #tpu.memory_space<vmem>> -> memref<1x128xi32, #tpu.memory_space<vmem>>
      %dma_start3A_214 = tpu.memref_squeeze %dma_start3A_213 : memref<1x128xi32, #tpu.memory_space<vmem>> -> memref<128xi32, #tpu.memory_space<vmem>>
      %dma_start3A_215 = arith.constant 0 : i32
      %dma_start3A_216 = arith.constant 0 : i32
      %dma_start3A_217 = tpu.memref_slice %arg3[%dma_start3A_215, %dma_start3A_216] : memref<1000448x32xf32, #tpu.memory_space<hbm>> -> memref<1000448x32xf32, #tpu.memory_space<hbm>>
      tpu.enqueue_indirect_dma source(%dma_start3A_217 : memref<1000448x32xf32, #tpu.memory_space<hbm>>) target(%dma_start3A_211 : memref<128x32xf32, #tpu.memory_space<vmem>>) offsets(%dma_start3A_214 : memref<128xi32, #tpu.memory_space<vmem>>) semaphore(%arg7 : memref<!tpu.dma_semaphore, #tpu.memory_space<semaphore_mem>>)
      %mul3A_218 = arith.constant 20 : i32
      %mul3A_219 = arith.muli %scan3A_10, %mul3A_218 : i32
      %add3A_220 = arith.constant 16 : i32
      %add3A_221 = arith.addi %mul3A_219, %add3A_220 : i32
      %dma_start3A_222 = arith.constant 2048 : i32
      %dma_start3A_223 = arith.constant 0 : i32
      %dma_start3A_224 = tpu.memref_slice %arg6[%dma_start3A_222, %dma_start3A_223] : memref<2560x32xf32, #tpu.memory_space<vmem>> -> memref<128x32xf32, #tpu.memory_space<vmem>>
      %dma_start3A_225 = arith.constant 0 : i32
      %dma_start3A_226 = tpu.memref_slice %arg5[%add3A_221, %dma_start3A_225] : memref<200x128xi32, #tpu.memory_space<vmem>> -> memref<1x128xi32, #tpu.memory_space<vmem>>
      %dma_start3A_227 = tpu.memref_squeeze %dma_start3A_226 : memref<1x128xi32, #tpu.memory_space<vmem>> -> memref<128xi32, #tpu.memory_space<vmem>>
      %dma_start3A_228 = arith.constant 0 : i32
      %dma_start3A_229 = arith.constant 0 : i32
      %dma_start3A_230 = tpu.memref_slice %arg3[%dma_start3A_228, %dma_start3A_229] : memref<1000448x32xf32, #tpu.memory_space<hbm>> -> memref<1000448x32xf32, #tpu.memory_space<hbm>>
      tpu.enqueue_indirect_dma source(%dma_start3A_230 : memref<1000448x32xf32, #tpu.memory_space<hbm>>) target(%dma_start3A_224 : memref<128x32xf32, #tpu.memory_space<vmem>>) offsets(%dma_start3A_227 : memref<128xi32, #tpu.memory_space<vmem>>) semaphore(%arg7 : memref<!tpu.dma_semaphore, #tpu.memory_space<semaphore_mem>>)
      %mul3A_231 = arith.constant 20 : i32
      %mul3A_232 = arith.muli %scan3A_10, %mul3A_231 : i32
      %add3A_233 = arith.constant 17 : i32
      %add3A_234 = arith.addi %mul3A_232, %add3A_233 : i32
      %dma_start3A_235 = arith.constant 2176 : i32
      %dma_start3A_236 = arith.constant 0 : i32
      %dma_start3A_237 = tpu.memref_slice %arg6[%dma_start3A_235, %dma_start3A_236] : memref<2560x32xf32, #tpu.memory_space<vmem>> -> memref<128x32xf32, #tpu.memory_space<vmem>>
      %dma_start3A_238 = arith.constant 0 : i32
      %dma_start3A_239 = tpu.memref_slice %arg5[%add3A_234, %dma_start3A_238] : memref<200x128xi32, #tpu.memory_space<vmem>> -> memref<1x128xi32, #tpu.memory_space<vmem>>
      %dma_start3A_240 = tpu.memref_squeeze %dma_start3A_239 : memref<1x128xi32, #tpu.memory_space<vmem>> -> memref<128xi32, #tpu.memory_space<vmem>>
      %dma_start3A_241 = arith.constant 0 : i32
      %dma_start3A_242 = arith.constant 0 : i32
      %dma_start3A_243 = tpu.memref_slice %arg3[%dma_start3A_241, %dma_start3A_242] : memref<1000448x32xf32, #tpu.memory_space<hbm>> -> memref<1000448x32xf32, #tpu.memory_space<hbm>>
      tpu.enqueue_indirect_dma source(%dma_start3A_243 : memref<1000448x32xf32, #tpu.memory_space<hbm>>) target(%dma_start3A_237 : memref<128x32xf32, #tpu.memory_space<vmem>>) offsets(%dma_start3A_240 : memref<128xi32, #tpu.memory_space<vmem>>) semaphore(%arg7 : memref<!tpu.dma_semaphore, #tpu.memory_space<semaphore_mem>>)
      %mul3A_244 = arith.constant 20 : i32
      %mul3A_245 = arith.muli %scan3A_10, %mul3A_244 : i32
      %add3A_246 = arith.constant 18 : i32
      %add3A_247 = arith.addi %mul3A_245, %add3A_246 : i32
      %dma_start3A_248 = arith.constant 2304 : i32
      %dma_start3A_249 = arith.constant 0 : i32
      %dma_start3A_250 = tpu.memref_slice %arg6[%dma_start3A_248, %dma_start3A_249] : memref<2560x32xf32, #tpu.memory_space<vmem>> -> memref<128x32xf32, #tpu.memory_space<vmem>>
      %dma_start3A_251 = arith.constant 0 : i32
      %dma_start3A_252 = tpu.memref_slice %arg5[%add3A_247, %dma_start3A_251] : memref<200x128xi32, #tpu.memory_space<vmem>> -> memref<1x128xi32, #tpu.memory_space<vmem>>
      %dma_start3A_253 = tpu.memref_squeeze %dma_start3A_252 : memref<1x128xi32, #tpu.memory_space<vmem>> -> memref<128xi32, #tpu.memory_space<vmem>>
      %dma_start3A_254 = arith.constant 0 : i32
      %dma_start3A_255 = arith.constant 0 : i32
      %dma_start3A_256 = tpu.memref_slice %arg3[%dma_start3A_254, %dma_start3A_255] : memref<1000448x32xf32, #tpu.memory_space<hbm>> -> memref<1000448x32xf32, #tpu.memory_space<hbm>>
      tpu.enqueue_indirect_dma source(%dma_start3A_256 : memref<1000448x32xf32, #tpu.memory_space<hbm>>) target(%dma_start3A_250 : memref<128x32xf32, #tpu.memory_space<vmem>>) offsets(%dma_start3A_253 : memref<128xi32, #tpu.memory_space<vmem>>) semaphore(%arg7 : memref<!tpu.dma_semaphore, #tpu.memory_space<semaphore_mem>>)
      %mul3A_257 = arith.constant 20 : i32
      %mul3A_258 = arith.muli %scan3A_10, %mul3A_257 : i32
      %add3A_259 = arith.constant 19 : i32
      %add3A_260 = arith.addi %mul3A_258, %add3A_259 : i32
      %dma_start3A_261 = arith.constant 2432 : i32
      %dma_start3A_262 = arith.constant 0 : i32
      %dma_start3A_263 = tpu.memref_slice %arg6[%dma_start3A_261, %dma_start3A_262] : memref<2560x32xf32, #tpu.memory_space<vmem>> -> memref<128x32xf32, #tpu.memory_space<vmem>>
      %dma_start3A_264 = arith.constant 0 : i32
      %dma_start3A_265 = tpu.memref_slice %arg5[%add3A_260, %dma_start3A_264] : memref<200x128xi32, #tpu.memory_space<vmem>> -> memref<1x128xi32, #tpu.memory_space<vmem>>
      %dma_start3A_266 = tpu.memref_squeeze %dma_start3A_265 : memref<1x128xi32, #tpu.memory_space<vmem>> -> memref<128xi32, #tpu.memory_space<vmem>>
      %dma_start3A_267 = arith.constant 0 : i32
      %dma_start3A_268 = arith.constant 0 : i32
      %dma_start3A_269 = tpu.memref_slice %arg3[%dma_start3A_267, %dma_start3A_268] : memref<1000448x32xf32, #tpu.memory_space<hbm>> -> memref<1000448x32xf32, #tpu.memory_space<hbm>>
      tpu.enqueue_indirect_dma source(%dma_start3A_269 : memref<1000448x32xf32, #tpu.memory_space<hbm>>) target(%dma_start3A_263 : memref<128x32xf32, #tpu.memory_space<vmem>>) offsets(%dma_start3A_266 : memref<128xi32, #tpu.memory_space<vmem>>) semaphore(%arg7 : memref<!tpu.dma_semaphore, #tpu.memory_space<semaphore_mem>>)
      %dma_wait3A = arith.constant 0 : i32
      %dma_wait3A_270 = arith.constant 0 : i32
      %dma_wait3A_271 = tpu.memref_slice %arg6[%dma_wait3A, %dma_wait3A_270] : memref<2560x32xf32, #tpu.memory_space<vmem>> -> memref<128x32xf32, #tpu.memory_space<vmem>>
      %dma_wait3A_272 = arith.constant 0 : i32
      %dma_wait3A_273 = tpu.memref_slice %arg5[%add3A_14, %dma_wait3A_272] : memref<200x128xi32, #tpu.memory_space<vmem>> -> memref<1x128xi32, #tpu.memory_space<vmem>>
      %dma_wait3A_274 = tpu.memref_squeeze %dma_wait3A_273 : memref<1x128xi32, #tpu.memory_space<vmem>> -> memref<128xi32, #tpu.memory_space<vmem>>
      %dma_wait3A_275 = arith.constant 0 : i32
      %dma_wait3A_276 = arith.constant 0 : i32
      %dma_wait3A_277 = tpu.memref_slice %arg3[%dma_wait3A_275, %dma_wait3A_276] : memref<1000448x32xf32, #tpu.memory_space<hbm>> -> memref<1000448x32xf32, #tpu.memory_space<hbm>>
      tpu.wait_indirect_dma semaphore(%arg7 : memref<!tpu.dma_semaphore, #tpu.memory_space<semaphore_mem>>) src(%dma_wait3A_277 : memref<1000448x32xf32, #tpu.memory_space<hbm>>) dst(%dma_wait3A_271 : memref<128x32xf32, #tpu.memory_space<vmem>>)
      %dma_wait3A_278 = arith.constant 128 : i32
      %dma_wait3A_279 = arith.constant 0 : i32
      %dma_wait3A_280 = tpu.memref_slice %arg6[%dma_wait3A_278, %dma_wait3A_279] : memref<2560x32xf32, #tpu.memory_space<vmem>> -> memref<128x32xf32, #tpu.memory_space<vmem>>
      %dma_wait3A_281 = arith.constant 0 : i32
      %dma_wait3A_282 = tpu.memref_slice %arg5[%add3A_26, %dma_wait3A_281] : memref<200x128xi32, #tpu.memory_space<vmem>> -> memref<1x128xi32, #tpu.memory_space<vmem>>
      %dma_wait3A_283 = tpu.memref_squeeze %dma_wait3A_282 : memref<1x128xi32, #tpu.memory_space<vmem>> -> memref<128xi32, #tpu.memory_space<vmem>>
      %dma_wait3A_284 = arith.constant 0 : i32
      %dma_wait3A_285 = arith.constant 0 : i32
      %dma_wait3A_286 = tpu.memref_slice %arg3[%dma_wait3A_284, %dma_wait3A_285] : memref<1000448x32xf32, #tpu.memory_space<hbm>> -> memref<1000448x32xf32, #tpu.memory_space<hbm>>
      tpu.wait_indirect_dma semaphore(%arg7 : memref<!tpu.dma_semaphore, #tpu.memory_space<semaphore_mem>>) src(%dma_wait3A_286 : memref<1000448x32xf32, #tpu.memory_space<hbm>>) dst(%dma_wait3A_280 : memref<128x32xf32, #tpu.memory_space<vmem>>)
      %dma_wait3A_287 = arith.constant 256 : i32
      %dma_wait3A_288 = arith.constant 0 : i32
      %dma_wait3A_289 = tpu.memref_slice %arg6[%dma_wait3A_287, %dma_wait3A_288] : memref<2560x32xf32, #tpu.memory_space<vmem>> -> memref<128x32xf32, #tpu.memory_space<vmem>>
      %dma_wait3A_290 = arith.constant 0 : i32
      %dma_wait3A_291 = tpu.memref_slice %arg5[%add3A_39, %dma_wait3A_290] : memref<200x128xi32, #tpu.memory_space<vmem>> -> memref<1x128xi32, #tpu.memory_space<vmem>>
      %dma_wait3A_292 = tpu.memref_squeeze %dma_wait3A_291 : memref<1x128xi32, #tpu.memory_space<vmem>> -> memref<128xi32, #tpu.memory_space<vmem>>
      %dma_wait3A_293 = arith.constant 0 : i32
      %dma_wait3A_294 = arith.constant 0 : i32
      %dma_wait3A_295 = tpu.memref_slice %arg3[%dma_wait3A_293, %dma_wait3A_294] : memref<1000448x32xf32, #tpu.memory_space<hbm>> -> memref<1000448x32xf32, #tpu.memory_space<hbm>>
      tpu.wait_indirect_dma semaphore(%arg7 : memref<!tpu.dma_semaphore, #tpu.memory_space<semaphore_mem>>) src(%dma_wait3A_295 : memref<1000448x32xf32, #tpu.memory_space<hbm>>) dst(%dma_wait3A_289 : memref<128x32xf32, #tpu.memory_space<vmem>>)
      %dma_wait3A_296 = arith.constant 384 : i32
      %dma_wait3A_297 = arith.constant 0 : i32
      %dma_wait3A_298 = tpu.memref_slice %arg6[%dma_wait3A_296, %dma_wait3A_297] : memref<2560x32xf32, #tpu.memory_space<vmem>> -> memref<128x32xf32, #tpu.memory_space<vmem>>
      %dma_wait3A_299 = arith.constant 0 : i32
      %dma_wait3A_300 = tpu.memref_slice %arg5[%add3A_52, %dma_wait3A_299] : memref<200x128xi32, #tpu.memory_space<vmem>> -> memref<1x128xi32, #tpu.memory_space<vmem>>
      %dma_wait3A_301 = tpu.memref_squeeze %dma_wait3A_300 : memref<1x128xi32, #tpu.memory_space<vmem>> -> memref<128xi32, #tpu.memory_space<vmem>>
      %dma_wait3A_302 = arith.constant 0 : i32
      %dma_wait3A_303 = arith.constant 0 : i32
      %dma_wait3A_304 = tpu.memref_slice %arg3[%dma_wait3A_302, %dma_wait3A_303] : memref<1000448x32xf32, #tpu.memory_space<hbm>> -> memref<1000448x32xf32, #tpu.memory_space<hbm>>
      tpu.wait_indirect_dma semaphore(%arg7 : memref<!tpu.dma_semaphore, #tpu.memory_space<semaphore_mem>>) src(%dma_wait3A_304 : memref<1000448x32xf32, #tpu.memory_space<hbm>>) dst(%dma_wait3A_298 : memref<128x32xf32, #tpu.memory_space<vmem>>)
      %dma_wait3A_305 = arith.constant 512 : i32
      %dma_wait3A_306 = arith.constant 0 : i32
      %dma_wait3A_307 = tpu.memref_slice %arg6[%dma_wait3A_305, %dma_wait3A_306] : memref<2560x32xf32, #tpu.memory_space<vmem>> -> memref<128x32xf32, #tpu.memory_space<vmem>>
      %dma_wait3A_308 = arith.constant 0 : i32
      %dma_wait3A_309 = tpu.memref_slice %arg5[%add3A_65, %dma_wait3A_308] : memref<200x128xi32, #tpu.memory_space<vmem>> -> memref<1x128xi32, #tpu.memory_space<vmem>>
      %dma_wait3A_310 = tpu.memref_squeeze %dma_wait3A_309 : memref<1x128xi32, #tpu.memory_space<vmem>> -> memref<128xi32, #tpu.memory_space<vmem>>
      %dma_wait3A_311 = arith.constant 0 : i32
      %dma_wait3A_312 = arith.constant 0 : i32
      %dma_wait3A_313 = tpu.memref_slice %arg3[%dma_wait3A_311, %dma_wait3A_312] : memref<1000448x32xf32, #tpu.memory_space<hbm>> -> memref<1000448x32xf32, #tpu.memory_space<hbm>>
      tpu.wait_indirect_dma semaphore(%arg7 : memref<!tpu.dma_semaphore, #tpu.memory_space<semaphore_mem>>) src(%dma_wait3A_313 : memref<1000448x32xf32, #tpu.memory_space<hbm>>) dst(%dma_wait3A_307 : memref<128x32xf32, #tpu.memory_space<vmem>>)
      %dma_wait3A_314 = arith.constant 640 : i32
      %dma_wait3A_315 = arith.constant 0 : i32
      %dma_wait3A_316 = tpu.memref_slice %arg6[%dma_wait3A_314, %dma_wait3A_315] : memref<2560x32xf32, #tpu.memory_space<vmem>> -> memref<128x32xf32, #tpu.memory_space<vmem>>
      %dma_wait3A_317 = arith.constant 0 : i32
      %dma_wait3A_318 = tpu.memref_slice %arg5[%add3A_78, %dma_wait3A_317] : memref<200x128xi32, #tpu.memory_space<vmem>> -> memref<1x128xi32, #tpu.memory_space<vmem>>
      %dma_wait3A_319 = tpu.memref_squeeze %dma_wait3A_318 : memref<1x128xi32, #tpu.memory_space<vmem>> -> memref<128xi32, #tpu.memory_space<vmem>>
      %dma_wait3A_320 = arith.constant 0 : i32
      %dma_wait3A_321 = arith.constant 0 : i32
      %dma_wait3A_322 = tpu.memref_slice %arg3[%dma_wait3A_320, %dma_wait3A_321] : memref<1000448x32xf32, #tpu.memory_space<hbm>> -> memref<1000448x32xf32, #tpu.memory_space<hbm>>
      tpu.wait_indirect_dma semaphore(%arg7 : memref<!tpu.dma_semaphore, #tpu.memory_space<semaphore_mem>>) src(%dma_wait3A_322 : memref<1000448x32xf32, #tpu.memory_space<hbm>>) dst(%dma_wait3A_316 : memref<128x32xf32, #tpu.memory_space<vmem>>)
      %dma_wait3A_323 = arith.constant 768 : i32
      %dma_wait3A_324 = arith.constant 0 : i32
      %dma_wait3A_325 = tpu.memref_slice %arg6[%dma_wait3A_323, %dma_wait3A_324] : memref<2560x32xf32, #tpu.memory_space<vmem>> -> memref<128x32xf32, #tpu.memory_space<vmem>>
      %dma_wait3A_326 = arith.constant 0 : i32
      %dma_wait3A_327 = tpu.memref_slice %arg5[%add3A_91, %dma_wait3A_326] : memref<200x128xi32, #tpu.memory_space<vmem>> -> memref<1x128xi32, #tpu.memory_space<vmem>>
      %dma_wait3A_328 = tpu.memref_squeeze %dma_wait3A_327 : memref<1x128xi32, #tpu.memory_space<vmem>> -> memref<128xi32, #tpu.memory_space<vmem>>
      %dma_wait3A_329 = arith.constant 0 : i32
      %dma_wait3A_330 = arith.constant 0 : i32
      %dma_wait3A_331 = tpu.memref_slice %arg3[%dma_wait3A_329, %dma_wait3A_330] : memref<1000448x32xf32, #tpu.memory_space<hbm>> -> memref<1000448x32xf32, #tpu.memory_space<hbm>>
      tpu.wait_indirect_dma semaphore(%arg7 : memref<!tpu.dma_semaphore, #tpu.memory_space<semaphore_mem>>) src(%dma_wait3A_331 : memref<1000448x32xf32, #tpu.memory_space<hbm>>) dst(%dma_wait3A_325 : memref<128x32xf32, #tpu.memory_space<vmem>>)
      %dma_wait3A_332 = arith.constant 896 : i32
      %dma_wait3A_333 = arith.constant 0 : i32
      %dma_wait3A_334 = tpu.memref_slice %arg6[%dma_wait3A_332, %dma_wait3A_333] : memref<2560x32xf32, #tpu.memory_space<vmem>> -> memref<128x32xf32, #tpu.memory_space<vmem>>
      %dma_wait3A_335 = arith.constant 0 : i32
      %dma_wait3A_336 = tpu.memref_slice %arg5[%add3A_104, %dma_wait3A_335] : memref<200x128xi32, #tpu.memory_space<vmem>> -> memref<1x128xi32, #tpu.memory_space<vmem>>
      %dma_wait3A_337 = tpu.memref_squeeze %dma_wait3A_336 : memref<1x128xi32, #tpu.memory_space<vmem>> -> memref<128xi32, #tpu.memory_space<vmem>>
      %dma_wait3A_338 = arith.constant 0 : i32
      %dma_wait3A_339 = arith.constant 0 : i32
      %dma_wait3A_340 = tpu.memref_slice %arg3[%dma_wait3A_338, %dma_wait3A_339] : memref<1000448x32xf32, #tpu.memory_space<hbm>> -> memref<1000448x32xf32, #tpu.memory_space<hbm>>
      tpu.wait_indirect_dma semaphore(%arg7 : memref<!tpu.dma_semaphore, #tpu.memory_space<semaphore_mem>>) src(%dma_wait3A_340 : memref<1000448x32xf32, #tpu.memory_space<hbm>>) dst(%dma_wait3A_334 : memref<128x32xf32, #tpu.memory_space<vmem>>)
      %dma_wait3A_341 = arith.constant 1024 : i32
      %dma_wait3A_342 = arith.constant 0 : i32
      %dma_wait3A_343 = tpu.memref_slice %arg6[%dma_wait3A_341, %dma_wait3A_342] : memref<2560x32xf32, #tpu.memory_space<vmem>> -> memref<128x32xf32, #tpu.memory_space<vmem>>
      %dma_wait3A_344 = arith.constant 0 : i32
      %dma_wait3A_345 = tpu.memref_slice %arg5[%add3A_117, %dma_wait3A_344] : memref<200x128xi32, #tpu.memory_space<vmem>> -> memref<1x128xi32, #tpu.memory_space<vmem>>
      %dma_wait3A_346 = tpu.memref_squeeze %dma_wait3A_345 : memref<1x128xi32, #tpu.memory_space<vmem>> -> memref<128xi32, #tpu.memory_space<vmem>>
      %dma_wait3A_347 = arith.constant 0 : i32
      %dma_wait3A_348 = arith.constant 0 : i32
      %dma_wait3A_349 = tpu.memref_slice %arg3[%dma_wait3A_347, %dma_wait3A_348] : memref<1000448x32xf32, #tpu.memory_space<hbm>> -> memref<1000448x32xf32, #tpu.memory_space<hbm>>
      tpu.wait_indirect_dma semaphore(%arg7 : memref<!tpu.dma_semaphore, #tpu.memory_space<semaphore_mem>>) src(%dma_wait3A_349 : memref<1000448x32xf32, #tpu.memory_space<hbm>>) dst(%dma_wait3A_343 : memref<128x32xf32, #tpu.memory_space<vmem>>)
      %dma_wait3A_350 = arith.constant 1152 : i32
      %dma_wait3A_351 = arith.constant 0 : i32
      %dma_wait3A_352 = tpu.memref_slice %arg6[%dma_wait3A_350, %dma_wait3A_351] : memref<2560x32xf32, #tpu.memory_space<vmem>> -> memref<128x32xf32, #tpu.memory_space<vmem>>
      %dma_wait3A_353 = arith.constant 0 : i32
      %dma_wait3A_354 = tpu.memref_slice %arg5[%add3A_130, %dma_wait3A_353] : memref<200x128xi32, #tpu.memory_space<vmem>> -> memref<1x128xi32, #tpu.memory_space<vmem>>
      %dma_wait3A_355 = tpu.memref_squeeze %dma_wait3A_354 : memref<1x128xi32, #tpu.memory_space<vmem>> -> memref<128xi32, #tpu.memory_space<vmem>>
      %dma_wait3A_356 = arith.constant 0 : i32
      %dma_wait3A_357 = arith.constant 0 : i32
      %dma_wait3A_358 = tpu.memref_slice %arg3[%dma_wait3A_356, %dma_wait3A_357] : memref<1000448x32xf32, #tpu.memory_space<hbm>> -> memref<1000448x32xf32, #tpu.memory_space<hbm>>
      tpu.wait_indirect_dma semaphore(%arg7 : memref<!tpu.dma_semaphore, #tpu.memory_space<semaphore_mem>>) src(%dma_wait3A_358 : memref<1000448x32xf32, #tpu.memory_space<hbm>>) dst(%dma_wait3A_352 : memref<128x32xf32, #tpu.memory_space<vmem>>)
      %dma_wait3A_359 = arith.constant 1280 : i32
      %dma_wait3A_360 = arith.constant 0 : i32
      %dma_wait3A_361 = tpu.memref_slice %arg6[%dma_wait3A_359, %dma_wait3A_360] : memref<2560x32xf32, #tpu.memory_space<vmem>> -> memref<128x32xf32, #tpu.memory_space<vmem>>
      %dma_wait3A_362 = arith.constant 0 : i32
      %dma_wait3A_363 = tpu.memref_slice %arg5[%add3A_143, %dma_wait3A_362] : memref<200x128xi32, #tpu.memory_space<vmem>> -> memref<1x128xi32, #tpu.memory_space<vmem>>
      %dma_wait3A_364 = tpu.memref_squeeze %dma_wait3A_363 : memref<1x128xi32, #tpu.memory_space<vmem>> -> memref<128xi32, #tpu.memory_space<vmem>>
      %dma_wait3A_365 = arith.constant 0 : i32
      %dma_wait3A_366 = arith.constant 0 : i32
      %dma_wait3A_367 = tpu.memref_slice %arg3[%dma_wait3A_365, %dma_wait3A_366] : memref<1000448x32xf32, #tpu.memory_space<hbm>> -> memref<1000448x32xf32, #tpu.memory_space<hbm>>
      tpu.wait_indirect_dma semaphore(%arg7 : memref<!tpu.dma_semaphore, #tpu.memory_space<semaphore_mem>>) src(%dma_wait3A_367 : memref<1000448x32xf32, #tpu.memory_space<hbm>>) dst(%dma_wait3A_361 : memref<128x32xf32, #tpu.memory_space<vmem>>)
      %dma_wait3A_368 = arith.constant 1408 : i32
      %dma_wait3A_369 = arith.constant 0 : i32
      %dma_wait3A_370 = tpu.memref_slice %arg6[%dma_wait3A_368, %dma_wait3A_369] : memref<2560x32xf32, #tpu.memory_space<vmem>> -> memref<128x32xf32, #tpu.memory_space<vmem>>
      %dma_wait3A_371 = arith.constant 0 : i32
      %dma_wait3A_372 = tpu.memref_slice %arg5[%add3A_156, %dma_wait3A_371] : memref<200x128xi32, #tpu.memory_space<vmem>> -> memref<1x128xi32, #tpu.memory_space<vmem>>
      %dma_wait3A_373 = tpu.memref_squeeze %dma_wait3A_372 : memref<1x128xi32, #tpu.memory_space<vmem>> -> memref<128xi32, #tpu.memory_space<vmem>>
      %dma_wait3A_374 = arith.constant 0 : i32
      %dma_wait3A_375 = arith.constant 0 : i32
      %dma_wait3A_376 = tpu.memref_slice %arg3[%dma_wait3A_374, %dma_wait3A_375] : memref<1000448x32xf32, #tpu.memory_space<hbm>> -> memref<1000448x32xf32, #tpu.memory_space<hbm>>
      tpu.wait_indirect_dma semaphore(%arg7 : memref<!tpu.dma_semaphore, #tpu.memory_space<semaphore_mem>>) src(%dma_wait3A_376 : memref<1000448x32xf32, #tpu.memory_space<hbm>>) dst(%dma_wait3A_370 : memref<128x32xf32, #tpu.memory_space<vmem>>)
      %dma_wait3A_377 = arith.constant 1536 : i32
      %dma_wait3A_378 = arith.constant 0 : i32
      %dma_wait3A_379 = tpu.memref_slice %arg6[%dma_wait3A_377, %dma_wait3A_378] : memref<2560x32xf32, #tpu.memory_space<vmem>> -> memref<128x32xf32, #tpu.memory_space<vmem>>
      %dma_wait3A_380 = arith.constant 0 : i32
      %dma_wait3A_381 = tpu.memref_slice %arg5[%add3A_169, %dma_wait3A_380] : memref<200x128xi32, #tpu.memory_space<vmem>> -> memref<1x128xi32, #tpu.memory_space<vmem>>
      %dma_wait3A_382 = tpu.memref_squeeze %dma_wait3A_381 : memref<1x128xi32, #tpu.memory_space<vmem>> -> memref<128xi32, #tpu.memory_space<vmem>>
      %dma_wait3A_383 = arith.constant 0 : i32
      %dma_wait3A_384 = arith.constant 0 : i32
      %dma_wait3A_385 = tpu.memref_slice %arg3[%dma_wait3A_383, %dma_wait3A_384] : memref<1000448x32xf32, #tpu.memory_space<hbm>> -> memref<1000448x32xf32, #tpu.memory_space<hbm>>
      tpu.wait_indirect_dma semaphore(%arg7 : memref<!tpu.dma_semaphore, #tpu.memory_space<semaphore_mem>>) src(%dma_wait3A_385 : memref<1000448x32xf32, #tpu.memory_space<hbm>>) dst(%dma_wait3A_379 : memref<128x32xf32, #tpu.memory_space<vmem>>)
      %dma_wait3A_386 = arith.constant 1664 : i32
      %dma_wait3A_387 = arith.constant 0 : i32
      %dma_wait3A_388 = tpu.memref_slice %arg6[%dma_wait3A_386, %dma_wait3A_387] : memref<2560x32xf32, #tpu.memory_space<vmem>> -> memref<128x32xf32, #tpu.memory_space<vmem>>
      %dma_wait3A_389 = arith.constant 0 : i32
      %dma_wait3A_390 = tpu.memref_slice %arg5[%add3A_182, %dma_wait3A_389] : memref<200x128xi32, #tpu.memory_space<vmem>> -> memref<1x128xi32, #tpu.memory_space<vmem>>
      %dma_wait3A_391 = tpu.memref_squeeze %dma_wait3A_390 : memref<1x128xi32, #tpu.memory_space<vmem>> -> memref<128xi32, #tpu.memory_space<vmem>>
      %dma_wait3A_392 = arith.constant 0 : i32
      %dma_wait3A_393 = arith.constant 0 : i32
      %dma_wait3A_394 = tpu.memref_slice %arg3[%dma_wait3A_392, %dma_wait3A_393] : memref<1000448x32xf32, #tpu.memory_space<hbm>> -> memref<1000448x32xf32, #tpu.memory_space<hbm>>
      tpu.wait_indirect_dma semaphore(%arg7 : memref<!tpu.dma_semaphore, #tpu.memory_space<semaphore_mem>>) src(%dma_wait3A_394 : memref<1000448x32xf32, #tpu.memory_space<hbm>>) dst(%dma_wait3A_388 : memref<128x32xf32, #tpu.memory_space<vmem>>)
      %dma_wait3A_395 = arith.constant 1792 : i32
      %dma_wait3A_396 = arith.constant 0 : i32
      %dma_wait3A_397 = tpu.memref_slice %arg6[%dma_wait3A_395, %dma_wait3A_396] : memref<2560x32xf32, #tpu.memory_space<vmem>> -> memref<128x32xf32, #tpu.memory_space<vmem>>
      %dma_wait3A_398 = arith.constant 0 : i32
      %dma_wait3A_399 = tpu.memref_slice %arg5[%add3A_195, %dma_wait3A_398] : memref<200x128xi32, #tpu.memory_space<vmem>> -> memref<1x128xi32, #tpu.memory_space<vmem>>
      %dma_wait3A_400 = tpu.memref_squeeze %dma_wait3A_399 : memref<1x128xi32, #tpu.memory_space<vmem>> -> memref<128xi32, #tpu.memory_space<vmem>>
      %dma_wait3A_401 = arith.constant 0 : i32
      %dma_wait3A_402 = arith.constant 0 : i32
      %dma_wait3A_403 = tpu.memref_slice %arg3[%dma_wait3A_401, %dma_wait3A_402] : memref<1000448x32xf32, #tpu.memory_space<hbm>> -> memref<1000448x32xf32, #tpu.memory_space<hbm>>
      tpu.wait_indirect_dma semaphore(%arg7 : memref<!tpu.dma_semaphore, #tpu.memory_space<semaphore_mem>>) src(%dma_wait3A_403 : memref<1000448x32xf32, #tpu.memory_space<hbm>>) dst(%dma_wait3A_397 : memref<128x32xf32, #tpu.memory_space<vmem>>)
      %dma_wait3A_404 = arith.constant 1920 : i32
      %dma_wait3A_405 = arith.constant 0 : i32
      %dma_wait3A_406 = tpu.memref_slice %arg6[%dma_wait3A_404, %dma_wait3A_405] : memref<2560x32xf32, #tpu.memory_space<vmem>> -> memref<128x32xf32, #tpu.memory_space<vmem>>
      %dma_wait3A_407 = arith.constant 0 : i32
      %dma_wait3A_408 = tpu.memref_slice %arg5[%add3A_208, %dma_wait3A_407] : memref<200x128xi32, #tpu.memory_space<vmem>> -> memref<1x128xi32, #tpu.memory_space<vmem>>
      %dma_wait3A_409 = tpu.memref_squeeze %dma_wait3A_408 : memref<1x128xi32, #tpu.memory_space<vmem>> -> memref<128xi32, #tpu.memory_space<vmem>>
      %dma_wait3A_410 = arith.constant 0 : i32
      %dma_wait3A_411 = arith.constant 0 : i32
      %dma_wait3A_412 = tpu.memref_slice %arg3[%dma_wait3A_410, %dma_wait3A_411] : memref<1000448x32xf32, #tpu.memory_space<hbm>> -> memref<1000448x32xf32, #tpu.memory_space<hbm>>
      tpu.wait_indirect_dma semaphore(%arg7 : memref<!tpu.dma_semaphore, #tpu.memory_space<semaphore_mem>>) src(%dma_wait3A_412 : memref<1000448x32xf32, #tpu.memory_space<hbm>>) dst(%dma_wait3A_406 : memref<128x32xf32, #tpu.memory_space<vmem>>)
      %dma_wait3A_413 = arith.constant 2048 : i32
      %dma_wait3A_414 = arith.constant 0 : i32
      %dma_wait3A_415 = tpu.memref_slice %arg6[%dma_wait3A_413, %dma_wait3A_414] : memref<2560x32xf32, #tpu.memory_space<vmem>> -> memref<128x32xf32, #tpu.memory_space<vmem>>
      %dma_wait3A_416 = arith.constant 0 : i32
      %dma_wait3A_417 = tpu.memref_slice %arg5[%add3A_221, %dma_wait3A_416] : memref<200x128xi32, #tpu.memory_space<vmem>> -> memref<1x128xi32, #tpu.memory_space<vmem>>
      %dma_wait3A_418 = tpu.memref_squeeze %dma_wait3A_417 : memref<1x128xi32, #tpu.memory_space<vmem>> -> memref<128xi32, #tpu.memory_space<vmem>>
      %dma_wait3A_419 = arith.constant 0 : i32
      %dma_wait3A_420 = arith.constant 0 : i32
      %dma_wait3A_421 = tpu.memref_slice %arg3[%dma_wait3A_419, %dma_wait3A_420] : memref<1000448x32xf32, #tpu.memory_space<hbm>> -> memref<1000448x32xf32, #tpu.memory_space<hbm>>
      tpu.wait_indirect_dma semaphore(%arg7 : memref<!tpu.dma_semaphore, #tpu.memory_space<semaphore_mem>>) src(%dma_wait3A_421 : memref<1000448x32xf32, #tpu.memory_space<hbm>>) dst(%dma_wait3A_415 : memref<128x32xf32, #tpu.memory_space<vmem>>)
      %dma_wait3A_422 = arith.constant 2176 : i32
      %dma_wait3A_423 = arith.constant 0 : i32
      %dma_wait3A_424 = tpu.memref_slice %arg6[%dma_wait3A_422, %dma_wait3A_423] : memref<2560x32xf32, #tpu.memory_space<vmem>> -> memref<128x32xf32, #tpu.memory_space<vmem>>
      %dma_wait3A_425 = arith.constant 0 : i32
      %dma_wait3A_426 = tpu.memref_slice %arg5[%add3A_234, %dma_wait3A_425] : memref<200x128xi32, #tpu.memory_space<vmem>> -> memref<1x128xi32, #tpu.memory_space<vmem>>
      %dma_wait3A_427 = tpu.memref_squeeze %dma_wait3A_426 : memref<1x128xi32, #tpu.memory_space<vmem>> -> memref<128xi32, #tpu.memory_space<vmem>>
      %dma_wait3A_428 = arith.constant 0 : i32
      %dma_wait3A_429 = arith.constant 0 : i32
      %dma_wait3A_430 = tpu.memref_slice %arg3[%dma_wait3A_428, %dma_wait3A_429] : memref<1000448x32xf32, #tpu.memory_space<hbm>> -> memref<1000448x32xf32, #tpu.memory_space<hbm>>
      tpu.wait_indirect_dma semaphore(%arg7 : memref<!tpu.dma_semaphore, #tpu.memory_space<semaphore_mem>>) src(%dma_wait3A_430 : memref<1000448x32xf32, #tpu.memory_space<hbm>>) dst(%dma_wait3A_424 : memref<128x32xf32, #tpu.memory_space<vmem>>)
      %dma_wait3A_431 = arith.constant 2304 : i32
      %dma_wait3A_432 = arith.constant 0 : i32
      %dma_wait3A_433 = tpu.memref_slice %arg6[%dma_wait3A_431, %dma_wait3A_432] : memref<2560x32xf32, #tpu.memory_space<vmem>> -> memref<128x32xf32, #tpu.memory_space<vmem>>
      %dma_wait3A_434 = arith.constant 0 : i32
      %dma_wait3A_435 = tpu.memref_slice %arg5[%add3A_247, %dma_wait3A_434] : memref<200x128xi32, #tpu.memory_space<vmem>> -> memref<1x128xi32, #tpu.memory_space<vmem>>
      %dma_wait3A_436 = tpu.memref_squeeze %dma_wait3A_435 : memref<1x128xi32, #tpu.memory_space<vmem>> -> memref<128xi32, #tpu.memory_space<vmem>>
      %dma_wait3A_437 = arith.constant 0 : i32
      %dma_wait3A_438 = arith.constant 0 : i32
      %dma_wait3A_439 = tpu.memref_slice %arg3[%dma_wait3A_437, %dma_wait3A_438] : memref<1000448x32xf32, #tpu.memory_space<hbm>> -> memref<1000448x32xf32, #tpu.memory_space<hbm>>
      tpu.wait_indirect_dma semaphore(%arg7 : memref<!tpu.dma_semaphore, #tpu.memory_space<semaphore_mem>>) src(%dma_wait3A_439 : memref<1000448x32xf32, #tpu.memory_space<hbm>>) dst(%dma_wait3A_433 : memref<128x32xf32, #tpu.memory_space<vmem>>)
      %dma_wait3A_440 = arith.constant 2432 : i32
      %dma_wait3A_441 = arith.constant 0 : i32
      %dma_wait3A_442 = tpu.memref_slice %arg6[%dma_wait3A_440, %dma_wait3A_441] : memref<2560x32xf32, #tpu.memory_space<vmem>> -> memref<128x32xf32, #tpu.memory_space<vmem>>
      %dma_wait3A_443 = arith.constant 0 : i32
      %dma_wait3A_444 = tpu.memref_slice %arg5[%add3A_260, %dma_wait3A_443] : memref<200x128xi32, #tpu.memory_space<vmem>> -> memref<1x128xi32, #tpu.memory_space<vmem>>
      %dma_wait3A_445 = tpu.memref_squeeze %dma_wait3A_444 : memref<1x128xi32, #tpu.memory_space<vmem>> -> memref<128xi32, #tpu.memory_space<vmem>>
      %dma_wait3A_446 = arith.constant 0 : i32
      %dma_wait3A_447 = arith.constant 0 : i32
      %dma_wait3A_448 = tpu.memref_slice %arg3[%dma_wait3A_446, %dma_wait3A_447] : memref<1000448x32xf32, #tpu.memory_space<hbm>> -> memref<1000448x32xf32, #tpu.memory_space<hbm>>
      tpu.wait_indirect_dma semaphore(%arg7 : memref<!tpu.dma_semaphore, #tpu.memory_space<semaphore_mem>>) src(%dma_wait3A_448 : memref<1000448x32xf32, #tpu.memory_space<hbm>>) dst(%dma_wait3A_442 : memref<128x32xf32, #tpu.memory_space<vmem>>)
      %mul3A_449 = arith.constant 2560 : i32
      %mul3A_450 = arith.muli %scan3A_10, %mul3A_449 : i32
      %add3A_451 = arith.addi %mul3A_2, %mul3A_450 : i32
      "tpu.region"() ({
        %run_scoped3A = tpu.sem_alloc : memref<!tpu.dma_semaphore, #tpu.memory_space<semaphore_mem>>
        %dma_start3A_452 = arith.constant 0 : i32
        %dma_start3A_453 = tpu.memref_slice %arg4[%add3A_451, %dma_start3A_452] : memref<819200x32xf32, #tpu.memory_space<hbm>> -> memref<2560x32xf32, #tpu.memory_space<hbm>>
        %dma_start3A_454 = arith.constant 0 : i32
        %dma_start3A_455 = tpu.memref_slice %arg4[%add3A_451, %dma_start3A_454] : memref<819200x32xf32, #tpu.memory_space<hbm>> -> memref<2560x32xf32, #tpu.memory_space<hbm>>
        tpu.enqueue_dma source(%arg6 : memref<2560x32xf32, #tpu.memory_space<vmem>>) target(%dma_start3A_455 : memref<2560x32xf32, #tpu.memory_space<hbm>>) target_semaphore(%run_scoped3A : memref<!tpu.dma_semaphore, #tpu.memory_space<semaphore_mem>>)
        %dma_wait3A_456 = arith.constant 0 : i32
        %dma_wait3A_457 = tpu.memref_slice %arg4[%add3A_451, %dma_wait3A_456] : memref<819200x32xf32, #tpu.memory_space<hbm>> -> memref<2560x32xf32, #tpu.memory_space<hbm>>
        %dma_wait3A_458 = arith.constant 0 : i32
        %dma_wait3A_459 = tpu.memref_slice %arg4[%add3A_451, %dma_wait3A_458] : memref<819200x32xf32, #tpu.memory_space<hbm>> -> memref<2560x32xf32, #tpu.memory_space<hbm>>
        tpu.wait_dma2 semaphore(%run_scoped3A : memref<!tpu.dma_semaphore, #tpu.memory_space<semaphore_mem>>) src(%arg6 : memref<2560x32xf32, #tpu.memory_space<vmem>>) dst(%dma_wait3A_459 : memref<2560x32xf32, #tpu.memory_space<hbm>>)
        tpu.yield
      }) : () -> ()
    }
    %scan3A_9 = arith.constant 10 : i32
    return
  }
}

module attributes {stable_mosaic.version = 14 : i64} {
  func.func @body(%arg0: i32, %arg1: memref<32x4096xf32, #tpu.memory_space<vmem>>, %arg2: memref<32x32xf32, #tpu.memory_space<vmem>>, %arg3: memref<1024x128xf32, #tpu.memory_space<vmem>>) attributes {dimension_semantics = [#tpu.dimension_semantics<arbitrary>], iteration_bounds = array<i64: 245>, scalar_prefetch = 0 : i64, scratch_operands = 0 : i64, tpu.core_type = #tpu.core_type<tc>, window_params = [{transform_indices = @transform_0, window_bounds = array<i64: 32, 4096>}, {pipeline_mode = #tpu.pipeline_mode<synchronous>, transform_indices = @transform_1, window_bounds = array<i64: 32, 32>}, {transform_indices = @transform_2, window_bounds = array<i64: 1024, 128>}]} {
    %get3A = arith.constant 0 : index
    %get3A_0 = arith.constant 0 : index
    %get3A_1 = vector.load %arg1[%get3A, %get3A_0] : memref<32x4096xf32, #tpu.memory_space<vmem>>, vector<32x4096xf32>
    %transpose3A = tpu.transpose %get3A_1, [1, 0] : vector<32x4096xf32> -> vector<4096x32xf32>
    %slice3A = vector.extract_strided_slice %transpose3A {offsets = [0, 0], sizes = [128, 32], strides = [1, 1]} : vector<4096x32xf32> to vector<128x32xf32>
    %slice3A_2 = vector.extract_strided_slice %transpose3A {offsets = [128, 0], sizes = [128, 32], strides = [1, 1]} : vector<4096x32xf32> to vector<128x32xf32>
    %slice3A_3 = vector.extract_strided_slice %transpose3A {offsets = [256, 0], sizes = [128, 32], strides = [1, 1]} : vector<4096x32xf32> to vector<128x32xf32>
    %slice3A_4 = vector.extract_strided_slice %transpose3A {offsets = [384, 0], sizes = [128, 32], strides = [1, 1]} : vector<4096x32xf32> to vector<128x32xf32>
    %concatenate3A = tpu.concatenate %slice3A, %slice3A_2, %slice3A_3, %slice3A_4 in 1 : vector<128x32xf32>, vector<128x32xf32>, vector<128x32xf32>, vector<128x32xf32> -> vector<128x128xf32>
    %swap3A = arith.constant 0 : index
    %swap3A_5 = arith.constant 0 : index
    %swap3A_6 = vector.load %arg3[%swap3A, %swap3A_5] : memref<1024x128xf32, #tpu.memory_space<vmem>>, vector<128x128xf32>
    tpu.vector_store %arg3[%swap3A, %swap3A_5], %concatenate3A {strides = array<i32>} : memref<1024x128xf32, #tpu.memory_space<vmem>>, vector<128x128xf32>,
    %slice3A_7 = vector.extract_strided_slice %transpose3A {offsets = [512, 0], sizes = [128, 32], strides = [1, 1]} : vector<4096x32xf32> to vector<128x32xf32>
    %slice3A_8 = vector.extract_strided_slice %transpose3A {offsets = [640, 0], sizes = [128, 32], strides = [1, 1]} : vector<4096x32xf32> to vector<128x32xf32>
    %slice3A_9 = vector.extract_strided_slice %transpose3A {offsets = [768, 0], sizes = [128, 32], strides = [1, 1]} : vector<4096x32xf32> to vector<128x32xf32>
    %slice3A_10 = vector.extract_strided_slice %transpose3A {offsets = [896, 0], sizes = [128, 32], strides = [1, 1]} : vector<4096x32xf32> to vector<128x32xf32>
    %concatenate3A_11 = tpu.concatenate %slice3A_7, %slice3A_8, %slice3A_9, %slice3A_10 in 1 : vector<128x32xf32>, vector<128x32xf32>, vector<128x32xf32>, vector<128x32xf32> -> vector<128x128xf32>
    %swap3A_12 = arith.constant 128 : index
    %swap3A_13 = arith.constant 0 : index
    %swap3A_14 = vector.load %arg3[%swap3A_12, %swap3A_13] : memref<1024x128xf32, #tpu.memory_space<vmem>>, vector<128x128xf32>
    tpu.vector_store %arg3[%swap3A_12, %swap3A_13], %concatenate3A_11 {strides = array<i32>} : memref<1024x128xf32, #tpu.memory_space<vmem>>, vector<128x128xf32>,
    %slice3A_15 = vector.extract_strided_slice %transpose3A {offsets = [1024, 0], sizes = [128, 32], strides = [1, 1]} : vector<4096x32xf32> to vector<128x32xf32>
    %slice3A_16 = vector.extract_strided_slice %transpose3A {offsets = [1152, 0], sizes = [128, 32], strides = [1, 1]} : vector<4096x32xf32> to vector<128x32xf32>
    %slice3A_17 = vector.extract_strided_slice %transpose3A {offsets = [1280, 0], sizes = [128, 32], strides = [1, 1]} : vector<4096x32xf32> to vector<128x32xf32>
    %slice3A_18 = vector.extract_strided_slice %transpose3A {offsets = [1408, 0], sizes = [128, 32], strides = [1, 1]} : vector<4096x32xf32> to vector<128x32xf32>
    %concatenate3A_19 = tpu.concatenate %slice3A_15, %slice3A_16, %slice3A_17, %slice3A_18 in 1 : vector<128x32xf32>, vector<128x32xf32>, vector<128x32xf32>, vector<128x32xf32> -> vector<128x128xf32>
    %swap3A_20 = arith.constant 256 : index
    %swap3A_21 = arith.constant 0 : index
    %swap3A_22 = vector.load %arg3[%swap3A_20, %swap3A_21] : memref<1024x128xf32, #tpu.memory_space<vmem>>, vector<128x128xf32>
    tpu.vector_store %arg3[%swap3A_20, %swap3A_21], %concatenate3A_19 {strides = array<i32>} : memref<1024x128xf32, #tpu.memory_space<vmem>>, vector<128x128xf32>,
    %slice3A_23 = vector.extract_strided_slice %transpose3A {offsets = [1536, 0], sizes = [128, 32], strides = [1, 1]} : vector<4096x32xf32> to vector<128x32xf32>
    %slice3A_24 = vector.extract_strided_slice %transpose3A {offsets = [1664, 0], sizes = [128, 32], strides = [1, 1]} : vector<4096x32xf32> to vector<128x32xf32>
    %slice3A_25 = vector.extract_strided_slice %transpose3A {offsets = [1792, 0], sizes = [128, 32], strides = [1, 1]} : vector<4096x32xf32> to vector<128x32xf32>
    %slice3A_26 = vector.extract_strided_slice %transpose3A {offsets = [1920, 0], sizes = [128, 32], strides = [1, 1]} : vector<4096x32xf32> to vector<128x32xf32>
    %concatenate3A_27 = tpu.concatenate %slice3A_23, %slice3A_24, %slice3A_25, %slice3A_26 in 1 : vector<128x32xf32>, vector<128x32xf32>, vector<128x32xf32>, vector<128x32xf32> -> vector<128x128xf32>
    %swap3A_28 = arith.constant 384 : index
    %swap3A_29 = arith.constant 0 : index
    %swap3A_30 = vector.load %arg3[%swap3A_28, %swap3A_29] : memref<1024x128xf32, #tpu.memory_space<vmem>>, vector<128x128xf32>
    tpu.vector_store %arg3[%swap3A_28, %swap3A_29], %concatenate3A_27 {strides = array<i32>} : memref<1024x128xf32, #tpu.memory_space<vmem>>, vector<128x128xf32>,
    %slice3A_31 = vector.extract_strided_slice %transpose3A {offsets = [2048, 0], sizes = [128, 32], strides = [1, 1]} : vector<4096x32xf32> to vector<128x32xf32>
    %slice3A_32 = vector.extract_strided_slice %transpose3A {offsets = [2176, 0], sizes = [128, 32], strides = [1, 1]} : vector<4096x32xf32> to vector<128x32xf32>
    %slice3A_33 = vector.extract_strided_slice %transpose3A {offsets = [2304, 0], sizes = [128, 32], strides = [1, 1]} : vector<4096x32xf32> to vector<128x32xf32>
    %slice3A_34 = vector.extract_strided_slice %transpose3A {offsets = [2432, 0], sizes = [128, 32], strides = [1, 1]} : vector<4096x32xf32> to vector<128x32xf32>
    %concatenate3A_35 = tpu.concatenate %slice3A_31, %slice3A_32, %slice3A_33, %slice3A_34 in 1 : vector<128x32xf32>, vector<128x32xf32>, vector<128x32xf32>, vector<128x32xf32> -> vector<128x128xf32>
    %swap3A_36 = arith.constant 512 : index
    %swap3A_37 = arith.constant 0 : index
    %swap3A_38 = vector.load %arg3[%swap3A_36, %swap3A_37] : memref<1024x128xf32, #tpu.memory_space<vmem>>, vector<128x128xf32>
    tpu.vector_store %arg3[%swap3A_36, %swap3A_37], %concatenate3A_35 {strides = array<i32>} : memref<1024x128xf32, #tpu.memory_space<vmem>>, vector<128x128xf32>,
    %slice3A_39 = vector.extract_strided_slice %transpose3A {offsets = [2560, 0], sizes = [128, 32], strides = [1, 1]} : vector<4096x32xf32> to vector<128x32xf32>
    %slice3A_40 = vector.extract_strided_slice %transpose3A {offsets = [2688, 0], sizes = [128, 32], strides = [1, 1]} : vector<4096x32xf32> to vector<128x32xf32>
    %slice3A_41 = vector.extract_strided_slice %transpose3A {offsets = [2816, 0], sizes = [128, 32], strides = [1, 1]} : vector<4096x32xf32> to vector<128x32xf32>
    %slice3A_42 = vector.extract_strided_slice %transpose3A {offsets = [2944, 0], sizes = [128, 32], strides = [1, 1]} : vector<4096x32xf32> to vector<128x32xf32>
    %concatenate3A_43 = tpu.concatenate %slice3A_39, %slice3A_40, %slice3A_41, %slice3A_42 in 1 : vector<128x32xf32>, vector<128x32xf32>, vector<128x32xf32>, vector<128x32xf32> -> vector<128x128xf32>
    %swap3A_44 = arith.constant 640 : index
    %swap3A_45 = arith.constant 0 : index
    %swap3A_46 = vector.load %arg3[%swap3A_44, %swap3A_45] : memref<1024x128xf32, #tpu.memory_space<vmem>>, vector<128x128xf32>
    tpu.vector_store %arg3[%swap3A_44, %swap3A_45], %concatenate3A_43 {strides = array<i32>} : memref<1024x128xf32, #tpu.memory_space<vmem>>, vector<128x128xf32>,
    %slice3A_47 = vector.extract_strided_slice %transpose3A {offsets = [3072, 0], sizes = [128, 32], strides = [1, 1]} : vector<4096x32xf32> to vector<128x32xf32>
    %slice3A_48 = vector.extract_strided_slice %transpose3A {offsets = [3200, 0], sizes = [128, 32], strides = [1, 1]} : vector<4096x32xf32> to vector<128x32xf32>
    %slice3A_49 = vector.extract_strided_slice %transpose3A {offsets = [3328, 0], sizes = [128, 32], strides = [1, 1]} : vector<4096x32xf32> to vector<128x32xf32>
    %slice3A_50 = vector.extract_strided_slice %transpose3A {offsets = [3456, 0], sizes = [128, 32], strides = [1, 1]} : vector<4096x32xf32> to vector<128x32xf32>
    %concatenate3A_51 = tpu.concatenate %slice3A_47, %slice3A_48, %slice3A_49, %slice3A_50 in 1 : vector<128x32xf32>, vector<128x32xf32>, vector<128x32xf32>, vector<128x32xf32> -> vector<128x128xf32>
    %swap3A_52 = arith.constant 768 : index
    %swap3A_53 = arith.constant 0 : index
    %swap3A_54 = vector.load %arg3[%swap3A_52, %swap3A_53] : memref<1024x128xf32, #tpu.memory_space<vmem>>, vector<128x128xf32>
    tpu.vector_store %arg3[%swap3A_52, %swap3A_53], %concatenate3A_51 {strides = array<i32>} : memref<1024x128xf32, #tpu.memory_space<vmem>>, vector<128x128xf32>,
    %slice3A_55 = vector.extract_strided_slice %transpose3A {offsets = [3584, 0], sizes = [128, 32], strides = [1, 1]} : vector<4096x32xf32> to vector<128x32xf32>
    %slice3A_56 = vector.extract_strided_slice %transpose3A {offsets = [3712, 0], sizes = [128, 32], strides = [1, 1]} : vector<4096x32xf32> to vector<128x32xf32>
    %slice3A_57 = vector.extract_strided_slice %transpose3A {offsets = [3840, 0], sizes = [128, 32], strides = [1, 1]} : vector<4096x32xf32> to vector<128x32xf32>
    %slice3A_58 = vector.extract_strided_slice %transpose3A {offsets = [3968, 0], sizes = [128, 32], strides = [1, 1]} : vector<4096x32xf32> to vector<128x32xf32>
    %concatenate3A_59 = tpu.concatenate %slice3A_55, %slice3A_56, %slice3A_57, %slice3A_58 in 1 : vector<128x32xf32>, vector<128x32xf32>, vector<128x32xf32>, vector<128x32xf32> -> vector<128x128xf32>
    %swap3A_60 = arith.constant 896 : index
    %swap3A_61 = arith.constant 0 : index
    %swap3A_62 = vector.load %arg3[%swap3A_60, %swap3A_61] : memref<1024x128xf32, #tpu.memory_space<vmem>>, vector<128x128xf32>
    tpu.vector_store %arg3[%swap3A_60, %swap3A_61], %concatenate3A_59 {strides = array<i32>} : memref<1024x128xf32, #tpu.memory_space<vmem>>, vector<128x128xf32>,
    return
  }
  func.func @transform_0(%arg0: i32) -> (i32, i32) {
    %c0_i32 = arith.constant 0 : i32
    %c0_i32_0 = arith.constant 0 : i32
    return %c0_i32, %arg0 : i32, i32
  }
  func.func @transform_1(%arg0: i32) -> (i32, i32) {
    %c0_i32 = arith.constant 0 : i32
    %c0_i32_0 = arith.constant 0 : i32
    %c0_i32_1 = arith.constant 0 : i32
    return %c0_i32, %c0_i32_0 : i32, i32
  }
  func.func @transform_2(%arg0: i32) -> (i32, i32) {
    %c0_i32 = arith.constant 0 : i32
    %c0_i32_0 = arith.constant 0 : i32
    return %arg0, %c0_i32 : i32, i32
  }
}

module attributes {stable_mosaic.version = 14 : i64} {
  func.func @body(%arg0: i32, %arg1: memref<128x50x128xf32, #tpu.memory_space<vmem>>, %arg2: memref<200x128xf32, #tpu.memory_space<vmem>>, %arg3: memref<128x256xf32, #tpu.memory_space<vmem>>, %arg4: memref<256x4xf32, #tpu.memory_space<vmem>>, %arg5: memref<256x1xf32, #tpu.memory_space<vmem>>, %arg6: memref<200x64x128xf32, #tpu.memory_space<vmem>>) attributes {dimension_semantics = [#tpu.dimension_semantics<arbitrary>], iteration_bounds = array<i64: 32>, scalar_prefetch = 0 : i64, scratch_operands = 0 : i64, tpu.core_type = #tpu.core_type<tc>, window_params = [{transform_indices = @transform_0, window_bounds = array<i64: 128, 50, 128>}, {transform_indices = @transform_1, window_bounds = array<i64: 200, 128>}, {pipeline_mode = #tpu.pipeline_mode<synchronous>, transform_indices = @transform_2, window_bounds = array<i64: 128, 256>}, {pipeline_mode = #tpu.pipeline_mode<synchronous>, transform_indices = @transform_3, window_bounds = array<i64: 256, 4>}, {pipeline_mode = #tpu.pipeline_mode<synchronous>, transform_indices = @transform_4, window_bounds = array<i64: 256, 1>}, {transform_indices = @transform_5, window_bounds = array<i64: 200, 64, 128>}]} {
    %get3A = arith.constant 0 : index
    %get3A_0 = arith.constant 0 : index
    %get3A_1 = vector.load %arg3[%get3A, %get3A_0] : memref<128x256xf32, #tpu.memory_space<vmem>>, vector<128x256xf32>
    %get3A_2 = arith.constant 0 : index
    %get3A_3 = arith.constant 0 : index
    %get3A_4 = vector.load %arg4[%get3A_2, %get3A_3] : memref<256x4xf32, #tpu.memory_space<vmem>>, vector<256x4xf32>
    %get3A_5 = arith.constant 0 : index
    %get3A_6 = arith.constant 0 : index
    %get3A_7 = vector.load %arg5[%get3A_5, %get3A_6] : memref<256x1xf32, #tpu.memory_space<vmem>>, vector<256x1xf32>
    %get3A_8 = arith.constant 0 : index
    %get3A_9 = arith.constant 0 : index
    %get3A_10 = arith.constant 0 : index
    %get3A_11 = vector.load %arg1[%get3A_8, %get3A_9, %get3A_10] : memref<128x50x128xf32, #tpu.memory_space<vmem>>, vector<128x1x128xf32>
    %get3A_12 = vector.shape_cast %get3A_11 : vector<128x1x128xf32> to vector<128x128xf32>
    %dot_general3A = arith.constant dense<0.000000e+00> : vector<256x128xf32>
    %dot_general3A_13 = tpu.matmul %get3A_1, %get3A_12, %dot_general3A {dimension_numbers = #tpu.dot_dimension_numbers<[0], [1], [1], [0], [0, 1, 1, 0], [], []>, transpose_lhs_hint = false} : vector<128x256xf32>, vector<128x128xf32>, vector<256x128xf32> -> vector<256x128xf32>
    %get3A_14 = arith.constant 0 : index
    %get3A_15 = arith.constant 0 : index
    %get3A_16 = vector.load %arg2[%get3A_14, %get3A_15] : memref<200x128xf32, #tpu.memory_space<vmem>>, vector<4x128xf32>
    %dot_general3A_17 = arith.constant dense<0.000000e+00> : vector<256x128xf32>
    %dot_general3A_18 = tpu.matmul %get3A_4, %get3A_16, %dot_general3A_17 {dimension_numbers = #tpu.dot_dimension_numbers<[1], [0], [0], [1], [0, 0, 1, 1], [], []>, transpose_lhs_hint = false} : vector<256x4xf32>, vector<4x128xf32>, vector<256x128xf32> -> vector<256x128xf32>
    %add3A = arith.addf %dot_general3A_13, %dot_general3A_18 : vector<256x128xf32>
    %add3A_19 = vector.broadcast %get3A_7 : vector<256x1xf32> to vector<256x128xf32>
    %add3A_20 = arith.addf %add3A, %add3A_19 : vector<256x128xf32>
    %reshape3A = vector.shape_cast %add3A_20 : vector<256x128xf32> to vector<4x64x128xf32>
    %swap3A = arith.constant 0 : index
    %swap3A_21 = arith.constant 0 : index
    %swap3A_22 = arith.constant 0 : index
    %swap3A_23 = vector.load %arg6[%swap3A, %swap3A_21, %swap3A_22] : memref<200x64x128xf32, #tpu.memory_space<vmem>>, vector<4x64x128xf32>
    tpu.vector_store %arg6[%swap3A, %swap3A_21, %swap3A_22], %reshape3A {strides = array<i32>} : memref<200x64x128xf32, #tpu.memory_space<vmem>>, vector<4x64x128xf32>,
    %get3A_24 = arith.constant 0 : index
    %get3A_25 = arith.constant 1 : index
    %get3A_26 = arith.constant 0 : index
    %get3A_27 = vector.load %arg1[%get3A_24, %get3A_25, %get3A_26] : memref<128x50x128xf32, #tpu.memory_space<vmem>>, vector<128x1x128xf32>
    %get3A_28 = vector.shape_cast %get3A_27 : vector<128x1x128xf32> to vector<128x128xf32>
    %dot_general3A_29 = arith.constant dense<0.000000e+00> : vector<256x128xf32>
    %dot_general3A_30 = tpu.matmul %get3A_1, %get3A_28, %dot_general3A_29 {dimension_numbers = #tpu.dot_dimension_numbers<[0], [1], [1], [0], [0, 1, 1, 0], [], []>, transpose_lhs_hint = false} : vector<128x256xf32>, vector<128x128xf32>, vector<256x128xf32> -> vector<256x128xf32>
    %get3A_31 = arith.constant 4 : index
    %get3A_32 = arith.constant 0 : index
    %get3A_33 = vector.load %arg2[%get3A_31, %get3A_32] : memref<200x128xf32, #tpu.memory_space<vmem>>, vector<4x128xf32>
    %dot_general3A_34 = arith.constant dense<0.000000e+00> : vector<256x128xf32>
    %dot_general3A_35 = tpu.matmul %get3A_4, %get3A_33, %dot_general3A_34 {dimension_numbers = #tpu.dot_dimension_numbers<[1], [0], [0], [1], [0, 0, 1, 1], [], []>, transpose_lhs_hint = false} : vector<256x4xf32>, vector<4x128xf32>, vector<256x128xf32> -> vector<256x128xf32>
    %add3A_36 = arith.addf %dot_general3A_30, %dot_general3A_35 : vector<256x128xf32>
    %add3A_37 = vector.broadcast %get3A_7 : vector<256x1xf32> to vector<256x128xf32>
    %add3A_38 = arith.addf %add3A_36, %add3A_37 : vector<256x128xf32>
    %reshape3A_39 = vector.shape_cast %add3A_38 : vector<256x128xf32> to vector<4x64x128xf32>
    %swap3A_40 = arith.constant 4 : index
    %swap3A_41 = arith.constant 0 : index
    %swap3A_42 = arith.constant 0 : index
    %swap3A_43 = vector.load %arg6[%swap3A_40, %swap3A_41, %swap3A_42] : memref<200x64x128xf32, #tpu.memory_space<vmem>>, vector<4x64x128xf32>
    tpu.vector_store %arg6[%swap3A_40, %swap3A_41, %swap3A_42], %reshape3A_39 {strides = array<i32>} : memref<200x64x128xf32, #tpu.memory_space<vmem>>, vector<4x64x128xf32>,
    %get3A_44 = arith.constant 0 : index
    %get3A_45 = arith.constant 2 : index
    %get3A_46 = arith.constant 0 : index
    %get3A_47 = vector.load %arg1[%get3A_44, %get3A_45, %get3A_46] : memref<128x50x128xf32, #tpu.memory_space<vmem>>, vector<128x1x128xf32>
    %get3A_48 = vector.shape_cast %get3A_47 : vector<128x1x128xf32> to vector<128x128xf32>
    %dot_general3A_49 = arith.constant dense<0.000000e+00> : vector<256x128xf32>
    %dot_general3A_50 = tpu.matmul %get3A_1, %get3A_48, %dot_general3A_49 {dimension_numbers = #tpu.dot_dimension_numbers<[0], [1], [1], [0], [0, 1, 1, 0], [], []>, transpose_lhs_hint = false} : vector<128x256xf32>, vector<128x128xf32>, vector<256x128xf32> -> vector<256x128xf32>
    %get3A_51 = arith.constant 8 : index
    %get3A_52 = arith.constant 0 : index
    %get3A_53 = vector.load %arg2[%get3A_51, %get3A_52] : memref<200x128xf32, #tpu.memory_space<vmem>>, vector<4x128xf32>
    %dot_general3A_54 = arith.constant dense<0.000000e+00> : vector<256x128xf32>
    %dot_general3A_55 = tpu.matmul %get3A_4, %get3A_53, %dot_general3A_54 {dimension_numbers = #tpu.dot_dimension_numbers<[1], [0], [0], [1], [0, 0, 1, 1], [], []>, transpose_lhs_hint = false} : vector<256x4xf32>, vector<4x128xf32>, vector<256x128xf32> -> vector<256x128xf32>
    %add3A_56 = arith.addf %dot_general3A_50, %dot_general3A_55 : vector<256x128xf32>
    %add3A_57 = vector.broadcast %get3A_7 : vector<256x1xf32> to vector<256x128xf32>
    %add3A_58 = arith.addf %add3A_56, %add3A_57 : vector<256x128xf32>
    %reshape3A_59 = vector.shape_cast %add3A_58 : vector<256x128xf32> to vector<4x64x128xf32>
    %swap3A_60 = arith.constant 8 : index
    %swap3A_61 = arith.constant 0 : index
    %swap3A_62 = arith.constant 0 : index
    %swap3A_63 = vector.load %arg6[%swap3A_60, %swap3A_61, %swap3A_62] : memref<200x64x128xf32, #tpu.memory_space<vmem>>, vector<4x64x128xf32>
    tpu.vector_store %arg6[%swap3A_60, %swap3A_61, %swap3A_62], %reshape3A_59 {strides = array<i32>} : memref<200x64x128xf32, #tpu.memory_space<vmem>>, vector<4x64x128xf32>,
    %get3A_64 = arith.constant 0 : index
    %get3A_65 = arith.constant 3 : index
    %get3A_66 = arith.constant 0 : index
    %get3A_67 = vector.load %arg1[%get3A_64, %get3A_65, %get3A_66] : memref<128x50x128xf32, #tpu.memory_space<vmem>>, vector<128x1x128xf32>
    %get3A_68 = vector.shape_cast %get3A_67 : vector<128x1x128xf32> to vector<128x128xf32>
    %dot_general3A_69 = arith.constant dense<0.000000e+00> : vector<256x128xf32>
    %dot_general3A_70 = tpu.matmul %get3A_1, %get3A_68, %dot_general3A_69 {dimension_numbers = #tpu.dot_dimension_numbers<[0], [1], [1], [0], [0, 1, 1, 0], [], []>, transpose_lhs_hint = false} : vector<128x256xf32>, vector<128x128xf32>, vector<256x128xf32> -> vector<256x128xf32>
    %get3A_71 = arith.constant 12 : index
    %get3A_72 = arith.constant 0 : index
    %get3A_73 = vector.load %arg2[%get3A_71, %get3A_72] : memref<200x128xf32, #tpu.memory_space<vmem>>, vector<4x128xf32>
    %dot_general3A_74 = arith.constant dense<0.000000e+00> : vector<256x128xf32>
    %dot_general3A_75 = tpu.matmul %get3A_4, %get3A_73, %dot_general3A_74 {dimension_numbers = #tpu.dot_dimension_numbers<[1], [0], [0], [1], [0, 0, 1, 1], [], []>, transpose_lhs_hint = false} : vector<256x4xf32>, vector<4x128xf32>, vector<256x128xf32> -> vector<256x128xf32>
    %add3A_76 = arith.addf %dot_general3A_70, %dot_general3A_75 : vector<256x128xf32>
    %add3A_77 = vector.broadcast %get3A_7 : vector<256x1xf32> to vector<256x128xf32>
    %add3A_78 = arith.addf %add3A_76, %add3A_77 : vector<256x128xf32>
    %reshape3A_79 = vector.shape_cast %add3A_78 : vector<256x128xf32> to vector<4x64x128xf32>
    %swap3A_80 = arith.constant 12 : index
    %swap3A_81 = arith.constant 0 : index
    %swap3A_82 = arith.constant 0 : index
    %swap3A_83 = vector.load %arg6[%swap3A_80, %swap3A_81, %swap3A_82] : memref<200x64x128xf32, #tpu.memory_space<vmem>>, vector<4x64x128xf32>
    tpu.vector_store %arg6[%swap3A_80, %swap3A_81, %swap3A_82], %reshape3A_79 {strides = array<i32>} : memref<200x64x128xf32, #tpu.memory_space<vmem>>, vector<4x64x128xf32>,
    %get3A_84 = arith.constant 0 : index
    %get3A_85 = arith.constant 4 : index
    %get3A_86 = arith.constant 0 : index
    %get3A_87 = vector.load %arg1[%get3A_84, %get3A_85, %get3A_86] : memref<128x50x128xf32, #tpu.memory_space<vmem>>, vector<128x1x128xf32>
    %get3A_88 = vector.shape_cast %get3A_87 : vector<128x1x128xf32> to vector<128x128xf32>
    %dot_general3A_89 = arith.constant dense<0.000000e+00> : vector<256x128xf32>
    %dot_general3A_90 = tpu.matmul %get3A_1, %get3A_88, %dot_general3A_89 {dimension_numbers = #tpu.dot_dimension_numbers<[0], [1], [1], [0], [0, 1, 1, 0], [], []>, transpose_lhs_hint = false} : vector<128x256xf32>, vector<128x128xf32>, vector<256x128xf32> -> vector<256x128xf32>
    %get3A_91 = arith.constant 16 : index
    %get3A_92 = arith.constant 0 : index
    %get3A_93 = vector.load %arg2[%get3A_91, %get3A_92] : memref<200x128xf32, #tpu.memory_space<vmem>>, vector<4x128xf32>
    %dot_general3A_94 = arith.constant dense<0.000000e+00> : vector<256x128xf32>
    %dot_general3A_95 = tpu.matmul %get3A_4, %get3A_93, %dot_general3A_94 {dimension_numbers = #tpu.dot_dimension_numbers<[1], [0], [0], [1], [0, 0, 1, 1], [], []>, transpose_lhs_hint = false} : vector<256x4xf32>, vector<4x128xf32>, vector<256x128xf32> -> vector<256x128xf32>
    %add3A_96 = arith.addf %dot_general3A_90, %dot_general3A_95 : vector<256x128xf32>
    %add3A_97 = vector.broadcast %get3A_7 : vector<256x1xf32> to vector<256x128xf32>
    %add3A_98 = arith.addf %add3A_96, %add3A_97 : vector<256x128xf32>
    %reshape3A_99 = vector.shape_cast %add3A_98 : vector<256x128xf32> to vector<4x64x128xf32>
    %swap3A_100 = arith.constant 16 : index
    %swap3A_101 = arith.constant 0 : index
    %swap3A_102 = arith.constant 0 : index
    %swap3A_103 = vector.load %arg6[%swap3A_100, %swap3A_101, %swap3A_102] : memref<200x64x128xf32, #tpu.memory_space<vmem>>, vector<4x64x128xf32>
    tpu.vector_store %arg6[%swap3A_100, %swap3A_101, %swap3A_102], %reshape3A_99 {strides = array<i32>} : memref<200x64x128xf32, #tpu.memory_space<vmem>>, vector<4x64x128xf32>,
    %get3A_104 = arith.constant 0 : index
    %get3A_105 = arith.constant 5 : index
    %get3A_106 = arith.constant 0 : index
    %get3A_107 = vector.load %arg1[%get3A_104, %get3A_105, %get3A_106] : memref<128x50x128xf32, #tpu.memory_space<vmem>>, vector<128x1x128xf32>
    %get3A_108 = vector.shape_cast %get3A_107 : vector<128x1x128xf32> to vector<128x128xf32>
    %dot_general3A_109 = arith.constant dense<0.000000e+00> : vector<256x128xf32>
    %dot_general3A_110 = tpu.matmul %get3A_1, %get3A_108, %dot_general3A_109 {dimension_numbers = #tpu.dot_dimension_numbers<[0], [1], [1], [0], [0, 1, 1, 0], [], []>, transpose_lhs_hint = false} : vector<128x256xf32>, vector<128x128xf32>, vector<256x128xf32> -> vector<256x128xf32>
    %get3A_111 = arith.constant 20 : index
    %get3A_112 = arith.constant 0 : index
    %get3A_113 = vector.load %arg2[%get3A_111, %get3A_112] : memref<200x128xf32, #tpu.memory_space<vmem>>, vector<4x128xf32>
    %dot_general3A_114 = arith.constant dense<0.000000e+00> : vector<256x128xf32>
    %dot_general3A_115 = tpu.matmul %get3A_4, %get3A_113, %dot_general3A_114 {dimension_numbers = #tpu.dot_dimension_numbers<[1], [0], [0], [1], [0, 0, 1, 1], [], []>, transpose_lhs_hint = false} : vector<256x4xf32>, vector<4x128xf32>, vector<256x128xf32> -> vector<256x128xf32>
    %add3A_116 = arith.addf %dot_general3A_110, %dot_general3A_115 : vector<256x128xf32>
    %add3A_117 = vector.broadcast %get3A_7 : vector<256x1xf32> to vector<256x128xf32>
    %add3A_118 = arith.addf %add3A_116, %add3A_117 : vector<256x128xf32>
    %reshape3A_119 = vector.shape_cast %add3A_118 : vector<256x128xf32> to vector<4x64x128xf32>
    %swap3A_120 = arith.constant 20 : index
    %swap3A_121 = arith.constant 0 : index
    %swap3A_122 = arith.constant 0 : index
    %swap3A_123 = vector.load %arg6[%swap3A_120, %swap3A_121, %swap3A_122] : memref<200x64x128xf32, #tpu.memory_space<vmem>>, vector<4x64x128xf32>
    tpu.vector_store %arg6[%swap3A_120, %swap3A_121, %swap3A_122], %reshape3A_119 {strides = array<i32>} : memref<200x64x128xf32, #tpu.memory_space<vmem>>, vector<4x64x128xf32>,
    %get3A_124 = arith.constant 0 : index
    %get3A_125 = arith.constant 6 : index
    %get3A_126 = arith.constant 0 : index
    %get3A_127 = vector.load %arg1[%get3A_124, %get3A_125, %get3A_126] : memref<128x50x128xf32, #tpu.memory_space<vmem>>, vector<128x1x128xf32>
    %get3A_128 = vector.shape_cast %get3A_127 : vector<128x1x128xf32> to vector<128x128xf32>
    %dot_general3A_129 = arith.constant dense<0.000000e+00> : vector<256x128xf32>
    %dot_general3A_130 = tpu.matmul %get3A_1, %get3A_128, %dot_general3A_129 {dimension_numbers = #tpu.dot_dimension_numbers<[0], [1], [1], [0], [0, 1, 1, 0], [], []>, transpose_lhs_hint = false} : vector<128x256xf32>, vector<128x128xf32>, vector<256x128xf32> -> vector<256x128xf32>
    %get3A_131 = arith.constant 24 : index
    %get3A_132 = arith.constant 0 : index
    %get3A_133 = vector.load %arg2[%get3A_131, %get3A_132] : memref<200x128xf32, #tpu.memory_space<vmem>>, vector<4x128xf32>
    %dot_general3A_134 = arith.constant dense<0.000000e+00> : vector<256x128xf32>
    %dot_general3A_135 = tpu.matmul %get3A_4, %get3A_133, %dot_general3A_134 {dimension_numbers = #tpu.dot_dimension_numbers<[1], [0], [0], [1], [0, 0, 1, 1], [], []>, transpose_lhs_hint = false} : vector<256x4xf32>, vector<4x128xf32>, vector<256x128xf32> -> vector<256x128xf32>
    %add3A_136 = arith.addf %dot_general3A_130, %dot_general3A_135 : vector<256x128xf32>
    %add3A_137 = vector.broadcast %get3A_7 : vector<256x1xf32> to vector<256x128xf32>
    %add3A_138 = arith.addf %add3A_136, %add3A_137 : vector<256x128xf32>
    %reshape3A_139 = vector.shape_cast %add3A_138 : vector<256x128xf32> to vector<4x64x128xf32>
    %swap3A_140 = arith.constant 24 : index
    %swap3A_141 = arith.constant 0 : index
    %swap3A_142 = arith.constant 0 : index
    %swap3A_143 = vector.load %arg6[%swap3A_140, %swap3A_141, %swap3A_142] : memref<200x64x128xf32, #tpu.memory_space<vmem>>, vector<4x64x128xf32>
    tpu.vector_store %arg6[%swap3A_140, %swap3A_141, %swap3A_142], %reshape3A_139 {strides = array<i32>} : memref<200x64x128xf32, #tpu.memory_space<vmem>>, vector<4x64x128xf32>,
    %get3A_144 = arith.constant 0 : index
    %get3A_145 = arith.constant 7 : index
    %get3A_146 = arith.constant 0 : index
    %get3A_147 = vector.load %arg1[%get3A_144, %get3A_145, %get3A_146] : memref<128x50x128xf32, #tpu.memory_space<vmem>>, vector<128x1x128xf32>
    %get3A_148 = vector.shape_cast %get3A_147 : vector<128x1x128xf32> to vector<128x128xf32>
    %dot_general3A_149 = arith.constant dense<0.000000e+00> : vector<256x128xf32>
    %dot_general3A_150 = tpu.matmul %get3A_1, %get3A_148, %dot_general3A_149 {dimension_numbers = #tpu.dot_dimension_numbers<[0], [1], [1], [0], [0, 1, 1, 0], [], []>, transpose_lhs_hint = false} : vector<128x256xf32>, vector<128x128xf32>, vector<256x128xf32> -> vector<256x128xf32>
    %get3A_151 = arith.constant 28 : index
    %get3A_152 = arith.constant 0 : index
    %get3A_153 = vector.load %arg2[%get3A_151, %get3A_152] : memref<200x128xf32, #tpu.memory_space<vmem>>, vector<4x128xf32>
    %dot_general3A_154 = arith.constant dense<0.000000e+00> : vector<256x128xf32>
    %dot_general3A_155 = tpu.matmul %get3A_4, %get3A_153, %dot_general3A_154 {dimension_numbers = #tpu.dot_dimension_numbers<[1], [0], [0], [1], [0, 0, 1, 1], [], []>, transpose_lhs_hint = false} : vector<256x4xf32>, vector<4x128xf32>, vector<256x128xf32> -> vector<256x128xf32>
    %add3A_156 = arith.addf %dot_general3A_150, %dot_general3A_155 : vector<256x128xf32>
    %add3A_157 = vector.broadcast %get3A_7 : vector<256x1xf32> to vector<256x128xf32>
    %add3A_158 = arith.addf %add3A_156, %add3A_157 : vector<256x128xf32>
    %reshape3A_159 = vector.shape_cast %add3A_158 : vector<256x128xf32> to vector<4x64x128xf32>
    %swap3A_160 = arith.constant 28 : index
    %swap3A_161 = arith.constant 0 : index
    %swap3A_162 = arith.constant 0 : index
    %swap3A_163 = vector.load %arg6[%swap3A_160, %swap3A_161, %swap3A_162] : memref<200x64x128xf32, #tpu.memory_space<vmem>>, vector<4x64x128xf32>
    tpu.vector_store %arg6[%swap3A_160, %swap3A_161, %swap3A_162], %reshape3A_159 {strides = array<i32>} : memref<200x64x128xf32, #tpu.memory_space<vmem>>, vector<4x64x128xf32>,
    %get3A_164 = arith.constant 0 : index
    %get3A_165 = arith.constant 8 : index
    %get3A_166 = arith.constant 0 : index
    %get3A_167 = vector.load %arg1[%get3A_164, %get3A_165, %get3A_166] : memref<128x50x128xf32, #tpu.memory_space<vmem>>, vector<128x1x128xf32>
    %get3A_168 = vector.shape_cast %get3A_167 : vector<128x1x128xf32> to vector<128x128xf32>
    %dot_general3A_169 = arith.constant dense<0.000000e+00> : vector<256x128xf32>
    %dot_general3A_170 = tpu.matmul %get3A_1, %get3A_168, %dot_general3A_169 {dimension_numbers = #tpu.dot_dimension_numbers<[0], [1], [1], [0], [0, 1, 1, 0], [], []>, transpose_lhs_hint = false} : vector<128x256xf32>, vector<128x128xf32>, vector<256x128xf32> -> vector<256x128xf32>
    %get3A_171 = arith.constant 32 : index
    %get3A_172 = arith.constant 0 : index
    %get3A_173 = vector.load %arg2[%get3A_171, %get3A_172] : memref<200x128xf32, #tpu.memory_space<vmem>>, vector<4x128xf32>
    %dot_general3A_174 = arith.constant dense<0.000000e+00> : vector<256x128xf32>
    %dot_general3A_175 = tpu.matmul %get3A_4, %get3A_173, %dot_general3A_174 {dimension_numbers = #tpu.dot_dimension_numbers<[1], [0], [0], [1], [0, 0, 1, 1], [], []>, transpose_lhs_hint = false} : vector<256x4xf32>, vector<4x128xf32>, vector<256x128xf32> -> vector<256x128xf32>
    %add3A_176 = arith.addf %dot_general3A_170, %dot_general3A_175 : vector<256x128xf32>
    %add3A_177 = vector.broadcast %get3A_7 : vector<256x1xf32> to vector<256x128xf32>
    %add3A_178 = arith.addf %add3A_176, %add3A_177 : vector<256x128xf32>
    %reshape3A_179 = vector.shape_cast %add3A_178 : vector<256x128xf32> to vector<4x64x128xf32>
    %swap3A_180 = arith.constant 32 : index
    %swap3A_181 = arith.constant 0 : index
    %swap3A_182 = arith.constant 0 : index
    %swap3A_183 = vector.load %arg6[%swap3A_180, %swap3A_181, %swap3A_182] : memref<200x64x128xf32, #tpu.memory_space<vmem>>, vector<4x64x128xf32>
    tpu.vector_store %arg6[%swap3A_180, %swap3A_181, %swap3A_182], %reshape3A_179 {strides = array<i32>} : memref<200x64x128xf32, #tpu.memory_space<vmem>>, vector<4x64x128xf32>,
    %get3A_184 = arith.constant 0 : index
    %get3A_185 = arith.constant 9 : index
    %get3A_186 = arith.constant 0 : index
    %get3A_187 = vector.load %arg1[%get3A_184, %get3A_185, %get3A_186] : memref<128x50x128xf32, #tpu.memory_space<vmem>>, vector<128x1x128xf32>
    %get3A_188 = vector.shape_cast %get3A_187 : vector<128x1x128xf32> to vector<128x128xf32>
    %dot_general3A_189 = arith.constant dense<0.000000e+00> : vector<256x128xf32>
    %dot_general3A_190 = tpu.matmul %get3A_1, %get3A_188, %dot_general3A_189 {dimension_numbers = #tpu.dot_dimension_numbers<[0], [1], [1], [0], [0, 1, 1, 0], [], []>, transpose_lhs_hint = false} : vector<128x256xf32>, vector<128x128xf32>, vector<256x128xf32> -> vector<256x128xf32>
    %get3A_191 = arith.constant 36 : index
    %get3A_192 = arith.constant 0 : index
    %get3A_193 = vector.load %arg2[%get3A_191, %get3A_192] : memref<200x128xf32, #tpu.memory_space<vmem>>, vector<4x128xf32>
    %dot_general3A_194 = arith.constant dense<0.000000e+00> : vector<256x128xf32>
    %dot_general3A_195 = tpu.matmul %get3A_4, %get3A_193, %dot_general3A_194 {dimension_numbers = #tpu.dot_dimension_numbers<[1], [0], [0], [1], [0, 0, 1, 1], [], []>, transpose_lhs_hint = false} : vector<256x4xf32>, vector<4x128xf32>, vector<256x128xf32> -> vector<256x128xf32>
    %add3A_196 = arith.addf %dot_general3A_190, %dot_general3A_195 : vector<256x128xf32>
    %add3A_197 = vector.broadcast %get3A_7 : vector<256x1xf32> to vector<256x128xf32>
    %add3A_198 = arith.addf %add3A_196, %add3A_197 : vector<256x128xf32>
    %reshape3A_199 = vector.shape_cast %add3A_198 : vector<256x128xf32> to vector<4x64x128xf32>
    %swap3A_200 = arith.constant 36 : index
    %swap3A_201 = arith.constant 0 : index
    %swap3A_202 = arith.constant 0 : index
    %swap3A_203 = vector.load %arg6[%swap3A_200, %swap3A_201, %swap3A_202] : memref<200x64x128xf32, #tpu.memory_space<vmem>>, vector<4x64x128xf32>
    tpu.vector_store %arg6[%swap3A_200, %swap3A_201, %swap3A_202], %reshape3A_199 {strides = array<i32>} : memref<200x64x128xf32, #tpu.memory_space<vmem>>, vector<4x64x128xf32>,
    %get3A_204 = arith.constant 0 : index
    %get3A_205 = arith.constant 10 : index
    %get3A_206 = arith.constant 0 : index
    %get3A_207 = vector.load %arg1[%get3A_204, %get3A_205, %get3A_206] : memref<128x50x128xf32, #tpu.memory_space<vmem>>, vector<128x1x128xf32>
    %get3A_208 = vector.shape_cast %get3A_207 : vector<128x1x128xf32> to vector<128x128xf32>
    %dot_general3A_209 = arith.constant dense<0.000000e+00> : vector<256x128xf32>
    %dot_general3A_210 = tpu.matmul %get3A_1, %get3A_208, %dot_general3A_209 {dimension_numbers = #tpu.dot_dimension_numbers<[0], [1], [1], [0], [0, 1, 1, 0], [], []>, transpose_lhs_hint = false} : vector<128x256xf32>, vector<128x128xf32>, vector<256x128xf32> -> vector<256x128xf32>
    %get3A_211 = arith.constant 40 : index
    %get3A_212 = arith.constant 0 : index
    %get3A_213 = vector.load %arg2[%get3A_211, %get3A_212] : memref<200x128xf32, #tpu.memory_space<vmem>>, vector<4x128xf32>
    %dot_general3A_214 = arith.constant dense<0.000000e+00> : vector<256x128xf32>
    %dot_general3A_215 = tpu.matmul %get3A_4, %get3A_213, %dot_general3A_214 {dimension_numbers = #tpu.dot_dimension_numbers<[1], [0], [0], [1], [0, 0, 1, 1], [], []>, transpose_lhs_hint = false} : vector<256x4xf32>, vector<4x128xf32>, vector<256x128xf32> -> vector<256x128xf32>
    %add3A_216 = arith.addf %dot_general3A_210, %dot_general3A_215 : vector<256x128xf32>
    %add3A_217 = vector.broadcast %get3A_7 : vector<256x1xf32> to vector<256x128xf32>
    %add3A_218 = arith.addf %add3A_216, %add3A_217 : vector<256x128xf32>
    %reshape3A_219 = vector.shape_cast %add3A_218 : vector<256x128xf32> to vector<4x64x128xf32>
    %swap3A_220 = arith.constant 40 : index
    %swap3A_221 = arith.constant 0 : index
    %swap3A_222 = arith.constant 0 : index
    %swap3A_223 = vector.load %arg6[%swap3A_220, %swap3A_221, %swap3A_222] : memref<200x64x128xf32, #tpu.memory_space<vmem>>, vector<4x64x128xf32>
    tpu.vector_store %arg6[%swap3A_220, %swap3A_221, %swap3A_222], %reshape3A_219 {strides = array<i32>} : memref<200x64x128xf32, #tpu.memory_space<vmem>>, vector<4x64x128xf32>,
    %get3A_224 = arith.constant 0 : index
    %get3A_225 = arith.constant 11 : index
    %get3A_226 = arith.constant 0 : index
    %get3A_227 = vector.load %arg1[%get3A_224, %get3A_225, %get3A_226] : memref<128x50x128xf32, #tpu.memory_space<vmem>>, vector<128x1x128xf32>
    %get3A_228 = vector.shape_cast %get3A_227 : vector<128x1x128xf32> to vector<128x128xf32>
    %dot_general3A_229 = arith.constant dense<0.000000e+00> : vector<256x128xf32>
    %dot_general3A_230 = tpu.matmul %get3A_1, %get3A_228, %dot_general3A_229 {dimension_numbers = #tpu.dot_dimension_numbers<[0], [1], [1], [0], [0, 1, 1, 0], [], []>, transpose_lhs_hint = false} : vector<128x256xf32>, vector<128x128xf32>, vector<256x128xf32> -> vector<256x128xf32>
    %get3A_231 = arith.constant 44 : index
    %get3A_232 = arith.constant 0 : index
    %get3A_233 = vector.load %arg2[%get3A_231, %get3A_232] : memref<200x128xf32, #tpu.memory_space<vmem>>, vector<4x128xf32>
    %dot_general3A_234 = arith.constant dense<0.000000e+00> : vector<256x128xf32>
    %dot_general3A_235 = tpu.matmul %get3A_4, %get3A_233, %dot_general3A_234 {dimension_numbers = #tpu.dot_dimension_numbers<[1], [0], [0], [1], [0, 0, 1, 1], [], []>, transpose_lhs_hint = false} : vector<256x4xf32>, vector<4x128xf32>, vector<256x128xf32> -> vector<256x128xf32>
    %add3A_236 = arith.addf %dot_general3A_230, %dot_general3A_235 : vector<256x128xf32>
    %add3A_237 = vector.broadcast %get3A_7 : vector<256x1xf32> to vector<256x128xf32>
    %add3A_238 = arith.addf %add3A_236, %add3A_237 : vector<256x128xf32>
    %reshape3A_239 = vector.shape_cast %add3A_238 : vector<256x128xf32> to vector<4x64x128xf32>
    %swap3A_240 = arith.constant 44 : index
    %swap3A_241 = arith.constant 0 : index
    %swap3A_242 = arith.constant 0 : index
    %swap3A_243 = vector.load %arg6[%swap3A_240, %swap3A_241, %swap3A_242] : memref<200x64x128xf32, #tpu.memory_space<vmem>>, vector<4x64x128xf32>
    tpu.vector_store %arg6[%swap3A_240, %swap3A_241, %swap3A_242], %reshape3A_239 {strides = array<i32>} : memref<200x64x128xf32, #tpu.memory_space<vmem>>, vector<4x64x128xf32>,
    %get3A_244 = arith.constant 0 : index
    %get3A_245 = arith.constant 12 : index
    %get3A_246 = arith.constant 0 : index
    %get3A_247 = vector.load %arg1[%get3A_244, %get3A_245, %get3A_246] : memref<128x50x128xf32, #tpu.memory_space<vmem>>, vector<128x1x128xf32>
    %get3A_248 = vector.shape_cast %get3A_247 : vector<128x1x128xf32> to vector<128x128xf32>
    %dot_general3A_249 = arith.constant dense<0.000000e+00> : vector<256x128xf32>
    %dot_general3A_250 = tpu.matmul %get3A_1, %get3A_248, %dot_general3A_249 {dimension_numbers = #tpu.dot_dimension_numbers<[0], [1], [1], [0], [0, 1, 1, 0], [], []>, transpose_lhs_hint = false} : vector<128x256xf32>, vector<128x128xf32>, vector<256x128xf32> -> vector<256x128xf32>
    %get3A_251 = arith.constant 48 : index
    %get3A_252 = arith.constant 0 : index
    %get3A_253 = vector.load %arg2[%get3A_251, %get3A_252] : memref<200x128xf32, #tpu.memory_space<vmem>>, vector<4x128xf32>
    %dot_general3A_254 = arith.constant dense<0.000000e+00> : vector<256x128xf32>
    %dot_general3A_255 = tpu.matmul %get3A_4, %get3A_253, %dot_general3A_254 {dimension_numbers = #tpu.dot_dimension_numbers<[1], [0], [0], [1], [0, 0, 1, 1], [], []>, transpose_lhs_hint = false} : vector<256x4xf32>, vector<4x128xf32>, vector<256x128xf32> -> vector<256x128xf32>
    %add3A_256 = arith.addf %dot_general3A_250, %dot_general3A_255 : vector<256x128xf32>
    %add3A_257 = vector.broadcast %get3A_7 : vector<256x1xf32> to vector<256x128xf32>
    %add3A_258 = arith.addf %add3A_256, %add3A_257 : vector<256x128xf32>
    %reshape3A_259 = vector.shape_cast %add3A_258 : vector<256x128xf32> to vector<4x64x128xf32>
    %swap3A_260 = arith.constant 48 : index
    %swap3A_261 = arith.constant 0 : index
    %swap3A_262 = arith.constant 0 : index
    %swap3A_263 = vector.load %arg6[%swap3A_260, %swap3A_261, %swap3A_262] : memref<200x64x128xf32, #tpu.memory_space<vmem>>, vector<4x64x128xf32>
    tpu.vector_store %arg6[%swap3A_260, %swap3A_261, %swap3A_262], %reshape3A_259 {strides = array<i32>} : memref<200x64x128xf32, #tpu.memory_space<vmem>>, vector<4x64x128xf32>,
    %get3A_264 = arith.constant 0 : index
    %get3A_265 = arith.constant 13 : index
    %get3A_266 = arith.constant 0 : index
    %get3A_267 = vector.load %arg1[%get3A_264, %get3A_265, %get3A_266] : memref<128x50x128xf32, #tpu.memory_space<vmem>>, vector<128x1x128xf32>
    %get3A_268 = vector.shape_cast %get3A_267 : vector<128x1x128xf32> to vector<128x128xf32>
    %dot_general3A_269 = arith.constant dense<0.000000e+00> : vector<256x128xf32>
    %dot_general3A_270 = tpu.matmul %get3A_1, %get3A_268, %dot_general3A_269 {dimension_numbers = #tpu.dot_dimension_numbers<[0], [1], [1], [0], [0, 1, 1, 0], [], []>, transpose_lhs_hint = false} : vector<128x256xf32>, vector<128x128xf32>, vector<256x128xf32> -> vector<256x128xf32>
    %get3A_271 = arith.constant 52 : index
    %get3A_272 = arith.constant 0 : index
    %get3A_273 = vector.load %arg2[%get3A_271, %get3A_272] : memref<200x128xf32, #tpu.memory_space<vmem>>, vector<4x128xf32>
    %dot_general3A_274 = arith.constant dense<0.000000e+00> : vector<256x128xf32>
    %dot_general3A_275 = tpu.matmul %get3A_4, %get3A_273, %dot_general3A_274 {dimension_numbers = #tpu.dot_dimension_numbers<[1], [0], [0], [1], [0, 0, 1, 1], [], []>, transpose_lhs_hint = false} : vector<256x4xf32>, vector<4x128xf32>, vector<256x128xf32> -> vector<256x128xf32>
    %add3A_276 = arith.addf %dot_general3A_270, %dot_general3A_275 : vector<256x128xf32>
    %add3A_277 = vector.broadcast %get3A_7 : vector<256x1xf32> to vector<256x128xf32>
    %add3A_278 = arith.addf %add3A_276, %add3A_277 : vector<256x128xf32>
    %reshape3A_279 = vector.shape_cast %add3A_278 : vector<256x128xf32> to vector<4x64x128xf32>
    %swap3A_280 = arith.constant 52 : index
    %swap3A_281 = arith.constant 0 : index
    %swap3A_282 = arith.constant 0 : index
    %swap3A_283 = vector.load %arg6[%swap3A_280, %swap3A_281, %swap3A_282] : memref<200x64x128xf32, #tpu.memory_space<vmem>>, vector<4x64x128xf32>
    tpu.vector_store %arg6[%swap3A_280, %swap3A_281, %swap3A_282], %reshape3A_279 {strides = array<i32>} : memref<200x64x128xf32, #tpu.memory_space<vmem>>, vector<4x64x128xf32>,
    %get3A_284 = arith.constant 0 : index
    %get3A_285 = arith.constant 14 : index
    %get3A_286 = arith.constant 0 : index
    %get3A_287 = vector.load %arg1[%get3A_284, %get3A_285, %get3A_286] : memref<128x50x128xf32, #tpu.memory_space<vmem>>, vector<128x1x128xf32>
    %get3A_288 = vector.shape_cast %get3A_287 : vector<128x1x128xf32> to vector<128x128xf32>
    %dot_general3A_289 = arith.constant dense<0.000000e+00> : vector<256x128xf32>
    %dot_general3A_290 = tpu.matmul %get3A_1, %get3A_288, %dot_general3A_289 {dimension_numbers = #tpu.dot_dimension_numbers<[0], [1], [1], [0], [0, 1, 1, 0], [], []>, transpose_lhs_hint = false} : vector<128x256xf32>, vector<128x128xf32>, vector<256x128xf32> -> vector<256x128xf32>
    %get3A_291 = arith.constant 56 : index
    %get3A_292 = arith.constant 0 : index
    %get3A_293 = vector.load %arg2[%get3A_291, %get3A_292] : memref<200x128xf32, #tpu.memory_space<vmem>>, vector<4x128xf32>
    %dot_general3A_294 = arith.constant dense<0.000000e+00> : vector<256x128xf32>
    %dot_general3A_295 = tpu.matmul %get3A_4, %get3A_293, %dot_general3A_294 {dimension_numbers = #tpu.dot_dimension_numbers<[1], [0], [0], [1], [0, 0, 1, 1], [], []>, transpose_lhs_hint = false} : vector<256x4xf32>, vector<4x128xf32>, vector<256x128xf32> -> vector<256x128xf32>
    %add3A_296 = arith.addf %dot_general3A_290, %dot_general3A_295 : vector<256x128xf32>
    %add3A_297 = vector.broadcast %get3A_7 : vector<256x1xf32> to vector<256x128xf32>
    %add3A_298 = arith.addf %add3A_296, %add3A_297 : vector<256x128xf32>
    %reshape3A_299 = vector.shape_cast %add3A_298 : vector<256x128xf32> to vector<4x64x128xf32>
    %swap3A_300 = arith.constant 56 : index
    %swap3A_301 = arith.constant 0 : index
    %swap3A_302 = arith.constant 0 : index
    %swap3A_303 = vector.load %arg6[%swap3A_300, %swap3A_301, %swap3A_302] : memref<200x64x128xf32, #tpu.memory_space<vmem>>, vector<4x64x128xf32>
    tpu.vector_store %arg6[%swap3A_300, %swap3A_301, %swap3A_302], %reshape3A_299 {strides = array<i32>} : memref<200x64x128xf32, #tpu.memory_space<vmem>>, vector<4x64x128xf32>,
    %get3A_304 = arith.constant 0 : index
    %get3A_305 = arith.constant 15 : index
    %get3A_306 = arith.constant 0 : index
    %get3A_307 = vector.load %arg1[%get3A_304, %get3A_305, %get3A_306] : memref<128x50x128xf32, #tpu.memory_space<vmem>>, vector<128x1x128xf32>
    %get3A_308 = vector.shape_cast %get3A_307 : vector<128x1x128xf32> to vector<128x128xf32>
    %dot_general3A_309 = arith.constant dense<0.000000e+00> : vector<256x128xf32>
    %dot_general3A_310 = tpu.matmul %get3A_1, %get3A_308, %dot_general3A_309 {dimension_numbers = #tpu.dot_dimension_numbers<[0], [1], [1], [0], [0, 1, 1, 0], [], []>, transpose_lhs_hint = false} : vector<128x256xf32>, vector<128x128xf32>, vector<256x128xf32> -> vector<256x128xf32>
    %get3A_311 = arith.constant 60 : index
    %get3A_312 = arith.constant 0 : index
    %get3A_313 = vector.load %arg2[%get3A_311, %get3A_312] : memref<200x128xf32, #tpu.memory_space<vmem>>, vector<4x128xf32>
    %dot_general3A_314 = arith.constant dense<0.000000e+00> : vector<256x128xf32>
    %dot_general3A_315 = tpu.matmul %get3A_4, %get3A_313, %dot_general3A_314 {dimension_numbers = #tpu.dot_dimension_numbers<[1], [0], [0], [1], [0, 0, 1, 1], [], []>, transpose_lhs_hint = false} : vector<256x4xf32>, vector<4x128xf32>, vector<256x128xf32> -> vector<256x128xf32>
    %add3A_316 = arith.addf %dot_general3A_310, %dot_general3A_315 : vector<256x128xf32>
    %add3A_317 = vector.broadcast %get3A_7 : vector<256x1xf32> to vector<256x128xf32>
    %add3A_318 = arith.addf %add3A_316, %add3A_317 : vector<256x128xf32>
    %reshape3A_319 = vector.shape_cast %add3A_318 : vector<256x128xf32> to vector<4x64x128xf32>
    %swap3A_320 = arith.constant 60 : index
    %swap3A_321 = arith.constant 0 : index
    %swap3A_322 = arith.constant 0 : index
    %swap3A_323 = vector.load %arg6[%swap3A_320, %swap3A_321, %swap3A_322] : memref<200x64x128xf32, #tpu.memory_space<vmem>>, vector<4x64x128xf32>
    tpu.vector_store %arg6[%swap3A_320, %swap3A_321, %swap3A_322], %reshape3A_319 {strides = array<i32>} : memref<200x64x128xf32, #tpu.memory_space<vmem>>, vector<4x64x128xf32>,
    %get3A_324 = arith.constant 0 : index
    %get3A_325 = arith.constant 16 : index
    %get3A_326 = arith.constant 0 : index
    %get3A_327 = vector.load %arg1[%get3A_324, %get3A_325, %get3A_326] : memref<128x50x128xf32, #tpu.memory_space<vmem>>, vector<128x1x128xf32>
    %get3A_328 = vector.shape_cast %get3A_327 : vector<128x1x128xf32> to vector<128x128xf32>
    %dot_general3A_329 = arith.constant dense<0.000000e+00> : vector<256x128xf32>
    %dot_general3A_330 = tpu.matmul %get3A_1, %get3A_328, %dot_general3A_329 {dimension_numbers = #tpu.dot_dimension_numbers<[0], [1], [1], [0], [0, 1, 1, 0], [], []>, transpose_lhs_hint = false} : vector<128x256xf32>, vector<128x128xf32>, vector<256x128xf32> -> vector<256x128xf32>
    %get3A_331 = arith.constant 64 : index
    %get3A_332 = arith.constant 0 : index
    %get3A_333 = vector.load %arg2[%get3A_331, %get3A_332] : memref<200x128xf32, #tpu.memory_space<vmem>>, vector<4x128xf32>
    %dot_general3A_334 = arith.constant dense<0.000000e+00> : vector<256x128xf32>
    %dot_general3A_335 = tpu.matmul %get3A_4, %get3A_333, %dot_general3A_334 {dimension_numbers = #tpu.dot_dimension_numbers<[1], [0], [0], [1], [0, 0, 1, 1], [], []>, transpose_lhs_hint = false} : vector<256x4xf32>, vector<4x128xf32>, vector<256x128xf32> -> vector<256x128xf32>
    %add3A_336 = arith.addf %dot_general3A_330, %dot_general3A_335 : vector<256x128xf32>
    %add3A_337 = vector.broadcast %get3A_7 : vector<256x1xf32> to vector<256x128xf32>
    %add3A_338 = arith.addf %add3A_336, %add3A_337 : vector<256x128xf32>
    %reshape3A_339 = vector.shape_cast %add3A_338 : vector<256x128xf32> to vector<4x64x128xf32>
    %swap3A_340 = arith.constant 64 : index
    %swap3A_341 = arith.constant 0 : index
    %swap3A_342 = arith.constant 0 : index
    %swap3A_343 = vector.load %arg6[%swap3A_340, %swap3A_341, %swap3A_342] : memref<200x64x128xf32, #tpu.memory_space<vmem>>, vector<4x64x128xf32>
    tpu.vector_store %arg6[%swap3A_340, %swap3A_341, %swap3A_342], %reshape3A_339 {strides = array<i32>} : memref<200x64x128xf32, #tpu.memory_space<vmem>>, vector<4x64x128xf32>,
    %get3A_344 = arith.constant 0 : index
    %get3A_345 = arith.constant 17 : index
    %get3A_346 = arith.constant 0 : index
    %get3A_347 = vector.load %arg1[%get3A_344, %get3A_345, %get3A_346] : memref<128x50x128xf32, #tpu.memory_space<vmem>>, vector<128x1x128xf32>
    %get3A_348 = vector.shape_cast %get3A_347 : vector<128x1x128xf32> to vector<128x128xf32>
    %dot_general3A_349 = arith.constant dense<0.000000e+00> : vector<256x128xf32>
    %dot_general3A_350 = tpu.matmul %get3A_1, %get3A_348, %dot_general3A_349 {dimension_numbers = #tpu.dot_dimension_numbers<[0], [1], [1], [0], [0, 1, 1, 0], [], []>, transpose_lhs_hint = false} : vector<128x256xf32>, vector<128x128xf32>, vector<256x128xf32> -> vector<256x128xf32>
    %get3A_351 = arith.constant 68 : index
    %get3A_352 = arith.constant 0 : index
    %get3A_353 = vector.load %arg2[%get3A_351, %get3A_352] : memref<200x128xf32, #tpu.memory_space<vmem>>, vector<4x128xf32>
    %dot_general3A_354 = arith.constant dense<0.000000e+00> : vector<256x128xf32>
    %dot_general3A_355 = tpu.matmul %get3A_4, %get3A_353, %dot_general3A_354 {dimension_numbers = #tpu.dot_dimension_numbers<[1], [0], [0], [1], [0, 0, 1, 1], [], []>, transpose_lhs_hint = false} : vector<256x4xf32>, vector<4x128xf32>, vector<256x128xf32> -> vector<256x128xf32>
    %add3A_356 = arith.addf %dot_general3A_350, %dot_general3A_355 : vector<256x128xf32>
    %add3A_357 = vector.broadcast %get3A_7 : vector<256x1xf32> to vector<256x128xf32>
    %add3A_358 = arith.addf %add3A_356, %add3A_357 : vector<256x128xf32>
    %reshape3A_359 = vector.shape_cast %add3A_358 : vector<256x128xf32> to vector<4x64x128xf32>
    %swap3A_360 = arith.constant 68 : index
    %swap3A_361 = arith.constant 0 : index
    %swap3A_362 = arith.constant 0 : index
    %swap3A_363 = vector.load %arg6[%swap3A_360, %swap3A_361, %swap3A_362] : memref<200x64x128xf32, #tpu.memory_space<vmem>>, vector<4x64x128xf32>
    tpu.vector_store %arg6[%swap3A_360, %swap3A_361, %swap3A_362], %reshape3A_359 {strides = array<i32>} : memref<200x64x128xf32, #tpu.memory_space<vmem>>, vector<4x64x128xf32>,
    %get3A_364 = arith.constant 0 : index
    %get3A_365 = arith.constant 18 : index
    %get3A_366 = arith.constant 0 : index
    %get3A_367 = vector.load %arg1[%get3A_364, %get3A_365, %get3A_366] : memref<128x50x128xf32, #tpu.memory_space<vmem>>, vector<128x1x128xf32>
    %get3A_368 = vector.shape_cast %get3A_367 : vector<128x1x128xf32> to vector<128x128xf32>
    %dot_general3A_369 = arith.constant dense<0.000000e+00> : vector<256x128xf32>
    %dot_general3A_370 = tpu.matmul %get3A_1, %get3A_368, %dot_general3A_369 {dimension_numbers = #tpu.dot_dimension_numbers<[0], [1], [1], [0], [0, 1, 1, 0], [], []>, transpose_lhs_hint = false} : vector<128x256xf32>, vector<128x128xf32>, vector<256x128xf32> -> vector<256x128xf32>
    %get3A_371 = arith.constant 72 : index
    %get3A_372 = arith.constant 0 : index
    %get3A_373 = vector.load %arg2[%get3A_371, %get3A_372] : memref<200x128xf32, #tpu.memory_space<vmem>>, vector<4x128xf32>
    %dot_general3A_374 = arith.constant dense<0.000000e+00> : vector<256x128xf32>
    %dot_general3A_375 = tpu.matmul %get3A_4, %get3A_373, %dot_general3A_374 {dimension_numbers = #tpu.dot_dimension_numbers<[1], [0], [0], [1], [0, 0, 1, 1], [], []>, transpose_lhs_hint = false} : vector<256x4xf32>, vector<4x128xf32>, vector<256x128xf32> -> vector<256x128xf32>
    %add3A_376 = arith.addf %dot_general3A_370, %dot_general3A_375 : vector<256x128xf32>
    %add3A_377 = vector.broadcast %get3A_7 : vector<256x1xf32> to vector<256x128xf32>
    %add3A_378 = arith.addf %add3A_376, %add3A_377 : vector<256x128xf32>
    %reshape3A_379 = vector.shape_cast %add3A_378 : vector<256x128xf32> to vector<4x64x128xf32>
    %swap3A_380 = arith.constant 72 : index
    %swap3A_381 = arith.constant 0 : index
    %swap3A_382 = arith.constant 0 : index
    %swap3A_383 = vector.load %arg6[%swap3A_380, %swap3A_381, %swap3A_382] : memref<200x64x128xf32, #tpu.memory_space<vmem>>, vector<4x64x128xf32>
    tpu.vector_store %arg6[%swap3A_380, %swap3A_381, %swap3A_382], %reshape3A_379 {strides = array<i32>} : memref<200x64x128xf32, #tpu.memory_space<vmem>>, vector<4x64x128xf32>,
    %get3A_384 = arith.constant 0 : index
    %get3A_385 = arith.constant 19 : index
    %get3A_386 = arith.constant 0 : index
    %get3A_387 = vector.load %arg1[%get3A_384, %get3A_385, %get3A_386] : memref<128x50x128xf32, #tpu.memory_space<vmem>>, vector<128x1x128xf32>
    %get3A_388 = vector.shape_cast %get3A_387 : vector<128x1x128xf32> to vector<128x128xf32>
    %dot_general3A_389 = arith.constant dense<0.000000e+00> : vector<256x128xf32>
    %dot_general3A_390 = tpu.matmul %get3A_1, %get3A_388, %dot_general3A_389 {dimension_numbers = #tpu.dot_dimension_numbers<[0], [1], [1], [0], [0, 1, 1, 0], [], []>, transpose_lhs_hint = false} : vector<128x256xf32>, vector<128x128xf32>, vector<256x128xf32> -> vector<256x128xf32>
    %get3A_391 = arith.constant 76 : index
    %get3A_392 = arith.constant 0 : index
    %get3A_393 = vector.load %arg2[%get3A_391, %get3A_392] : memref<200x128xf32, #tpu.memory_space<vmem>>, vector<4x128xf32>
    %dot_general3A_394 = arith.constant dense<0.000000e+00> : vector<256x128xf32>
    %dot_general3A_395 = tpu.matmul %get3A_4, %get3A_393, %dot_general3A_394 {dimension_numbers = #tpu.dot_dimension_numbers<[1], [0], [0], [1], [0, 0, 1, 1], [], []>, transpose_lhs_hint = false} : vector<256x4xf32>, vector<4x128xf32>, vector<256x128xf32> -> vector<256x128xf32>
    %add3A_396 = arith.addf %dot_general3A_390, %dot_general3A_395 : vector<256x128xf32>
    %add3A_397 = vector.broadcast %get3A_7 : vector<256x1xf32> to vector<256x128xf32>
    %add3A_398 = arith.addf %add3A_396, %add3A_397 : vector<256x128xf32>
    %reshape3A_399 = vector.shape_cast %add3A_398 : vector<256x128xf32> to vector<4x64x128xf32>
    %swap3A_400 = arith.constant 76 : index
    %swap3A_401 = arith.constant 0 : index
    %swap3A_402 = arith.constant 0 : index
    %swap3A_403 = vector.load %arg6[%swap3A_400, %swap3A_401, %swap3A_402] : memref<200x64x128xf32, #tpu.memory_space<vmem>>, vector<4x64x128xf32>
    tpu.vector_store %arg6[%swap3A_400, %swap3A_401, %swap3A_402], %reshape3A_399 {strides = array<i32>} : memref<200x64x128xf32, #tpu.memory_space<vmem>>, vector<4x64x128xf32>,
    %get3A_404 = arith.constant 0 : index
    %get3A_405 = arith.constant 20 : index
    %get3A_406 = arith.constant 0 : index
    %get3A_407 = vector.load %arg1[%get3A_404, %get3A_405, %get3A_406] : memref<128x50x128xf32, #tpu.memory_space<vmem>>, vector<128x1x128xf32>
    %get3A_408 = vector.shape_cast %get3A_407 : vector<128x1x128xf32> to vector<128x128xf32>
    %dot_general3A_409 = arith.constant dense<0.000000e+00> : vector<256x128xf32>
    %dot_general3A_410 = tpu.matmul %get3A_1, %get3A_408, %dot_general3A_409 {dimension_numbers = #tpu.dot_dimension_numbers<[0], [1], [1], [0], [0, 1, 1, 0], [], []>, transpose_lhs_hint = false} : vector<128x256xf32>, vector<128x128xf32>, vector<256x128xf32> -> vector<256x128xf32>
    %get3A_411 = arith.constant 80 : index
    %get3A_412 = arith.constant 0 : index
    %get3A_413 = vector.load %arg2[%get3A_411, %get3A_412] : memref<200x128xf32, #tpu.memory_space<vmem>>, vector<4x128xf32>
    %dot_general3A_414 = arith.constant dense<0.000000e+00> : vector<256x128xf32>
    %dot_general3A_415 = tpu.matmul %get3A_4, %get3A_413, %dot_general3A_414 {dimension_numbers = #tpu.dot_dimension_numbers<[1], [0], [0], [1], [0, 0, 1, 1], [], []>, transpose_lhs_hint = false} : vector<256x4xf32>, vector<4x128xf32>, vector<256x128xf32> -> vector<256x128xf32>
    %add3A_416 = arith.addf %dot_general3A_410, %dot_general3A_415 : vector<256x128xf32>
    %add3A_417 = vector.broadcast %get3A_7 : vector<256x1xf32> to vector<256x128xf32>
    %add3A_418 = arith.addf %add3A_416, %add3A_417 : vector<256x128xf32>
    %reshape3A_419 = vector.shape_cast %add3A_418 : vector<256x128xf32> to vector<4x64x128xf32>
    %swap3A_420 = arith.constant 80 : index
    %swap3A_421 = arith.constant 0 : index
    %swap3A_422 = arith.constant 0 : index
    %swap3A_423 = vector.load %arg6[%swap3A_420, %swap3A_421, %swap3A_422] : memref<200x64x128xf32, #tpu.memory_space<vmem>>, vector<4x64x128xf32>
    tpu.vector_store %arg6[%swap3A_420, %swap3A_421, %swap3A_422], %reshape3A_419 {strides = array<i32>} : memref<200x64x128xf32, #tpu.memory_space<vmem>>, vector<4x64x128xf32>,
    %get3A_424 = arith.constant 0 : index
    %get3A_425 = arith.constant 21 : index
    %get3A_426 = arith.constant 0 : index
    %get3A_427 = vector.load %arg1[%get3A_424, %get3A_425, %get3A_426] : memref<128x50x128xf32, #tpu.memory_space<vmem>>, vector<128x1x128xf32>
    %get3A_428 = vector.shape_cast %get3A_427 : vector<128x1x128xf32> to vector<128x128xf32>
    %dot_general3A_429 = arith.constant dense<0.000000e+00> : vector<256x128xf32>
    %dot_general3A_430 = tpu.matmul %get3A_1, %get3A_428, %dot_general3A_429 {dimension_numbers = #tpu.dot_dimension_numbers<[0], [1], [1], [0], [0, 1, 1, 0], [], []>, transpose_lhs_hint = false} : vector<128x256xf32>, vector<128x128xf32>, vector<256x128xf32> -> vector<256x128xf32>
    %get3A_431 = arith.constant 84 : index
    %get3A_432 = arith.constant 0 : index
    %get3A_433 = vector.load %arg2[%get3A_431, %get3A_432] : memref<200x128xf32, #tpu.memory_space<vmem>>, vector<4x128xf32>
    %dot_general3A_434 = arith.constant dense<0.000000e+00> : vector<256x128xf32>
    %dot_general3A_435 = tpu.matmul %get3A_4, %get3A_433, %dot_general3A_434 {dimension_numbers = #tpu.dot_dimension_numbers<[1], [0], [0], [1], [0, 0, 1, 1], [], []>, transpose_lhs_hint = false} : vector<256x4xf32>, vector<4x128xf32>, vector<256x128xf32> -> vector<256x128xf32>
    %add3A_436 = arith.addf %dot_general3A_430, %dot_general3A_435 : vector<256x128xf32>
    %add3A_437 = vector.broadcast %get3A_7 : vector<256x1xf32> to vector<256x128xf32>
    %add3A_438 = arith.addf %add3A_436, %add3A_437 : vector<256x128xf32>
    %reshape3A_439 = vector.shape_cast %add3A_438 : vector<256x128xf32> to vector<4x64x128xf32>
    %swap3A_440 = arith.constant 84 : index
    %swap3A_441 = arith.constant 0 : index
    %swap3A_442 = arith.constant 0 : index
    %swap3A_443 = vector.load %arg6[%swap3A_440, %swap3A_441, %swap3A_442] : memref<200x64x128xf32, #tpu.memory_space<vmem>>, vector<4x64x128xf32>
    tpu.vector_store %arg6[%swap3A_440, %swap3A_441, %swap3A_442], %reshape3A_439 {strides = array<i32>} : memref<200x64x128xf32, #tpu.memory_space<vmem>>, vector<4x64x128xf32>,
    %get3A_444 = arith.constant 0 : index
    %get3A_445 = arith.constant 22 : index
    %get3A_446 = arith.constant 0 : index
    %get3A_447 = vector.load %arg1[%get3A_444, %get3A_445, %get3A_446] : memref<128x50x128xf32, #tpu.memory_space<vmem>>, vector<128x1x128xf32>
    %get3A_448 = vector.shape_cast %get3A_447 : vector<128x1x128xf32> to vector<128x128xf32>
    %dot_general3A_449 = arith.constant dense<0.000000e+00> : vector<256x128xf32>
    %dot_general3A_450 = tpu.matmul %get3A_1, %get3A_448, %dot_general3A_449 {dimension_numbers = #tpu.dot_dimension_numbers<[0], [1], [1], [0], [0, 1, 1, 0], [], []>, transpose_lhs_hint = false} : vector<128x256xf32>, vector<128x128xf32>, vector<256x128xf32> -> vector<256x128xf32>
    %get3A_451 = arith.constant 88 : index
    %get3A_452 = arith.constant 0 : index
    %get3A_453 = vector.load %arg2[%get3A_451, %get3A_452] : memref<200x128xf32, #tpu.memory_space<vmem>>, vector<4x128xf32>
    %dot_general3A_454 = arith.constant dense<0.000000e+00> : vector<256x128xf32>
    %dot_general3A_455 = tpu.matmul %get3A_4, %get3A_453, %dot_general3A_454 {dimension_numbers = #tpu.dot_dimension_numbers<[1], [0], [0], [1], [0, 0, 1, 1], [], []>, transpose_lhs_hint = false} : vector<256x4xf32>, vector<4x128xf32>, vector<256x128xf32> -> vector<256x128xf32>
    %add3A_456 = arith.addf %dot_general3A_450, %dot_general3A_455 : vector<256x128xf32>
    %add3A_457 = vector.broadcast %get3A_7 : vector<256x1xf32> to vector<256x128xf32>
    %add3A_458 = arith.addf %add3A_456, %add3A_457 : vector<256x128xf32>
    %reshape3A_459 = vector.shape_cast %add3A_458 : vector<256x128xf32> to vector<4x64x128xf32>
    %swap3A_460 = arith.constant 88 : index
    %swap3A_461 = arith.constant 0 : index
    %swap3A_462 = arith.constant 0 : index
    %swap3A_463 = vector.load %arg6[%swap3A_460, %swap3A_461, %swap3A_462] : memref<200x64x128xf32, #tpu.memory_space<vmem>>, vector<4x64x128xf32>
    tpu.vector_store %arg6[%swap3A_460, %swap3A_461, %swap3A_462], %reshape3A_459 {strides = array<i32>} : memref<200x64x128xf32, #tpu.memory_space<vmem>>, vector<4x64x128xf32>,
    %get3A_464 = arith.constant 0 : index
    %get3A_465 = arith.constant 23 : index
    %get3A_466 = arith.constant 0 : index
    %get3A_467 = vector.load %arg1[%get3A_464, %get3A_465, %get3A_466] : memref<128x50x128xf32, #tpu.memory_space<vmem>>, vector<128x1x128xf32>
    %get3A_468 = vector.shape_cast %get3A_467 : vector<128x1x128xf32> to vector<128x128xf32>
    %dot_general3A_469 = arith.constant dense<0.000000e+00> : vector<256x128xf32>
    %dot_general3A_470 = tpu.matmul %get3A_1, %get3A_468, %dot_general3A_469 {dimension_numbers = #tpu.dot_dimension_numbers<[0], [1], [1], [0], [0, 1, 1, 0], [], []>, transpose_lhs_hint = false} : vector<128x256xf32>, vector<128x128xf32>, vector<256x128xf32> -> vector<256x128xf32>
    %get3A_471 = arith.constant 92 : index
    %get3A_472 = arith.constant 0 : index
    %get3A_473 = vector.load %arg2[%get3A_471, %get3A_472] : memref<200x128xf32, #tpu.memory_space<vmem>>, vector<4x128xf32>
    %dot_general3A_474 = arith.constant dense<0.000000e+00> : vector<256x128xf32>
    %dot_general3A_475 = tpu.matmul %get3A_4, %get3A_473, %dot_general3A_474 {dimension_numbers = #tpu.dot_dimension_numbers<[1], [0], [0], [1], [0, 0, 1, 1], [], []>, transpose_lhs_hint = false} : vector<256x4xf32>, vector<4x128xf32>, vector<256x128xf32> -> vector<256x128xf32>
    %add3A_476 = arith.addf %dot_general3A_470, %dot_general3A_475 : vector<256x128xf32>
    %add3A_477 = vector.broadcast %get3A_7 : vector<256x1xf32> to vector<256x128xf32>
    %add3A_478 = arith.addf %add3A_476, %add3A_477 : vector<256x128xf32>
    %reshape3A_479 = vector.shape_cast %add3A_478 : vector<256x128xf32> to vector<4x64x128xf32>
    %swap3A_480 = arith.constant 92 : index
    %swap3A_481 = arith.constant 0 : index
    %swap3A_482 = arith.constant 0 : index
    %swap3A_483 = vector.load %arg6[%swap3A_480, %swap3A_481, %swap3A_482] : memref<200x64x128xf32, #tpu.memory_space<vmem>>, vector<4x64x128xf32>
    tpu.vector_store %arg6[%swap3A_480, %swap3A_481, %swap3A_482], %reshape3A_479 {strides = array<i32>} : memref<200x64x128xf32, #tpu.memory_space<vmem>>, vector<4x64x128xf32>,
    %get3A_484 = arith.constant 0 : index
    %get3A_485 = arith.constant 24 : index
    %get3A_486 = arith.constant 0 : index
    %get3A_487 = vector.load %arg1[%get3A_484, %get3A_485, %get3A_486] : memref<128x50x128xf32, #tpu.memory_space<vmem>>, vector<128x1x128xf32>
    %get3A_488 = vector.shape_cast %get3A_487 : vector<128x1x128xf32> to vector<128x128xf32>
    %dot_general3A_489 = arith.constant dense<0.000000e+00> : vector<256x128xf32>
    %dot_general3A_490 = tpu.matmul %get3A_1, %get3A_488, %dot_general3A_489 {dimension_numbers = #tpu.dot_dimension_numbers<[0], [1], [1], [0], [0, 1, 1, 0], [], []>, transpose_lhs_hint = false} : vector<128x256xf32>, vector<128x128xf32>, vector<256x128xf32> -> vector<256x128xf32>
    %get3A_491 = arith.constant 96 : index
    %get3A_492 = arith.constant 0 : index
    %get3A_493 = vector.load %arg2[%get3A_491, %get3A_492] : memref<200x128xf32, #tpu.memory_space<vmem>>, vector<4x128xf32>
    %dot_general3A_494 = arith.constant dense<0.000000e+00> : vector<256x128xf32>
    %dot_general3A_495 = tpu.matmul %get3A_4, %get3A_493, %dot_general3A_494 {dimension_numbers = #tpu.dot_dimension_numbers<[1], [0], [0], [1], [0, 0, 1, 1], [], []>, transpose_lhs_hint = false} : vector<256x4xf32>, vector<4x128xf32>, vector<256x128xf32> -> vector<256x128xf32>
    %add3A_496 = arith.addf %dot_general3A_490, %dot_general3A_495 : vector<256x128xf32>
    %add3A_497 = vector.broadcast %get3A_7 : vector<256x1xf32> to vector<256x128xf32>
    %add3A_498 = arith.addf %add3A_496, %add3A_497 : vector<256x128xf32>
    %reshape3A_499 = vector.shape_cast %add3A_498 : vector<256x128xf32> to vector<4x64x128xf32>
    %swap3A_500 = arith.constant 96 : index
    %swap3A_501 = arith.constant 0 : index
    %swap3A_502 = arith.constant 0 : index
    %swap3A_503 = vector.load %arg6[%swap3A_500, %swap3A_501, %swap3A_502] : memref<200x64x128xf32, #tpu.memory_space<vmem>>, vector<4x64x128xf32>
    tpu.vector_store %arg6[%swap3A_500, %swap3A_501, %swap3A_502], %reshape3A_499 {strides = array<i32>} : memref<200x64x128xf32, #tpu.memory_space<vmem>>, vector<4x64x128xf32>,
    %get3A_504 = arith.constant 0 : index
    %get3A_505 = arith.constant 25 : index
    %get3A_506 = arith.constant 0 : index
    %get3A_507 = vector.load %arg1[%get3A_504, %get3A_505, %get3A_506] : memref<128x50x128xf32, #tpu.memory_space<vmem>>, vector<128x1x128xf32>
    %get3A_508 = vector.shape_cast %get3A_507 : vector<128x1x128xf32> to vector<128x128xf32>
    %dot_general3A_509 = arith.constant dense<0.000000e+00> : vector<256x128xf32>
    %dot_general3A_510 = tpu.matmul %get3A_1, %get3A_508, %dot_general3A_509 {dimension_numbers = #tpu.dot_dimension_numbers<[0], [1], [1], [0], [0, 1, 1, 0], [], []>, transpose_lhs_hint = false} : vector<128x256xf32>, vector<128x128xf32>, vector<256x128xf32> -> vector<256x128xf32>
    %get3A_511 = arith.constant 100 : index
    %get3A_512 = arith.constant 0 : index
    %get3A_513 = vector.load %arg2[%get3A_511, %get3A_512] : memref<200x128xf32, #tpu.memory_space<vmem>>, vector<4x128xf32>
    %dot_general3A_514 = arith.constant dense<0.000000e+00> : vector<256x128xf32>
    %dot_general3A_515 = tpu.matmul %get3A_4, %get3A_513, %dot_general3A_514 {dimension_numbers = #tpu.dot_dimension_numbers<[1], [0], [0], [1], [0, 0, 1, 1], [], []>, transpose_lhs_hint = false} : vector<256x4xf32>, vector<4x128xf32>, vector<256x128xf32> -> vector<256x128xf32>
    %add3A_516 = arith.addf %dot_general3A_510, %dot_general3A_515 : vector<256x128xf32>
    %add3A_517 = vector.broadcast %get3A_7 : vector<256x1xf32> to vector<256x128xf32>
    %add3A_518 = arith.addf %add3A_516, %add3A_517 : vector<256x128xf32>
    %reshape3A_519 = vector.shape_cast %add3A_518 : vector<256x128xf32> to vector<4x64x128xf32>
    %swap3A_520 = arith.constant 100 : index
    %swap3A_521 = arith.constant 0 : index
    %swap3A_522 = arith.constant 0 : index
    %swap3A_523 = vector.load %arg6[%swap3A_520, %swap3A_521, %swap3A_522] : memref<200x64x128xf32, #tpu.memory_space<vmem>>, vector<4x64x128xf32>
    tpu.vector_store %arg6[%swap3A_520, %swap3A_521, %swap3A_522], %reshape3A_519 {strides = array<i32>} : memref<200x64x128xf32, #tpu.memory_space<vmem>>, vector<4x64x128xf32>,
    %get3A_524 = arith.constant 0 : index
    %get3A_525 = arith.constant 26 : index
    %get3A_526 = arith.constant 0 : index
    %get3A_527 = vector.load %arg1[%get3A_524, %get3A_525, %get3A_526] : memref<128x50x128xf32, #tpu.memory_space<vmem>>, vector<128x1x128xf32>
    %get3A_528 = vector.shape_cast %get3A_527 : vector<128x1x128xf32> to vector<128x128xf32>
    %dot_general3A_529 = arith.constant dense<0.000000e+00> : vector<256x128xf32>
    %dot_general3A_530 = tpu.matmul %get3A_1, %get3A_528, %dot_general3A_529 {dimension_numbers = #tpu.dot_dimension_numbers<[0], [1], [1], [0], [0, 1, 1, 0], [], []>, transpose_lhs_hint = false} : vector<128x256xf32>, vector<128x128xf32>, vector<256x128xf32> -> vector<256x128xf32>
    %get3A_531 = arith.constant 104 : index
    %get3A_532 = arith.constant 0 : index
    %get3A_533 = vector.load %arg2[%get3A_531, %get3A_532] : memref<200x128xf32, #tpu.memory_space<vmem>>, vector<4x128xf32>
    %dot_general3A_534 = arith.constant dense<0.000000e+00> : vector<256x128xf32>
    %dot_general3A_535 = tpu.matmul %get3A_4, %get3A_533, %dot_general3A_534 {dimension_numbers = #tpu.dot_dimension_numbers<[1], [0], [0], [1], [0, 0, 1, 1], [], []>, transpose_lhs_hint = false} : vector<256x4xf32>, vector<4x128xf32>, vector<256x128xf32> -> vector<256x128xf32>
    %add3A_536 = arith.addf %dot_general3A_530, %dot_general3A_535 : vector<256x128xf32>
    %add3A_537 = vector.broadcast %get3A_7 : vector<256x1xf32> to vector<256x128xf32>
    %add3A_538 = arith.addf %add3A_536, %add3A_537 : vector<256x128xf32>
    %reshape3A_539 = vector.shape_cast %add3A_538 : vector<256x128xf32> to vector<4x64x128xf32>
    %swap3A_540 = arith.constant 104 : index
    %swap3A_541 = arith.constant 0 : index
    %swap3A_542 = arith.constant 0 : index
    %swap3A_543 = vector.load %arg6[%swap3A_540, %swap3A_541, %swap3A_542] : memref<200x64x128xf32, #tpu.memory_space<vmem>>, vector<4x64x128xf32>
    tpu.vector_store %arg6[%swap3A_540, %swap3A_541, %swap3A_542], %reshape3A_539 {strides = array<i32>} : memref<200x64x128xf32, #tpu.memory_space<vmem>>, vector<4x64x128xf32>,
    %get3A_544 = arith.constant 0 : index
    %get3A_545 = arith.constant 27 : index
    %get3A_546 = arith.constant 0 : index
    %get3A_547 = vector.load %arg1[%get3A_544, %get3A_545, %get3A_546] : memref<128x50x128xf32, #tpu.memory_space<vmem>>, vector<128x1x128xf32>
    %get3A_548 = vector.shape_cast %get3A_547 : vector<128x1x128xf32> to vector<128x128xf32>
    %dot_general3A_549 = arith.constant dense<0.000000e+00> : vector<256x128xf32>
    %dot_general3A_550 = tpu.matmul %get3A_1, %get3A_548, %dot_general3A_549 {dimension_numbers = #tpu.dot_dimension_numbers<[0], [1], [1], [0], [0, 1, 1, 0], [], []>, transpose_lhs_hint = false} : vector<128x256xf32>, vector<128x128xf32>, vector<256x128xf32> -> vector<256x128xf32>
    %get3A_551 = arith.constant 108 : index
    %get3A_552 = arith.constant 0 : index
    %get3A_553 = vector.load %arg2[%get3A_551, %get3A_552] : memref<200x128xf32, #tpu.memory_space<vmem>>, vector<4x128xf32>
    %dot_general3A_554 = arith.constant dense<0.000000e+00> : vector<256x128xf32>
    %dot_general3A_555 = tpu.matmul %get3A_4, %get3A_553, %dot_general3A_554 {dimension_numbers = #tpu.dot_dimension_numbers<[1], [0], [0], [1], [0, 0, 1, 1], [], []>, transpose_lhs_hint = false} : vector<256x4xf32>, vector<4x128xf32>, vector<256x128xf32> -> vector<256x128xf32>
    %add3A_556 = arith.addf %dot_general3A_550, %dot_general3A_555 : vector<256x128xf32>
    %add3A_557 = vector.broadcast %get3A_7 : vector<256x1xf32> to vector<256x128xf32>
    %add3A_558 = arith.addf %add3A_556, %add3A_557 : vector<256x128xf32>
    %reshape3A_559 = vector.shape_cast %add3A_558 : vector<256x128xf32> to vector<4x64x128xf32>
    %swap3A_560 = arith.constant 108 : index
    %swap3A_561 = arith.constant 0 : index
    %swap3A_562 = arith.constant 0 : index
    %swap3A_563 = vector.load %arg6[%swap3A_560, %swap3A_561, %swap3A_562] : memref<200x64x128xf32, #tpu.memory_space<vmem>>, vector<4x64x128xf32>
    tpu.vector_store %arg6[%swap3A_560, %swap3A_561, %swap3A_562], %reshape3A_559 {strides = array<i32>} : memref<200x64x128xf32, #tpu.memory_space<vmem>>, vector<4x64x128xf32>,
    %get3A_564 = arith.constant 0 : index
    %get3A_565 = arith.constant 28 : index
    %get3A_566 = arith.constant 0 : index
    %get3A_567 = vector.load %arg1[%get3A_564, %get3A_565, %get3A_566] : memref<128x50x128xf32, #tpu.memory_space<vmem>>, vector<128x1x128xf32>
    %get3A_568 = vector.shape_cast %get3A_567 : vector<128x1x128xf32> to vector<128x128xf32>
    %dot_general3A_569 = arith.constant dense<0.000000e+00> : vector<256x128xf32>
    %dot_general3A_570 = tpu.matmul %get3A_1, %get3A_568, %dot_general3A_569 {dimension_numbers = #tpu.dot_dimension_numbers<[0], [1], [1], [0], [0, 1, 1, 0], [], []>, transpose_lhs_hint = false} : vector<128x256xf32>, vector<128x128xf32>, vector<256x128xf32> -> vector<256x128xf32>
    %get3A_571 = arith.constant 112 : index
    %get3A_572 = arith.constant 0 : index
    %get3A_573 = vector.load %arg2[%get3A_571, %get3A_572] : memref<200x128xf32, #tpu.memory_space<vmem>>, vector<4x128xf32>
    %dot_general3A_574 = arith.constant dense<0.000000e+00> : vector<256x128xf32>
    %dot_general3A_575 = tpu.matmul %get3A_4, %get3A_573, %dot_general3A_574 {dimension_numbers = #tpu.dot_dimension_numbers<[1], [0], [0], [1], [0, 0, 1, 1], [], []>, transpose_lhs_hint = false} : vector<256x4xf32>, vector<4x128xf32>, vector<256x128xf32> -> vector<256x128xf32>
    %add3A_576 = arith.addf %dot_general3A_570, %dot_general3A_575 : vector<256x128xf32>
    %add3A_577 = vector.broadcast %get3A_7 : vector<256x1xf32> to vector<256x128xf32>
    %add3A_578 = arith.addf %add3A_576, %add3A_577 : vector<256x128xf32>
    %reshape3A_579 = vector.shape_cast %add3A_578 : vector<256x128xf32> to vector<4x64x128xf32>
    %swap3A_580 = arith.constant 112 : index
    %swap3A_581 = arith.constant 0 : index
    %swap3A_582 = arith.constant 0 : index
    %swap3A_583 = vector.load %arg6[%swap3A_580, %swap3A_581, %swap3A_582] : memref<200x64x128xf32, #tpu.memory_space<vmem>>, vector<4x64x128xf32>
    tpu.vector_store %arg6[%swap3A_580, %swap3A_581, %swap3A_582], %reshape3A_579 {strides = array<i32>} : memref<200x64x128xf32, #tpu.memory_space<vmem>>, vector<4x64x128xf32>,
    %get3A_584 = arith.constant 0 : index
    %get3A_585 = arith.constant 29 : index
    %get3A_586 = arith.constant 0 : index
    %get3A_587 = vector.load %arg1[%get3A_584, %get3A_585, %get3A_586] : memref<128x50x128xf32, #tpu.memory_space<vmem>>, vector<128x1x128xf32>
    %get3A_588 = vector.shape_cast %get3A_587 : vector<128x1x128xf32> to vector<128x128xf32>
    %dot_general3A_589 = arith.constant dense<0.000000e+00> : vector<256x128xf32>
    %dot_general3A_590 = tpu.matmul %get3A_1, %get3A_588, %dot_general3A_589 {dimension_numbers = #tpu.dot_dimension_numbers<[0], [1], [1], [0], [0, 1, 1, 0], [], []>, transpose_lhs_hint = false} : vector<128x256xf32>, vector<128x128xf32>, vector<256x128xf32> -> vector<256x128xf32>
    %get3A_591 = arith.constant 116 : index
    %get3A_592 = arith.constant 0 : index
    %get3A_593 = vector.load %arg2[%get3A_591, %get3A_592] : memref<200x128xf32, #tpu.memory_space<vmem>>, vector<4x128xf32>
    %dot_general3A_594 = arith.constant dense<0.000000e+00> : vector<256x128xf32>
    %dot_general3A_595 = tpu.matmul %get3A_4, %get3A_593, %dot_general3A_594 {dimension_numbers = #tpu.dot_dimension_numbers<[1], [0], [0], [1], [0, 0, 1, 1], [], []>, transpose_lhs_hint = false} : vector<256x4xf32>, vector<4x128xf32>, vector<256x128xf32> -> vector<256x128xf32>
    %add3A_596 = arith.addf %dot_general3A_590, %dot_general3A_595 : vector<256x128xf32>
    %add3A_597 = vector.broadcast %get3A_7 : vector<256x1xf32> to vector<256x128xf32>
    %add3A_598 = arith.addf %add3A_596, %add3A_597 : vector<256x128xf32>
    %reshape3A_599 = vector.shape_cast %add3A_598 : vector<256x128xf32> to vector<4x64x128xf32>
    %swap3A_600 = arith.constant 116 : index
    %swap3A_601 = arith.constant 0 : index
    %swap3A_602 = arith.constant 0 : index
    %swap3A_603 = vector.load %arg6[%swap3A_600, %swap3A_601, %swap3A_602] : memref<200x64x128xf32, #tpu.memory_space<vmem>>, vector<4x64x128xf32>
    tpu.vector_store %arg6[%swap3A_600, %swap3A_601, %swap3A_602], %reshape3A_599 {strides = array<i32>} : memref<200x64x128xf32, #tpu.memory_space<vmem>>, vector<4x64x128xf32>,
    %get3A_604 = arith.constant 0 : index
    %get3A_605 = arith.constant 30 : index
    %get3A_606 = arith.constant 0 : index
    %get3A_607 = vector.load %arg1[%get3A_604, %get3A_605, %get3A_606] : memref<128x50x128xf32, #tpu.memory_space<vmem>>, vector<128x1x128xf32>
    %get3A_608 = vector.shape_cast %get3A_607 : vector<128x1x128xf32> to vector<128x128xf32>
    %dot_general3A_609 = arith.constant dense<0.000000e+00> : vector<256x128xf32>
    %dot_general3A_610 = tpu.matmul %get3A_1, %get3A_608, %dot_general3A_609 {dimension_numbers = #tpu.dot_dimension_numbers<[0], [1], [1], [0], [0, 1, 1, 0], [], []>, transpose_lhs_hint = false} : vector<128x256xf32>, vector<128x128xf32>, vector<256x128xf32> -> vector<256x128xf32>
    %get3A_611 = arith.constant 120 : index
    %get3A_612 = arith.constant 0 : index
    %get3A_613 = vector.load %arg2[%get3A_611, %get3A_612] : memref<200x128xf32, #tpu.memory_space<vmem>>, vector<4x128xf32>
    %dot_general3A_614 = arith.constant dense<0.000000e+00> : vector<256x128xf32>
    %dot_general3A_615 = tpu.matmul %get3A_4, %get3A_613, %dot_general3A_614 {dimension_numbers = #tpu.dot_dimension_numbers<[1], [0], [0], [1], [0, 0, 1, 1], [], []>, transpose_lhs_hint = false} : vector<256x4xf32>, vector<4x128xf32>, vector<256x128xf32> -> vector<256x128xf32>
    %add3A_616 = arith.addf %dot_general3A_610, %dot_general3A_615 : vector<256x128xf32>
    %add3A_617 = vector.broadcast %get3A_7 : vector<256x1xf32> to vector<256x128xf32>
    %add3A_618 = arith.addf %add3A_616, %add3A_617 : vector<256x128xf32>
    %reshape3A_619 = vector.shape_cast %add3A_618 : vector<256x128xf32> to vector<4x64x128xf32>
    %swap3A_620 = arith.constant 120 : index
    %swap3A_621 = arith.constant 0 : index
    %swap3A_622 = arith.constant 0 : index
    %swap3A_623 = vector.load %arg6[%swap3A_620, %swap3A_621, %swap3A_622] : memref<200x64x128xf32, #tpu.memory_space<vmem>>, vector<4x64x128xf32>
    tpu.vector_store %arg6[%swap3A_620, %swap3A_621, %swap3A_622], %reshape3A_619 {strides = array<i32>} : memref<200x64x128xf32, #tpu.memory_space<vmem>>, vector<4x64x128xf32>,
    %get3A_624 = arith.constant 0 : index
    %get3A_625 = arith.constant 31 : index
    %get3A_626 = arith.constant 0 : index
    %get3A_627 = vector.load %arg1[%get3A_624, %get3A_625, %get3A_626] : memref<128x50x128xf32, #tpu.memory_space<vmem>>, vector<128x1x128xf32>
    %get3A_628 = vector.shape_cast %get3A_627 : vector<128x1x128xf32> to vector<128x128xf32>
    %dot_general3A_629 = arith.constant dense<0.000000e+00> : vector<256x128xf32>
    %dot_general3A_630 = tpu.matmul %get3A_1, %get3A_628, %dot_general3A_629 {dimension_numbers = #tpu.dot_dimension_numbers<[0], [1], [1], [0], [0, 1, 1, 0], [], []>, transpose_lhs_hint = false} : vector<128x256xf32>, vector<128x128xf32>, vector<256x128xf32> -> vector<256x128xf32>
    %get3A_631 = arith.constant 124 : index
    %get3A_632 = arith.constant 0 : index
    %get3A_633 = vector.load %arg2[%get3A_631, %get3A_632] : memref<200x128xf32, #tpu.memory_space<vmem>>, vector<4x128xf32>
    %dot_general3A_634 = arith.constant dense<0.000000e+00> : vector<256x128xf32>
    %dot_general3A_635 = tpu.matmul %get3A_4, %get3A_633, %dot_general3A_634 {dimension_numbers = #tpu.dot_dimension_numbers<[1], [0], [0], [1], [0, 0, 1, 1], [], []>, transpose_lhs_hint = false} : vector<256x4xf32>, vector<4x128xf32>, vector<256x128xf32> -> vector<256x128xf32>
    %add3A_636 = arith.addf %dot_general3A_630, %dot_general3A_635 : vector<256x128xf32>
    %add3A_637 = vector.broadcast %get3A_7 : vector<256x1xf32> to vector<256x128xf32>
    %add3A_638 = arith.addf %add3A_636, %add3A_637 : vector<256x128xf32>
    %reshape3A_639 = vector.shape_cast %add3A_638 : vector<256x128xf32> to vector<4x64x128xf32>
    %swap3A_640 = arith.constant 124 : index
    %swap3A_641 = arith.constant 0 : index
    %swap3A_642 = arith.constant 0 : index
    %swap3A_643 = vector.load %arg6[%swap3A_640, %swap3A_641, %swap3A_642] : memref<200x64x128xf32, #tpu.memory_space<vmem>>, vector<4x64x128xf32>
    tpu.vector_store %arg6[%swap3A_640, %swap3A_641, %swap3A_642], %reshape3A_639 {strides = array<i32>} : memref<200x64x128xf32, #tpu.memory_space<vmem>>, vector<4x64x128xf32>,
    %get3A_644 = arith.constant 0 : index
    %get3A_645 = arith.constant 32 : index
    %get3A_646 = arith.constant 0 : index
    %get3A_647 = vector.load %arg1[%get3A_644, %get3A_645, %get3A_646] : memref<128x50x128xf32, #tpu.memory_space<vmem>>, vector<128x1x128xf32>
    %get3A_648 = vector.shape_cast %get3A_647 : vector<128x1x128xf32> to vector<128x128xf32>
    %dot_general3A_649 = arith.constant dense<0.000000e+00> : vector<256x128xf32>
    %dot_general3A_650 = tpu.matmul %get3A_1, %get3A_648, %dot_general3A_649 {dimension_numbers = #tpu.dot_dimension_numbers<[0], [1], [1], [0], [0, 1, 1, 0], [], []>, transpose_lhs_hint = false} : vector<128x256xf32>, vector<128x128xf32>, vector<256x128xf32> -> vector<256x128xf32>
    %get3A_651 = arith.constant 128 : index
    %get3A_652 = arith.constant 0 : index
    %get3A_653 = vector.load %arg2[%get3A_651, %get3A_652] : memref<200x128xf32, #tpu.memory_space<vmem>>, vector<4x128xf32>
    %dot_general3A_654 = arith.constant dense<0.000000e+00> : vector<256x128xf32>
    %dot_general3A_655 = tpu.matmul %get3A_4, %get3A_653, %dot_general3A_654 {dimension_numbers = #tpu.dot_dimension_numbers<[1], [0], [0], [1], [0, 0, 1, 1], [], []>, transpose_lhs_hint = false} : vector<256x4xf32>, vector<4x128xf32>, vector<256x128xf32> -> vector<256x128xf32>
    %add3A_656 = arith.addf %dot_general3A_650, %dot_general3A_655 : vector<256x128xf32>
    %add3A_657 = vector.broadcast %get3A_7 : vector<256x1xf32> to vector<256x128xf32>
    %add3A_658 = arith.addf %add3A_656, %add3A_657 : vector<256x128xf32>
    %reshape3A_659 = vector.shape_cast %add3A_658 : vector<256x128xf32> to vector<4x64x128xf32>
    %swap3A_660 = arith.constant 128 : index
    %swap3A_661 = arith.constant 0 : index
    %swap3A_662 = arith.constant 0 : index
    %swap3A_663 = vector.load %arg6[%swap3A_660, %swap3A_661, %swap3A_662] : memref<200x64x128xf32, #tpu.memory_space<vmem>>, vector<4x64x128xf32>
    tpu.vector_store %arg6[%swap3A_660, %swap3A_661, %swap3A_662], %reshape3A_659 {strides = array<i32>} : memref<200x64x128xf32, #tpu.memory_space<vmem>>, vector<4x64x128xf32>,
    %get3A_664 = arith.constant 0 : index
    %get3A_665 = arith.constant 33 : index
    %get3A_666 = arith.constant 0 : index
    %get3A_667 = vector.load %arg1[%get3A_664, %get3A_665, %get3A_666] : memref<128x50x128xf32, #tpu.memory_space<vmem>>, vector<128x1x128xf32>
    %get3A_668 = vector.shape_cast %get3A_667 : vector<128x1x128xf32> to vector<128x128xf32>
    %dot_general3A_669 = arith.constant dense<0.000000e+00> : vector<256x128xf32>
    %dot_general3A_670 = tpu.matmul %get3A_1, %get3A_668, %dot_general3A_669 {dimension_numbers = #tpu.dot_dimension_numbers<[0], [1], [1], [0], [0, 1, 1, 0], [], []>, transpose_lhs_hint = false} : vector<128x256xf32>, vector<128x128xf32>, vector<256x128xf32> -> vector<256x128xf32>
    %get3A_671 = arith.constant 132 : index
    %get3A_672 = arith.constant 0 : index
    %get3A_673 = vector.load %arg2[%get3A_671, %get3A_672] : memref<200x128xf32, #tpu.memory_space<vmem>>, vector<4x128xf32>
    %dot_general3A_674 = arith.constant dense<0.000000e+00> : vector<256x128xf32>
    %dot_general3A_675 = tpu.matmul %get3A_4, %get3A_673, %dot_general3A_674 {dimension_numbers = #tpu.dot_dimension_numbers<[1], [0], [0], [1], [0, 0, 1, 1], [], []>, transpose_lhs_hint = false} : vector<256x4xf32>, vector<4x128xf32>, vector<256x128xf32> -> vector<256x128xf32>
    %add3A_676 = arith.addf %dot_general3A_670, %dot_general3A_675 : vector<256x128xf32>
    %add3A_677 = vector.broadcast %get3A_7 : vector<256x1xf32> to vector<256x128xf32>
    %add3A_678 = arith.addf %add3A_676, %add3A_677 : vector<256x128xf32>
    %reshape3A_679 = vector.shape_cast %add3A_678 : vector<256x128xf32> to vector<4x64x128xf32>
    %swap3A_680 = arith.constant 132 : index
    %swap3A_681 = arith.constant 0 : index
    %swap3A_682 = arith.constant 0 : index
    %swap3A_683 = vector.load %arg6[%swap3A_680, %swap3A_681, %swap3A_682] : memref<200x64x128xf32, #tpu.memory_space<vmem>>, vector<4x64x128xf32>
    tpu.vector_store %arg6[%swap3A_680, %swap3A_681, %swap3A_682], %reshape3A_679 {strides = array<i32>} : memref<200x64x128xf32, #tpu.memory_space<vmem>>, vector<4x64x128xf32>,
    %get3A_684 = arith.constant 0 : index
    %get3A_685 = arith.constant 34 : index
    %get3A_686 = arith.constant 0 : index
    %get3A_687 = vector.load %arg1[%get3A_684, %get3A_685, %get3A_686] : memref<128x50x128xf32, #tpu.memory_space<vmem>>, vector<128x1x128xf32>
    %get3A_688 = vector.shape_cast %get3A_687 : vector<128x1x128xf32> to vector<128x128xf32>
    %dot_general3A_689 = arith.constant dense<0.000000e+00> : vector<256x128xf32>
    %dot_general3A_690 = tpu.matmul %get3A_1, %get3A_688, %dot_general3A_689 {dimension_numbers = #tpu.dot_dimension_numbers<[0], [1], [1], [0], [0, 1, 1, 0], [], []>, transpose_lhs_hint = false} : vector<128x256xf32>, vector<128x128xf32>, vector<256x128xf32> -> vector<256x128xf32>
    %get3A_691 = arith.constant 136 : index
    %get3A_692 = arith.constant 0 : index
    %get3A_693 = vector.load %arg2[%get3A_691, %get3A_692] : memref<200x128xf32, #tpu.memory_space<vmem>>, vector<4x128xf32>
    %dot_general3A_694 = arith.constant dense<0.000000e+00> : vector<256x128xf32>
    %dot_general3A_695 = tpu.matmul %get3A_4, %get3A_693, %dot_general3A_694 {dimension_numbers = #tpu.dot_dimension_numbers<[1], [0], [0], [1], [0, 0, 1, 1], [], []>, transpose_lhs_hint = false} : vector<256x4xf32>, vector<4x128xf32>, vector<256x128xf32> -> vector<256x128xf32>
    %add3A_696 = arith.addf %dot_general3A_690, %dot_general3A_695 : vector<256x128xf32>
    %add3A_697 = vector.broadcast %get3A_7 : vector<256x1xf32> to vector<256x128xf32>
    %add3A_698 = arith.addf %add3A_696, %add3A_697 : vector<256x128xf32>
    %reshape3A_699 = vector.shape_cast %add3A_698 : vector<256x128xf32> to vector<4x64x128xf32>
    %swap3A_700 = arith.constant 136 : index
    %swap3A_701 = arith.constant 0 : index
    %swap3A_702 = arith.constant 0 : index
    %swap3A_703 = vector.load %arg6[%swap3A_700, %swap3A_701, %swap3A_702] : memref<200x64x128xf32, #tpu.memory_space<vmem>>, vector<4x64x128xf32>
    tpu.vector_store %arg6[%swap3A_700, %swap3A_701, %swap3A_702], %reshape3A_699 {strides = array<i32>} : memref<200x64x128xf32, #tpu.memory_space<vmem>>, vector<4x64x128xf32>,
    %get3A_704 = arith.constant 0 : index
    %get3A_705 = arith.constant 35 : index
    %get3A_706 = arith.constant 0 : index
    %get3A_707 = vector.load %arg1[%get3A_704, %get3A_705, %get3A_706] : memref<128x50x128xf32, #tpu.memory_space<vmem>>, vector<128x1x128xf32>
    %get3A_708 = vector.shape_cast %get3A_707 : vector<128x1x128xf32> to vector<128x128xf32>
    %dot_general3A_709 = arith.constant dense<0.000000e+00> : vector<256x128xf32>
    %dot_general3A_710 = tpu.matmul %get3A_1, %get3A_708, %dot_general3A_709 {dimension_numbers = #tpu.dot_dimension_numbers<[0], [1], [1], [0], [0, 1, 1, 0], [], []>, transpose_lhs_hint = false} : vector<128x256xf32>, vector<128x128xf32>, vector<256x128xf32> -> vector<256x128xf32>
    %get3A_711 = arith.constant 140 : index
    %get3A_712 = arith.constant 0 : index
    %get3A_713 = vector.load %arg2[%get3A_711, %get3A_712] : memref<200x128xf32, #tpu.memory_space<vmem>>, vector<4x128xf32>
    %dot_general3A_714 = arith.constant dense<0.000000e+00> : vector<256x128xf32>
    %dot_general3A_715 = tpu.matmul %get3A_4, %get3A_713, %dot_general3A_714 {dimension_numbers = #tpu.dot_dimension_numbers<[1], [0], [0], [1], [0, 0, 1, 1], [], []>, transpose_lhs_hint = false} : vector<256x4xf32>, vector<4x128xf32>, vector<256x128xf32> -> vector<256x128xf32>
    %add3A_716 = arith.addf %dot_general3A_710, %dot_general3A_715 : vector<256x128xf32>
    %add3A_717 = vector.broadcast %get3A_7 : vector<256x1xf32> to vector<256x128xf32>
    %add3A_718 = arith.addf %add3A_716, %add3A_717 : vector<256x128xf32>
    %reshape3A_719 = vector.shape_cast %add3A_718 : vector<256x128xf32> to vector<4x64x128xf32>
    %swap3A_720 = arith.constant 140 : index
    %swap3A_721 = arith.constant 0 : index
    %swap3A_722 = arith.constant 0 : index
    %swap3A_723 = vector.load %arg6[%swap3A_720, %swap3A_721, %swap3A_722] : memref<200x64x128xf32, #tpu.memory_space<vmem>>, vector<4x64x128xf32>
    tpu.vector_store %arg6[%swap3A_720, %swap3A_721, %swap3A_722], %reshape3A_719 {strides = array<i32>} : memref<200x64x128xf32, #tpu.memory_space<vmem>>, vector<4x64x128xf32>,
    %get3A_724 = arith.constant 0 : index
    %get3A_725 = arith.constant 36 : index
    %get3A_726 = arith.constant 0 : index
    %get3A_727 = vector.load %arg1[%get3A_724, %get3A_725, %get3A_726] : memref<128x50x128xf32, #tpu.memory_space<vmem>>, vector<128x1x128xf32>
    %get3A_728 = vector.shape_cast %get3A_727 : vector<128x1x128xf32> to vector<128x128xf32>
    %dot_general3A_729 = arith.constant dense<0.000000e+00> : vector<256x128xf32>
    %dot_general3A_730 = tpu.matmul %get3A_1, %get3A_728, %dot_general3A_729 {dimension_numbers = #tpu.dot_dimension_numbers<[0], [1], [1], [0], [0, 1, 1, 0], [], []>, transpose_lhs_hint = false} : vector<128x256xf32>, vector<128x128xf32>, vector<256x128xf32> -> vector<256x128xf32>
    %get3A_731 = arith.constant 144 : index
    %get3A_732 = arith.constant 0 : index
    %get3A_733 = vector.load %arg2[%get3A_731, %get3A_732] : memref<200x128xf32, #tpu.memory_space<vmem>>, vector<4x128xf32>
    %dot_general3A_734 = arith.constant dense<0.000000e+00> : vector<256x128xf32>
    %dot_general3A_735 = tpu.matmul %get3A_4, %get3A_733, %dot_general3A_734 {dimension_numbers = #tpu.dot_dimension_numbers<[1], [0], [0], [1], [0, 0, 1, 1], [], []>, transpose_lhs_hint = false} : vector<256x4xf32>, vector<4x128xf32>, vector<256x128xf32> -> vector<256x128xf32>
    %add3A_736 = arith.addf %dot_general3A_730, %dot_general3A_735 : vector<256x128xf32>
    %add3A_737 = vector.broadcast %get3A_7 : vector<256x1xf32> to vector<256x128xf32>
    %add3A_738 = arith.addf %add3A_736, %add3A_737 : vector<256x128xf32>
    %reshape3A_739 = vector.shape_cast %add3A_738 : vector<256x128xf32> to vector<4x64x128xf32>
    %swap3A_740 = arith.constant 144 : index
    %swap3A_741 = arith.constant 0 : index
    %swap3A_742 = arith.constant 0 : index
    %swap3A_743 = vector.load %arg6[%swap3A_740, %swap3A_741, %swap3A_742] : memref<200x64x128xf32, #tpu.memory_space<vmem>>, vector<4x64x128xf32>
    tpu.vector_store %arg6[%swap3A_740, %swap3A_741, %swap3A_742], %reshape3A_739 {strides = array<i32>} : memref<200x64x128xf32, #tpu.memory_space<vmem>>, vector<4x64x128xf32>,
    %get3A_744 = arith.constant 0 : index
    %get3A_745 = arith.constant 37 : index
    %get3A_746 = arith.constant 0 : index
    %get3A_747 = vector.load %arg1[%get3A_744, %get3A_745, %get3A_746] : memref<128x50x128xf32, #tpu.memory_space<vmem>>, vector<128x1x128xf32>
    %get3A_748 = vector.shape_cast %get3A_747 : vector<128x1x128xf32> to vector<128x128xf32>
    %dot_general3A_749 = arith.constant dense<0.000000e+00> : vector<256x128xf32>
    %dot_general3A_750 = tpu.matmul %get3A_1, %get3A_748, %dot_general3A_749 {dimension_numbers = #tpu.dot_dimension_numbers<[0], [1], [1], [0], [0, 1, 1, 0], [], []>, transpose_lhs_hint = false} : vector<128x256xf32>, vector<128x128xf32>, vector<256x128xf32> -> vector<256x128xf32>
    %get3A_751 = arith.constant 148 : index
    %get3A_752 = arith.constant 0 : index
    %get3A_753 = vector.load %arg2[%get3A_751, %get3A_752] : memref<200x128xf32, #tpu.memory_space<vmem>>, vector<4x128xf32>
    %dot_general3A_754 = arith.constant dense<0.000000e+00> : vector<256x128xf32>
    %dot_general3A_755 = tpu.matmul %get3A_4, %get3A_753, %dot_general3A_754 {dimension_numbers = #tpu.dot_dimension_numbers<[1], [0], [0], [1], [0, 0, 1, 1], [], []>, transpose_lhs_hint = false} : vector<256x4xf32>, vector<4x128xf32>, vector<256x128xf32> -> vector<256x128xf32>
    %add3A_756 = arith.addf %dot_general3A_750, %dot_general3A_755 : vector<256x128xf32>
    %add3A_757 = vector.broadcast %get3A_7 : vector<256x1xf32> to vector<256x128xf32>
    %add3A_758 = arith.addf %add3A_756, %add3A_757 : vector<256x128xf32>
    %reshape3A_759 = vector.shape_cast %add3A_758 : vector<256x128xf32> to vector<4x64x128xf32>
    %swap3A_760 = arith.constant 148 : index
    %swap3A_761 = arith.constant 0 : index
    %swap3A_762 = arith.constant 0 : index
    %swap3A_763 = vector.load %arg6[%swap3A_760, %swap3A_761, %swap3A_762] : memref<200x64x128xf32, #tpu.memory_space<vmem>>, vector<4x64x128xf32>
    tpu.vector_store %arg6[%swap3A_760, %swap3A_761, %swap3A_762], %reshape3A_759 {strides = array<i32>} : memref<200x64x128xf32, #tpu.memory_space<vmem>>, vector<4x64x128xf32>,
    %get3A_764 = arith.constant 0 : index
    %get3A_765 = arith.constant 38 : index
    %get3A_766 = arith.constant 0 : index
    %get3A_767 = vector.load %arg1[%get3A_764, %get3A_765, %get3A_766] : memref<128x50x128xf32, #tpu.memory_space<vmem>>, vector<128x1x128xf32>
    %get3A_768 = vector.shape_cast %get3A_767 : vector<128x1x128xf32> to vector<128x128xf32>
    %dot_general3A_769 = arith.constant dense<0.000000e+00> : vector<256x128xf32>
    %dot_general3A_770 = tpu.matmul %get3A_1, %get3A_768, %dot_general3A_769 {dimension_numbers = #tpu.dot_dimension_numbers<[0], [1], [1], [0], [0, 1, 1, 0], [], []>, transpose_lhs_hint = false} : vector<128x256xf32>, vector<128x128xf32>, vector<256x128xf32> -> vector<256x128xf32>
    %get3A_771 = arith.constant 152 : index
    %get3A_772 = arith.constant 0 : index
    %get3A_773 = vector.load %arg2[%get3A_771, %get3A_772] : memref<200x128xf32, #tpu.memory_space<vmem>>, vector<4x128xf32>
    %dot_general3A_774 = arith.constant dense<0.000000e+00> : vector<256x128xf32>
    %dot_general3A_775 = tpu.matmul %get3A_4, %get3A_773, %dot_general3A_774 {dimension_numbers = #tpu.dot_dimension_numbers<[1], [0], [0], [1], [0, 0, 1, 1], [], []>, transpose_lhs_hint = false} : vector<256x4xf32>, vector<4x128xf32>, vector<256x128xf32> -> vector<256x128xf32>
    %add3A_776 = arith.addf %dot_general3A_770, %dot_general3A_775 : vector<256x128xf32>
    %add3A_777 = vector.broadcast %get3A_7 : vector<256x1xf32> to vector<256x128xf32>
    %add3A_778 = arith.addf %add3A_776, %add3A_777 : vector<256x128xf32>
    %reshape3A_779 = vector.shape_cast %add3A_778 : vector<256x128xf32> to vector<4x64x128xf32>
    %swap3A_780 = arith.constant 152 : index
    %swap3A_781 = arith.constant 0 : index
    %swap3A_782 = arith.constant 0 : index
    %swap3A_783 = vector.load %arg6[%swap3A_780, %swap3A_781, %swap3A_782] : memref<200x64x128xf32, #tpu.memory_space<vmem>>, vector<4x64x128xf32>
    tpu.vector_store %arg6[%swap3A_780, %swap3A_781, %swap3A_782], %reshape3A_779 {strides = array<i32>} : memref<200x64x128xf32, #tpu.memory_space<vmem>>, vector<4x64x128xf32>,
    %get3A_784 = arith.constant 0 : index
    %get3A_785 = arith.constant 39 : index
    %get3A_786 = arith.constant 0 : index
    %get3A_787 = vector.load %arg1[%get3A_784, %get3A_785, %get3A_786] : memref<128x50x128xf32, #tpu.memory_space<vmem>>, vector<128x1x128xf32>
    %get3A_788 = vector.shape_cast %get3A_787 : vector<128x1x128xf32> to vector<128x128xf32>
    %dot_general3A_789 = arith.constant dense<0.000000e+00> : vector<256x128xf32>
    %dot_general3A_790 = tpu.matmul %get3A_1, %get3A_788, %dot_general3A_789 {dimension_numbers = #tpu.dot_dimension_numbers<[0], [1], [1], [0], [0, 1, 1, 0], [], []>, transpose_lhs_hint = false} : vector<128x256xf32>, vector<128x128xf32>, vector<256x128xf32> -> vector<256x128xf32>
    %get3A_791 = arith.constant 156 : index
    %get3A_792 = arith.constant 0 : index
    %get3A_793 = vector.load %arg2[%get3A_791, %get3A_792] : memref<200x128xf32, #tpu.memory_space<vmem>>, vector<4x128xf32>
    %dot_general3A_794 = arith.constant dense<0.000000e+00> : vector<256x128xf32>
    %dot_general3A_795 = tpu.matmul %get3A_4, %get3A_793, %dot_general3A_794 {dimension_numbers = #tpu.dot_dimension_numbers<[1], [0], [0], [1], [0, 0, 1, 1], [], []>, transpose_lhs_hint = false} : vector<256x4xf32>, vector<4x128xf32>, vector<256x128xf32> -> vector<256x128xf32>
    %add3A_796 = arith.addf %dot_general3A_790, %dot_general3A_795 : vector<256x128xf32>
    %add3A_797 = vector.broadcast %get3A_7 : vector<256x1xf32> to vector<256x128xf32>
    %add3A_798 = arith.addf %add3A_796, %add3A_797 : vector<256x128xf32>
    %reshape3A_799 = vector.shape_cast %add3A_798 : vector<256x128xf32> to vector<4x64x128xf32>
    %swap3A_800 = arith.constant 156 : index
    %swap3A_801 = arith.constant 0 : index
    %swap3A_802 = arith.constant 0 : index
    %swap3A_803 = vector.load %arg6[%swap3A_800, %swap3A_801, %swap3A_802] : memref<200x64x128xf32, #tpu.memory_space<vmem>>, vector<4x64x128xf32>
    tpu.vector_store %arg6[%swap3A_800, %swap3A_801, %swap3A_802], %reshape3A_799 {strides = array<i32>} : memref<200x64x128xf32, #tpu.memory_space<vmem>>, vector<4x64x128xf32>,
    %get3A_804 = arith.constant 0 : index
    %get3A_805 = arith.constant 40 : index
    %get3A_806 = arith.constant 0 : index
    %get3A_807 = vector.load %arg1[%get3A_804, %get3A_805, %get3A_806] : memref<128x50x128xf32, #tpu.memory_space<vmem>>, vector<128x1x128xf32>
    %get3A_808 = vector.shape_cast %get3A_807 : vector<128x1x128xf32> to vector<128x128xf32>
    %dot_general3A_809 = arith.constant dense<0.000000e+00> : vector<256x128xf32>
    %dot_general3A_810 = tpu.matmul %get3A_1, %get3A_808, %dot_general3A_809 {dimension_numbers = #tpu.dot_dimension_numbers<[0], [1], [1], [0], [0, 1, 1, 0], [], []>, transpose_lhs_hint = false} : vector<128x256xf32>, vector<128x128xf32>, vector<256x128xf32> -> vector<256x128xf32>
    %get3A_811 = arith.constant 160 : index
    %get3A_812 = arith.constant 0 : index
    %get3A_813 = vector.load %arg2[%get3A_811, %get3A_812] : memref<200x128xf32, #tpu.memory_space<vmem>>, vector<4x128xf32>
    %dot_general3A_814 = arith.constant dense<0.000000e+00> : vector<256x128xf32>
    %dot_general3A_815 = tpu.matmul %get3A_4, %get3A_813, %dot_general3A_814 {dimension_numbers = #tpu.dot_dimension_numbers<[1], [0], [0], [1], [0, 0, 1, 1], [], []>, transpose_lhs_hint = false} : vector<256x4xf32>, vector<4x128xf32>, vector<256x128xf32> -> vector<256x128xf32>
    %add3A_816 = arith.addf %dot_general3A_810, %dot_general3A_815 : vector<256x128xf32>
    %add3A_817 = vector.broadcast %get3A_7 : vector<256x1xf32> to vector<256x128xf32>
    %add3A_818 = arith.addf %add3A_816, %add3A_817 : vector<256x128xf32>
    %reshape3A_819 = vector.shape_cast %add3A_818 : vector<256x128xf32> to vector<4x64x128xf32>
    %swap3A_820 = arith.constant 160 : index
    %swap3A_821 = arith.constant 0 : index
    %swap3A_822 = arith.constant 0 : index
    %swap3A_823 = vector.load %arg6[%swap3A_820, %swap3A_821, %swap3A_822] : memref<200x64x128xf32, #tpu.memory_space<vmem>>, vector<4x64x128xf32>
    tpu.vector_store %arg6[%swap3A_820, %swap3A_821, %swap3A_822], %reshape3A_819 {strides = array<i32>} : memref<200x64x128xf32, #tpu.memory_space<vmem>>, vector<4x64x128xf32>,
    %get3A_824 = arith.constant 0 : index
    %get3A_825 = arith.constant 41 : index
    %get3A_826 = arith.constant 0 : index
    %get3A_827 = vector.load %arg1[%get3A_824, %get3A_825, %get3A_826] : memref<128x50x128xf32, #tpu.memory_space<vmem>>, vector<128x1x128xf32>
    %get3A_828 = vector.shape_cast %get3A_827 : vector<128x1x128xf32> to vector<128x128xf32>
    %dot_general3A_829 = arith.constant dense<0.000000e+00> : vector<256x128xf32>
    %dot_general3A_830 = tpu.matmul %get3A_1, %get3A_828, %dot_general3A_829 {dimension_numbers = #tpu.dot_dimension_numbers<[0], [1], [1], [0], [0, 1, 1, 0], [], []>, transpose_lhs_hint = false} : vector<128x256xf32>, vector<128x128xf32>, vector<256x128xf32> -> vector<256x128xf32>
    %get3A_831 = arith.constant 164 : index
    %get3A_832 = arith.constant 0 : index
    %get3A_833 = vector.load %arg2[%get3A_831, %get3A_832] : memref<200x128xf32, #tpu.memory_space<vmem>>, vector<4x128xf32>
    %dot_general3A_834 = arith.constant dense<0.000000e+00> : vector<256x128xf32>
    %dot_general3A_835 = tpu.matmul %get3A_4, %get3A_833, %dot_general3A_834 {dimension_numbers = #tpu.dot_dimension_numbers<[1], [0], [0], [1], [0, 0, 1, 1], [], []>, transpose_lhs_hint = false} : vector<256x4xf32>, vector<4x128xf32>, vector<256x128xf32> -> vector<256x128xf32>
    %add3A_836 = arith.addf %dot_general3A_830, %dot_general3A_835 : vector<256x128xf32>
    %add3A_837 = vector.broadcast %get3A_7 : vector<256x1xf32> to vector<256x128xf32>
    %add3A_838 = arith.addf %add3A_836, %add3A_837 : vector<256x128xf32>
    %reshape3A_839 = vector.shape_cast %add3A_838 : vector<256x128xf32> to vector<4x64x128xf32>
    %swap3A_840 = arith.constant 164 : index
    %swap3A_841 = arith.constant 0 : index
    %swap3A_842 = arith.constant 0 : index
    %swap3A_843 = vector.load %arg6[%swap3A_840, %swap3A_841, %swap3A_842] : memref<200x64x128xf32, #tpu.memory_space<vmem>>, vector<4x64x128xf32>
    tpu.vector_store %arg6[%swap3A_840, %swap3A_841, %swap3A_842], %reshape3A_839 {strides = array<i32>} : memref<200x64x128xf32, #tpu.memory_space<vmem>>, vector<4x64x128xf32>,
    %get3A_844 = arith.constant 0 : index
    %get3A_845 = arith.constant 42 : index
    %get3A_846 = arith.constant 0 : index
    %get3A_847 = vector.load %arg1[%get3A_844, %get3A_845, %get3A_846] : memref<128x50x128xf32, #tpu.memory_space<vmem>>, vector<128x1x128xf32>
    %get3A_848 = vector.shape_cast %get3A_847 : vector<128x1x128xf32> to vector<128x128xf32>
    %dot_general3A_849 = arith.constant dense<0.000000e+00> : vector<256x128xf32>
    %dot_general3A_850 = tpu.matmul %get3A_1, %get3A_848, %dot_general3A_849 {dimension_numbers = #tpu.dot_dimension_numbers<[0], [1], [1], [0], [0, 1, 1, 0], [], []>, transpose_lhs_hint = false} : vector<128x256xf32>, vector<128x128xf32>, vector<256x128xf32> -> vector<256x128xf32>
    %get3A_851 = arith.constant 168 : index
    %get3A_852 = arith.constant 0 : index
    %get3A_853 = vector.load %arg2[%get3A_851, %get3A_852] : memref<200x128xf32, #tpu.memory_space<vmem>>, vector<4x128xf32>
    %dot_general3A_854 = arith.constant dense<0.000000e+00> : vector<256x128xf32>
    %dot_general3A_855 = tpu.matmul %get3A_4, %get3A_853, %dot_general3A_854 {dimension_numbers = #tpu.dot_dimension_numbers<[1], [0], [0], [1], [0, 0, 1, 1], [], []>, transpose_lhs_hint = false} : vector<256x4xf32>, vector<4x128xf32>, vector<256x128xf32> -> vector<256x128xf32>
    %add3A_856 = arith.addf %dot_general3A_850, %dot_general3A_855 : vector<256x128xf32>
    %add3A_857 = vector.broadcast %get3A_7 : vector<256x1xf32> to vector<256x128xf32>
    %add3A_858 = arith.addf %add3A_856, %add3A_857 : vector<256x128xf32>
    %reshape3A_859 = vector.shape_cast %add3A_858 : vector<256x128xf32> to vector<4x64x128xf32>
    %swap3A_860 = arith.constant 168 : index
    %swap3A_861 = arith.constant 0 : index
    %swap3A_862 = arith.constant 0 : index
    %swap3A_863 = vector.load %arg6[%swap3A_860, %swap3A_861, %swap3A_862] : memref<200x64x128xf32, #tpu.memory_space<vmem>>, vector<4x64x128xf32>
    tpu.vector_store %arg6[%swap3A_860, %swap3A_861, %swap3A_862], %reshape3A_859 {strides = array<i32>} : memref<200x64x128xf32, #tpu.memory_space<vmem>>, vector<4x64x128xf32>,
    %get3A_864 = arith.constant 0 : index
    %get3A_865 = arith.constant 43 : index
    %get3A_866 = arith.constant 0 : index
    %get3A_867 = vector.load %arg1[%get3A_864, %get3A_865, %get3A_866] : memref<128x50x128xf32, #tpu.memory_space<vmem>>, vector<128x1x128xf32>
    %get3A_868 = vector.shape_cast %get3A_867 : vector<128x1x128xf32> to vector<128x128xf32>
    %dot_general3A_869 = arith.constant dense<0.000000e+00> : vector<256x128xf32>
    %dot_general3A_870 = tpu.matmul %get3A_1, %get3A_868, %dot_general3A_869 {dimension_numbers = #tpu.dot_dimension_numbers<[0], [1], [1], [0], [0, 1, 1, 0], [], []>, transpose_lhs_hint = false} : vector<128x256xf32>, vector<128x128xf32>, vector<256x128xf32> -> vector<256x128xf32>
    %get3A_871 = arith.constant 172 : index
    %get3A_872 = arith.constant 0 : index
    %get3A_873 = vector.load %arg2[%get3A_871, %get3A_872] : memref<200x128xf32, #tpu.memory_space<vmem>>, vector<4x128xf32>
    %dot_general3A_874 = arith.constant dense<0.000000e+00> : vector<256x128xf32>
    %dot_general3A_875 = tpu.matmul %get3A_4, %get3A_873, %dot_general3A_874 {dimension_numbers = #tpu.dot_dimension_numbers<[1], [0], [0], [1], [0, 0, 1, 1], [], []>, transpose_lhs_hint = false} : vector<256x4xf32>, vector<4x128xf32>, vector<256x128xf32> -> vector<256x128xf32>
    %add3A_876 = arith.addf %dot_general3A_870, %dot_general3A_875 : vector<256x128xf32>
    %add3A_877 = vector.broadcast %get3A_7 : vector<256x1xf32> to vector<256x128xf32>
    %add3A_878 = arith.addf %add3A_876, %add3A_877 : vector<256x128xf32>
    %reshape3A_879 = vector.shape_cast %add3A_878 : vector<256x128xf32> to vector<4x64x128xf32>
    %swap3A_880 = arith.constant 172 : index
    %swap3A_881 = arith.constant 0 : index
    %swap3A_882 = arith.constant 0 : index
    %swap3A_883 = vector.load %arg6[%swap3A_880, %swap3A_881, %swap3A_882] : memref<200x64x128xf32, #tpu.memory_space<vmem>>, vector<4x64x128xf32>
    tpu.vector_store %arg6[%swap3A_880, %swap3A_881, %swap3A_882], %reshape3A_879 {strides = array<i32>} : memref<200x64x128xf32, #tpu.memory_space<vmem>>, vector<4x64x128xf32>,
    %get3A_884 = arith.constant 0 : index
    %get3A_885 = arith.constant 44 : index
    %get3A_886 = arith.constant 0 : index
    %get3A_887 = vector.load %arg1[%get3A_884, %get3A_885, %get3A_886] : memref<128x50x128xf32, #tpu.memory_space<vmem>>, vector<128x1x128xf32>
    %get3A_888 = vector.shape_cast %get3A_887 : vector<128x1x128xf32> to vector<128x128xf32>
    %dot_general3A_889 = arith.constant dense<0.000000e+00> : vector<256x128xf32>
    %dot_general3A_890 = tpu.matmul %get3A_1, %get3A_888, %dot_general3A_889 {dimension_numbers = #tpu.dot_dimension_numbers<[0], [1], [1], [0], [0, 1, 1, 0], [], []>, transpose_lhs_hint = false} : vector<128x256xf32>, vector<128x128xf32>, vector<256x128xf32> -> vector<256x128xf32>
    %get3A_891 = arith.constant 176 : index
    %get3A_892 = arith.constant 0 : index
    %get3A_893 = vector.load %arg2[%get3A_891, %get3A_892] : memref<200x128xf32, #tpu.memory_space<vmem>>, vector<4x128xf32>
    %dot_general3A_894 = arith.constant dense<0.000000e+00> : vector<256x128xf32>
    %dot_general3A_895 = tpu.matmul %get3A_4, %get3A_893, %dot_general3A_894 {dimension_numbers = #tpu.dot_dimension_numbers<[1], [0], [0], [1], [0, 0, 1, 1], [], []>, transpose_lhs_hint = false} : vector<256x4xf32>, vector<4x128xf32>, vector<256x128xf32> -> vector<256x128xf32>
    %add3A_896 = arith.addf %dot_general3A_890, %dot_general3A_895 : vector<256x128xf32>
    %add3A_897 = vector.broadcast %get3A_7 : vector<256x1xf32> to vector<256x128xf32>
    %add3A_898 = arith.addf %add3A_896, %add3A_897 : vector<256x128xf32>
    %reshape3A_899 = vector.shape_cast %add3A_898 : vector<256x128xf32> to vector<4x64x128xf32>
    %swap3A_900 = arith.constant 176 : index
    %swap3A_901 = arith.constant 0 : index
    %swap3A_902 = arith.constant 0 : index
    %swap3A_903 = vector.load %arg6[%swap3A_900, %swap3A_901, %swap3A_902] : memref<200x64x128xf32, #tpu.memory_space<vmem>>, vector<4x64x128xf32>
    tpu.vector_store %arg6[%swap3A_900, %swap3A_901, %swap3A_902], %reshape3A_899 {strides = array<i32>} : memref<200x64x128xf32, #tpu.memory_space<vmem>>, vector<4x64x128xf32>,
    %get3A_904 = arith.constant 0 : index
    %get3A_905 = arith.constant 45 : index
    %get3A_906 = arith.constant 0 : index
    %get3A_907 = vector.load %arg1[%get3A_904, %get3A_905, %get3A_906] : memref<128x50x128xf32, #tpu.memory_space<vmem>>, vector<128x1x128xf32>
    %get3A_908 = vector.shape_cast %get3A_907 : vector<128x1x128xf32> to vector<128x128xf32>
    %dot_general3A_909 = arith.constant dense<0.000000e+00> : vector<256x128xf32>
    %dot_general3A_910 = tpu.matmul %get3A_1, %get3A_908, %dot_general3A_909 {dimension_numbers = #tpu.dot_dimension_numbers<[0], [1], [1], [0], [0, 1, 1, 0], [], []>, transpose_lhs_hint = false} : vector<128x256xf32>, vector<128x128xf32>, vector<256x128xf32> -> vector<256x128xf32>
    %get3A_911 = arith.constant 180 : index
    %get3A_912 = arith.constant 0 : index
    %get3A_913 = vector.load %arg2[%get3A_911, %get3A_912] : memref<200x128xf32, #tpu.memory_space<vmem>>, vector<4x128xf32>
    %dot_general3A_914 = arith.constant dense<0.000000e+00> : vector<256x128xf32>
    %dot_general3A_915 = tpu.matmul %get3A_4, %get3A_913, %dot_general3A_914 {dimension_numbers = #tpu.dot_dimension_numbers<[1], [0], [0], [1], [0, 0, 1, 1], [], []>, transpose_lhs_hint = false} : vector<256x4xf32>, vector<4x128xf32>, vector<256x128xf32> -> vector<256x128xf32>
    %add3A_916 = arith.addf %dot_general3A_910, %dot_general3A_915 : vector<256x128xf32>
    %add3A_917 = vector.broadcast %get3A_7 : vector<256x1xf32> to vector<256x128xf32>
    %add3A_918 = arith.addf %add3A_916, %add3A_917 : vector<256x128xf32>
    %reshape3A_919 = vector.shape_cast %add3A_918 : vector<256x128xf32> to vector<4x64x128xf32>
    %swap3A_920 = arith.constant 180 : index
    %swap3A_921 = arith.constant 0 : index
    %swap3A_922 = arith.constant 0 : index
    %swap3A_923 = vector.load %arg6[%swap3A_920, %swap3A_921, %swap3A_922] : memref<200x64x128xf32, #tpu.memory_space<vmem>>, vector<4x64x128xf32>
    tpu.vector_store %arg6[%swap3A_920, %swap3A_921, %swap3A_922], %reshape3A_919 {strides = array<i32>} : memref<200x64x128xf32, #tpu.memory_space<vmem>>, vector<4x64x128xf32>,
    %get3A_924 = arith.constant 0 : index
    %get3A_925 = arith.constant 46 : index
    %get3A_926 = arith.constant 0 : index
    %get3A_927 = vector.load %arg1[%get3A_924, %get3A_925, %get3A_926] : memref<128x50x128xf32, #tpu.memory_space<vmem>>, vector<128x1x128xf32>
    %get3A_928 = vector.shape_cast %get3A_927 : vector<128x1x128xf32> to vector<128x128xf32>
    %dot_general3A_929 = arith.constant dense<0.000000e+00> : vector<256x128xf32>
    %dot_general3A_930 = tpu.matmul %get3A_1, %get3A_928, %dot_general3A_929 {dimension_numbers = #tpu.dot_dimension_numbers<[0], [1], [1], [0], [0, 1, 1, 0], [], []>, transpose_lhs_hint = false} : vector<128x256xf32>, vector<128x128xf32>, vector<256x128xf32> -> vector<256x128xf32>
    %get3A_931 = arith.constant 184 : index
    %get3A_932 = arith.constant 0 : index
    %get3A_933 = vector.load %arg2[%get3A_931, %get3A_932] : memref<200x128xf32, #tpu.memory_space<vmem>>, vector<4x128xf32>
    %dot_general3A_934 = arith.constant dense<0.000000e+00> : vector<256x128xf32>
    %dot_general3A_935 = tpu.matmul %get3A_4, %get3A_933, %dot_general3A_934 {dimension_numbers = #tpu.dot_dimension_numbers<[1], [0], [0], [1], [0, 0, 1, 1], [], []>, transpose_lhs_hint = false} : vector<256x4xf32>, vector<4x128xf32>, vector<256x128xf32> -> vector<256x128xf32>
    %add3A_936 = arith.addf %dot_general3A_930, %dot_general3A_935 : vector<256x128xf32>
    %add3A_937 = vector.broadcast %get3A_7 : vector<256x1xf32> to vector<256x128xf32>
    %add3A_938 = arith.addf %add3A_936, %add3A_937 : vector<256x128xf32>
    %reshape3A_939 = vector.shape_cast %add3A_938 : vector<256x128xf32> to vector<4x64x128xf32>
    %swap3A_940 = arith.constant 184 : index
    %swap3A_941 = arith.constant 0 : index
    %swap3A_942 = arith.constant 0 : index
    %swap3A_943 = vector.load %arg6[%swap3A_940, %swap3A_941, %swap3A_942] : memref<200x64x128xf32, #tpu.memory_space<vmem>>, vector<4x64x128xf32>
    tpu.vector_store %arg6[%swap3A_940, %swap3A_941, %swap3A_942], %reshape3A_939 {strides = array<i32>} : memref<200x64x128xf32, #tpu.memory_space<vmem>>, vector<4x64x128xf32>,
    %get3A_944 = arith.constant 0 : index
    %get3A_945 = arith.constant 47 : index
    %get3A_946 = arith.constant 0 : index
    %get3A_947 = vector.load %arg1[%get3A_944, %get3A_945, %get3A_946] : memref<128x50x128xf32, #tpu.memory_space<vmem>>, vector<128x1x128xf32>
    %get3A_948 = vector.shape_cast %get3A_947 : vector<128x1x128xf32> to vector<128x128xf32>
    %dot_general3A_949 = arith.constant dense<0.000000e+00> : vector<256x128xf32>
    %dot_general3A_950 = tpu.matmul %get3A_1, %get3A_948, %dot_general3A_949 {dimension_numbers = #tpu.dot_dimension_numbers<[0], [1], [1], [0], [0, 1, 1, 0], [], []>, transpose_lhs_hint = false} : vector<128x256xf32>, vector<128x128xf32>, vector<256x128xf32> -> vector<256x128xf32>
    %get3A_951 = arith.constant 188 : index
    %get3A_952 = arith.constant 0 : index
    %get3A_953 = vector.load %arg2[%get3A_951, %get3A_952] : memref<200x128xf32, #tpu.memory_space<vmem>>, vector<4x128xf32>
    %dot_general3A_954 = arith.constant dense<0.000000e+00> : vector<256x128xf32>
    %dot_general3A_955 = tpu.matmul %get3A_4, %get3A_953, %dot_general3A_954 {dimension_numbers = #tpu.dot_dimension_numbers<[1], [0], [0], [1], [0, 0, 1, 1], [], []>, transpose_lhs_hint = false} : vector<256x4xf32>, vector<4x128xf32>, vector<256x128xf32> -> vector<256x128xf32>
    %add3A_956 = arith.addf %dot_general3A_950, %dot_general3A_955 : vector<256x128xf32>
    %add3A_957 = vector.broadcast %get3A_7 : vector<256x1xf32> to vector<256x128xf32>
    %add3A_958 = arith.addf %add3A_956, %add3A_957 : vector<256x128xf32>
    %reshape3A_959 = vector.shape_cast %add3A_958 : vector<256x128xf32> to vector<4x64x128xf32>
    %swap3A_960 = arith.constant 188 : index
    %swap3A_961 = arith.constant 0 : index
    %swap3A_962 = arith.constant 0 : index
    %swap3A_963 = vector.load %arg6[%swap3A_960, %swap3A_961, %swap3A_962] : memref<200x64x128xf32, #tpu.memory_space<vmem>>, vector<4x64x128xf32>
    tpu.vector_store %arg6[%swap3A_960, %swap3A_961, %swap3A_962], %reshape3A_959 {strides = array<i32>} : memref<200x64x128xf32, #tpu.memory_space<vmem>>, vector<4x64x128xf32>,
    %get3A_964 = arith.constant 0 : index
    %get3A_965 = arith.constant 48 : index
    %get3A_966 = arith.constant 0 : index
    %get3A_967 = vector.load %arg1[%get3A_964, %get3A_965, %get3A_966] : memref<128x50x128xf32, #tpu.memory_space<vmem>>, vector<128x1x128xf32>
    %get3A_968 = vector.shape_cast %get3A_967 : vector<128x1x128xf32> to vector<128x128xf32>
    %dot_general3A_969 = arith.constant dense<0.000000e+00> : vector<256x128xf32>
    %dot_general3A_970 = tpu.matmul %get3A_1, %get3A_968, %dot_general3A_969 {dimension_numbers = #tpu.dot_dimension_numbers<[0], [1], [1], [0], [0, 1, 1, 0], [], []>, transpose_lhs_hint = false} : vector<128x256xf32>, vector<128x128xf32>, vector<256x128xf32> -> vector<256x128xf32>
    %get3A_971 = arith.constant 192 : index
    %get3A_972 = arith.constant 0 : index
    %get3A_973 = vector.load %arg2[%get3A_971, %get3A_972] : memref<200x128xf32, #tpu.memory_space<vmem>>, vector<4x128xf32>
    %dot_general3A_974 = arith.constant dense<0.000000e+00> : vector<256x128xf32>
    %dot_general3A_975 = tpu.matmul %get3A_4, %get3A_973, %dot_general3A_974 {dimension_numbers = #tpu.dot_dimension_numbers<[1], [0], [0], [1], [0, 0, 1, 1], [], []>, transpose_lhs_hint = false} : vector<256x4xf32>, vector<4x128xf32>, vector<256x128xf32> -> vector<256x128xf32>
    %add3A_976 = arith.addf %dot_general3A_970, %dot_general3A_975 : vector<256x128xf32>
    %add3A_977 = vector.broadcast %get3A_7 : vector<256x1xf32> to vector<256x128xf32>
    %add3A_978 = arith.addf %add3A_976, %add3A_977 : vector<256x128xf32>
    %reshape3A_979 = vector.shape_cast %add3A_978 : vector<256x128xf32> to vector<4x64x128xf32>
    %swap3A_980 = arith.constant 192 : index
    %swap3A_981 = arith.constant 0 : index
    %swap3A_982 = arith.constant 0 : index
    %swap3A_983 = vector.load %arg6[%swap3A_980, %swap3A_981, %swap3A_982] : memref<200x64x128xf32, #tpu.memory_space<vmem>>, vector<4x64x128xf32>
    tpu.vector_store %arg6[%swap3A_980, %swap3A_981, %swap3A_982], %reshape3A_979 {strides = array<i32>} : memref<200x64x128xf32, #tpu.memory_space<vmem>>, vector<4x64x128xf32>,
    %get3A_984 = arith.constant 0 : index
    %get3A_985 = arith.constant 49 : index
    %get3A_986 = arith.constant 0 : index
    %get3A_987 = vector.load %arg1[%get3A_984, %get3A_985, %get3A_986] : memref<128x50x128xf32, #tpu.memory_space<vmem>>, vector<128x1x128xf32>
    %get3A_988 = vector.shape_cast %get3A_987 : vector<128x1x128xf32> to vector<128x128xf32>
    %dot_general3A_989 = arith.constant dense<0.000000e+00> : vector<256x128xf32>
    %dot_general3A_990 = tpu.matmul %get3A_1, %get3A_988, %dot_general3A_989 {dimension_numbers = #tpu.dot_dimension_numbers<[0], [1], [1], [0], [0, 1, 1, 0], [], []>, transpose_lhs_hint = false} : vector<128x256xf32>, vector<128x128xf32>, vector<256x128xf32> -> vector<256x128xf32>
    %get3A_991 = arith.constant 196 : index
    %get3A_992 = arith.constant 0 : index
    %get3A_993 = vector.load %arg2[%get3A_991, %get3A_992] : memref<200x128xf32, #tpu.memory_space<vmem>>, vector<4x128xf32>
    %dot_general3A_994 = arith.constant dense<0.000000e+00> : vector<256x128xf32>
    %dot_general3A_995 = tpu.matmul %get3A_4, %get3A_993, %dot_general3A_994 {dimension_numbers = #tpu.dot_dimension_numbers<[1], [0], [0], [1], [0, 0, 1, 1], [], []>, transpose_lhs_hint = false} : vector<256x4xf32>, vector<4x128xf32>, vector<256x128xf32> -> vector<256x128xf32>
    %add3A_996 = arith.addf %dot_general3A_990, %dot_general3A_995 : vector<256x128xf32>
    %add3A_997 = vector.broadcast %get3A_7 : vector<256x1xf32> to vector<256x128xf32>
    %add3A_998 = arith.addf %add3A_996, %add3A_997 : vector<256x128xf32>
    %reshape3A_999 = vector.shape_cast %add3A_998 : vector<256x128xf32> to vector<4x64x128xf32>
    %swap3A_1000 = arith.constant 196 : index
    %swap3A_1001 = arith.constant 0 : index
    %swap3A_1002 = arith.constant 0 : index
    %swap3A_1003 = vector.load %arg6[%swap3A_1000, %swap3A_1001, %swap3A_1002] : memref<200x64x128xf32, #tpu.memory_space<vmem>>, vector<4x64x128xf32>
    tpu.vector_store %arg6[%swap3A_1000, %swap3A_1001, %swap3A_1002], %reshape3A_999 {strides = array<i32>} : memref<200x64x128xf32, #tpu.memory_space<vmem>>, vector<4x64x128xf32>,
    return
  }
  func.func @transform_0(%arg0: i32) -> (i32, i32, i32) {
    %c0_i32 = arith.constant 0 : i32
    %c0_i32_0 = arith.constant 0 : i32
    %c0_i32_1 = arith.constant 0 : i32
    return %arg0, %c0_i32, %c0_i32_0 : i32, i32, i32
  }
  func.func @transform_1(%arg0: i32) -> (i32, i32) {
    %c0_i32 = arith.constant 0 : i32
    %c0_i32_0 = arith.constant 0 : i32
    return %c0_i32, %arg0 : i32, i32
  }
  func.func @transform_2(%arg0: i32) -> (i32, i32) {
    %c0_i32 = arith.constant 0 : i32
    %c0_i32_0 = arith.constant 0 : i32
    %c0_i32_1 = arith.constant 0 : i32
    return %c0_i32, %c0_i32_0 : i32, i32
  }
  func.func @transform_3(%arg0: i32) -> (i32, i32) {
    %c0_i32 = arith.constant 0 : i32
    %c0_i32_0 = arith.constant 0 : i32
    %c0_i32_1 = arith.constant 0 : i32
    return %c0_i32, %c0_i32_0 : i32, i32
  }
  func.func @transform_4(%arg0: i32) -> (i32, i32) {
    %c0_i32 = arith.constant 0 : i32
    %c0_i32_0 = arith.constant 0 : i32
    %c0_i32_1 = arith.constant 0 : i32
    return %c0_i32, %c0_i32_0 : i32, i32
  }
  func.func @transform_5(%arg0: i32) -> (i32, i32, i32) {
    %c0_i32 = arith.constant 0 : i32
    %c0_i32_0 = arith.constant 0 : i32
    %c0_i32_1 = arith.constant 0 : i32
    return %c0_i32, %c0_i32_0, %arg0 : i32, i32, i32
  }
}

</mosaic_0001>

<sc_bundles>
// kernel: kernel.5.cloned.1.call-start
scs
__scs_entry_jumppad:
0x0: {  	(pc) =	sbr.rel $0x88, $3  }
0x1: {  	(tag) =	ssettag $0x0;
	lr =	simm.s32 $0x1  }
0x2: {  	[smem:$0x3F9A] =	sst lr;
	_ =	strace $0xD0000000  }
0x3: {  	_ = 	snop  }
0x4: {  	_ = 	snop  }
0x5: {  	_ = 	snop  }
0x6: {  	_ = 	snop  }
0x7: {  	_ = 	snop  }
__scs_overlays_trampoline_lowered:
0x8: {  	[smem:$0x3FA9] =	sst s0  }
0x9: {  	[smem:$0x3FAA] =	sst s1  }
0xa: {  	[smem:$0x3FAB] =	sst s2  }
0xb: {  	[smem:$0x3FAC] =	sst s3  }
0xc: {  	[smem:$0x3FAD] =	sst s4  }
0xd: {  	[smem:$0x3FAE] =	sst s5  }
0xe: {  	[smem:$0x3FAF] =	sst s6  }
0xf: {  	[smem:$0x3FB0] =	sst s7  }
0x10: {  	[smem:$0x3FB1] =	sst s8  }
0x11: {  	[smem:$0x3FB2] =	sst s9;
	s0 =	simm.s32 @!p0 $0x0  }
0x12: {  	s1 =	sld [smem:$0x3F98];
	s0 =	simm.s32 @p0 $0x1  }
0x13: {  	[smem:$0x3FB3] =	sst s0;
	s0 =	simm.s32 @!p1 $0x0  }
0x14: {  	s2 =	sld [smem:$0x3F97];
	s0 =	simm.s32 @p1 $0x1  }
0x15: {  	[smem:$0x3FB4] =	sst s0;
	s0 =	simm.s32 @!p2 $0x0  }
0x16: {  	s3 =	sld [smem:$0x3FDB];
	s0 =	simm.s32 @p2 $0x1  }
0x17: {  	s4 =	simm.s32 $0x1BF5;
	[smem:$0x3FB6] =	sst s0  }
0x18: {  	s0 =	sld [smem:$0x3F99];
	_ =	swait.ge [sflag:s4], $0x0  }
0x19: {  	s7 =	sld [smem:$0x3F9A]  }
0x1a: {  	s8 =	sadd.s32 $0xFFFFE003, lr  }
0x1b: {  	s9 =	sadd.s32 $0xFFFFFEF7, lr;
	s5 =	simm.s32 $0xFFFFFFFF;
	p2 =	slt.u32 s8, $0xFFFFF086  }
0x1c: {  	p1 =	slt.u32 s9, $0xF7A;
	s5 =	simm.s32 @!p2 $0x0  }
0x1d: {  	s5 =	simm.s32 @p1 $0x1;
	p0 =	seq.s32 s7, s2  }
0x1e: {  	s7 =	smul.u32 @!p0 $0xF7A, s2;
	p2 =	seq.s32 @!p0 s5, $0x0  }
0x1f: {  	s9 =	smul.u32 $0xF7A, s1;
	s8 =	simm.s32 @!p0 $0x1BF5;
	p2 =	por !p2, p0  }
0x20: {  	[sflag:s8] =	ssyncset.s32 @!p0 $0xFFFFF086;
	s6 =	sadd.s32 @!p0 s3, s7;
	s7 =	simm.s32 @!p0 $0x108  }
0x21: {  	s3 =	sadd.s32 s3, s9;
	s6 =	sadd.s32 @!p0 $0x88, s6;
	s7 =	simm.s32 @p2 $0x1082  }
0x22: {  	[simem:s7], [sflag:s8] =	dma.local @!p0 [hbm:s6], $0xF7A  }
0x23: {  	s9 =	sor.u32 $0xD0000000, s2;
	s6 =	simm.s32 $0x108;
	_ =	swait.ge @!p0 [sflag:s8], $0x0  }
0x24: {  	s3 =	sadd.s32 $0x88, s3;
	s6 =	simm.s32 @!p1 $0x1082;
	[sflag:s4] =	ssyncset.s32 $0xFFFFF086  }
0x25: {  	[simem:s6], [sflag:s4] =	dma.local [hbm:s3], $0xF7A  }
0x26: {  	[smem:$0x3F9A] =	sst s1;
	(tag) =	ssettag s2;
	_ =	strace s9  }
0x27: {  	s1 =	sld [smem:$0x3FAA]  }
0x28: {  	s2 =	sld [smem:$0x3FAB]  }
0x29: {  	s4 =	sld [smem:$0x3FAD]  }
0x2a: {  	p0 =	seq.s32 s5, $0x0;
	s5 =	sld [smem:$0x3FAE]  }
0x2b: {  	s6 =	sld [smem:$0x3FAF]  }
0x2c: {  	s7 =	sld [smem:$0x3FB0]  }
0x2d: {  	s3 =	simm.s32 $0x108;
	s8 =	sld [smem:$0x3FB1]  }
0x2e: {  	s3 =	simm.s32 @!p0 $0x1082;
	s9 =	sld [smem:$0x3FB2]  }
0x2f: {  	lr =	sadd.s32 s0, s3;
	s0 =	sld [smem:$0x3FA9]  }
0x30: {  	s3 =	sld [smem:$0x3FAC]  }
0x31: {  	[smem:$0x3FB5] =	sst s10  }
0x32: {  	s10 =	sld [smem:$0x3FB3];
	_ =	sdelay $0x3  }
0x33: {  	p0 =	seq.s32 s10, $0x1;
	s10 =	sld [smem:$0x3FB5];
	_ =	sdelay $0x3  }
0x34: {  	[smem:$0x3FB5] =	sst s10  }
0x35: {  	s10 =	sld [smem:$0x3FB4];
	_ =	sdelay $0x3  }
0x36: {  	p1 =	seq.s32 s10, $0x1;
	s10 =	sld [smem:$0x3FB5];
	_ =	sdelay $0x3  }
0x37: {  	[smem:$0x3FB5] =	sst s10  }
0x38: {  	s10 =	sld [smem:$0x3FB6]  }
0x39: {  	_ = 	snop;
	(pc) =	sbr.ind lr, $3  }
0x3a: {  	_ = 	snop  }
0x3b: {  	_ = 	snop  }
0x3c: {  	p2 =	seq.s32 s10, $0x1;
	s10 =	sld [smem:$0x3FB5]  }
0x3d: {  	_ =	shalt  }
0x3e: {  	_ =	shalt  }
0x3f: {  	_ =	shalt  }
0x40: {  	_ =	shalt  }
0x41: {  	_ =	shalt  }
0x42: {  	_ =	shalt  }
0x43: {  	_ =	shalt  }
0x44: {  	_ =	shalt  }
0x45: {  	_ =	shalt  }
0x46: {  	_ =	shalt  }
0x47: {  	_ =	shalt  }
0x48: {  	_ =	shalt  }
0x49: {  	_ =	shalt  }
0x4a: {  	_ =	shalt  }
0x4b: {  	_ =	shalt  }
0x4c: {  	_ =	shalt  }
0x4d: {  	_ =	shalt  }
0x4e: {  	_ =	shalt  }
0x4f: {  	_ =	shalt  }
0x50: {  	_ =	shalt  }
0x51: {  	_ =	shalt  }
0x52: {  	_ =	shalt  }
0x53: {  	_ =	shalt  }
0x54: {  	_ =	shalt  }
0x55: {  	_ =	shalt  }
0x56: {  	_ =	shalt  }
0x57: {  	_ =	shalt  }
0x58: {  	_ =	shalt  }
0x59: {  	_ =	shalt  }
0x5a: {  	_ =	shalt  }
0x5b: {  	_ =	shalt  }
0x5c: {  	_ =	shalt  }
0x5d: {  	_ =	shalt  }
0x5e: {  	_ =	shalt  }
0x5f: {  	_ =	shalt  }
0x60: {  	_ =	shalt  }
0x61: {  	_ =	shalt  }
0x62: {  	_ =	shalt  }
0x63: {  	_ =	shalt  }
0x64: {  	_ =	shalt  }
0x65: {  	_ =	shalt  }
0x66: {  	_ =	shalt  }
0x67: {  	_ =	shalt  }
0x68: {  	_ =	shalt  }
0x69: {  	_ =	shalt  }
0x6a: {  	_ =	shalt  }
0x6b: {  	_ =	shalt  }
0x6c: {  	_ =	shalt  }
0x6d: {  	_ =	shalt  }
0x6e: {  	_ =	shalt  }
0x6f: {  	_ =	shalt  }
0x70: {  	_ =	shalt  }
0x71: {  	_ =	shalt  }
0x72: {  	_ =	shalt  }
0x73: {  	_ =	shalt  }
0x74: {  	_ =	shalt  }
0x75: {  	_ =	shalt  }
0x76: {  	_ =	shalt  }
0x77: {  	_ =	shalt  }
0x78: {  	_ =	shalt  }
0x79: {  	_ =	shalt  }
0x7a: {  	_ =	shalt  }
0x7b: {  	_ =	shalt  }
0x7c: {  	_ =	shalt  }
0x7d: {  	_ =	shalt  }
0x7e: {  	_ =	shalt  }
0x7f: {  	_ =	shalt  }
0x80: {  	_ =	shalt  }
0x81: {  	_ =	shalt  }
0x82: {  	_ =	shalt  }
0x83: {  	_ =	shalt  }
0x84: {  	_ =	shalt  }
0x85: {  	_ =	shalt  }
0x86: {  	_ =	shalt  }
0x87: {  	_ =	shalt  }
.Lfunc_end0:
.L_simem_size_0:
called_computation_lowered:
.L_overlay_start_0:
0x88: {  	s2 =	sld [smem:$0x3FD9]  }
0x89: {  	s3 =	sld [smem:$0x3FFE];
	_ =	sdelay $0x1  }
0x8a: {  	s1 =	srdreg.scid  }
0x8b: {  	s0 =	sand.u32 $0x1, s1  }
0x8c: {  	s17 =	sshll.u32 s0, $0xA;
	s2 =	sadd.s32 s3, s2  }
0x8d: {  	s2 =	sadd.s32 s2, s17  }
0x8e: {  	[smem:$0x3FC1] =	sst s2  }
0x8f: {  	_ = 	snop  }
0x90: {  	s2 =	sld [smem:$0x3FD0];
	(tm) =	ssettm $0x1  }
0x91: {  	s18 =	sld [smem:$0x3FFB];
	_ =	sdelay $0x3  }
0x92: {  	_ =	strace s18  }
0x93: {  	s3 =	sld [smem:$0x3FFC];
	_ =	sdelay $0x3  }
0x94: {  	_ =	strace s3  }
0x95: {  	s3 =	sld [smem:$0x3FFD];
	_ =	sdelay $0x3  }
0x96: {  	_ =	strace s3  }
0x97: {  	_ =	strace $0x8FFFFFFF  }
0x98: {  	s19 =	sld [smem:$0x3FDB];
	_ =	sdelay $0x1  }
0x99: {  	s4 =	simm.s32 $_scs_section_size  }
0x9a: {  	s5 =	simm.s32 $_size__tile_overlayer_lowered;
	s6 =	simm.s32 $_tile_overlayer_lowered  }
0x9b: {  	s22 =	simm.s32 $0x1BFF;
	s21 =	sshll.u32 s6, $0x1;
	s3 =	sadd.s32 s4, s19  }
0x9c: {  	s7 =	simm.s32 $0x0;
	s20 =	sshll.u32 s5, $0x1;
	s5 =	sadd.s32 s21, s3  }
0x9d: {  	[timem:s7], [sflag:s22] =	dma.local [hbm:s5], s20  }
0x9e: {  	_ =	swait.ge [sflag:s22], s20  }
0x9f: {  	s4 =	ssub.s32 $0x0, s20;
	[sflag:s22] =	ssyncset.done $0x0  }
0xa0: {  	[sflag:s22] =	ssyncadd.s32 s4;
	_ =	sdelay $0x1  }
0xa1: {  	s23 =	simm.s32 $0x1B8B  }
0xa2: {  	_ =	swait.ge [sflag:s23], $0x1  }
0xa3: {  	[sflag:s23] =	ssyncset.done $0x0  }
0xa4: {  	s25 =	simm.s32 $0x1B8E;
	s24 =	sld [smem:$0x3FFE];
	[sflag:s23] =	ssyncadd.s32 $0xFFFFFFFF  }
0xa5: {  	s26 =	simm.s32 $execute0_lowered;
	[smem:$0x3FD2] =	sst s25  }
0xa6: {  	s5 =	sshll.u32 s26, $0x1;
	_ =	strace $0x80000046;
	[dreg:$0x1] =	wrdreg $0xFFFFFFFF  }
0xa7: {  	s28 =	simm.s32 $_size_execute0_lowered;
	s3 =	sadd.s32 s3, s5;
	[dreg:$0x0] =	wrdreg $0x0  }
0xa8: {  	s5 =	sshll.u32 s28, $0x1;
	[dreg:$0x2] =	wrdreg s3  }
0xa9: {  	[dreg:$0x3] =	wrdreg s5  }
0xaa: {  	[dreg:$0x4] =	wrdreg $0xC0  }
0xab: {  	_ =	task [dreg:s7], $0x5FFFF  }
0xac: {  	[dreg:$0x1] =	wrdreg $0xFFFFFFFF  }
0xad: {  	[dreg:$0x0] =	wrdreg $0x60  }
0xae: {  	[dreg:$0x2] =	wrdreg s24  }
0xaf: {  	[dreg:$0x3] =	wrdreg s2  }
0xb0: {  	[dreg:$0x4] =	wrdreg $0x9  }
0xb1: {  	_ =	task.clear_ibuf [dreg:s7], $0x5FFFF;
	_ =	strace $0x90000046  }
0xb2: {  	s29 =	simm.s32 $0x9;
	_ =	strace $0x80000048  }
0xb3: {  	_ =	swait.ge [sflag:s29], $0x1  }
0xb4: {  	[sflag:s29] =	ssyncadd.s32 $0xFFFFFFFF  }
0xb5: {  	_ =	strace $0x90000048  }
0xb6: {  	_ =	sfence  }
0xb7: {  	s30 =	sld [smem:$0x0];
	_ =	sdelay $0x2  }
0xb8: {  	s31 =	sshll.u32 s1, $0xD;
	s1 =	sshrl.u32 s1, $0x2  }
0xb9: {  	s3 =	sand.u32 $0x4000, s31;
	s1 =	sadd.s32 s1, s30  }
0xba: {  	s0 =	sor.u32 s3, s0;
	s1 =	sshll.u32 s1, $0x11  }
0xbb: {  	s0 =	sor.u32 s1, s0  }
0xbc: {  	s0 =	sadd.s32 $0x8F2B, s0  }
0xbd: {  	[sflag:s0] =	ssyncadd.remote.s32 $0x1  }
0xbe: {  	_ =	sfence.sel $0xFFFF  }
0xbf: {  	[dreg:$0x0] =	wrdreg $0xFFFFFFFF;
	(pc) =	sbr.abs _section_cstart, $3  }
0xc0: {  	[dreg:$0x1] =	wrdreg $0xFFFFFFFF  }
0xc1: {  	_ =	task.clear_ibuf [dreg:s7], $0x2FFFF;
	_ =	strace $0x9FFFFFFF  }
0xc2: {  	(tm) =	ssettm $0x7FFFFFFF  }
0xc3: {  	_ =	shalt  }
tec
execute0_lowered:
.L_overlay_start_1:
0x0: {  	(tag) =	ssettag $0x1  }
0x1: {  	s1 =	srdreg.scid;
	s4 =	rddreg [dreg:$0x0]  }
0x2: {  	s0 =	stileid.u32;
	s2 =	rddreg [dreg:$0x1]  }
0x3: {  	s3 =	simm.s32 $0x0;
	s5 =	sand.u32 $0x1, s1;
	s1 =	rddreg [dreg:$0x2]  }
0x4: {  	s19 =	simm.s32 $0x7400;
	s20 =	simm.s32 $0x8400;
	[smem:$0x7FF] =	sst s3  }
0x5: {  	s21 =	simm.s32 $0x9400;
	_ =	strace $0x80000047;
	[dreg:$0x4] =	wrdreg s19  }
0x6: {  	s22 =	simm.s32 $0xA400;
	s23 =	simm.s32 $0xB400;
	[dreg:$0x5] =	wrdreg s20  }
0x7: {  	s24 =	simm.s32 $0xC400;
	s26 =	simm.s32 $0xD400;
	[dreg:$0x6] =	wrdreg s21  }
0x8: {  	s28 =	simm.s32 $0xE400;
	s29 =	simm.s32 $0xF400;
	[dreg:$0x7] =	wrdreg s22  }
0x9: {  	s30 =	simm.s32 $0x10400;
	s8 =	simm.s32 $0x11400;
	[dreg:$0x8] =	wrdreg s23  }
0xa: {  	s9 =	simm.s32 $0x12400;
	s31 =	simm.s32 $0x13400;
	[dreg:$0x9] =	wrdreg s24  }
0xb: {  	s10 =	simm.s32 $0x15400;
	s11 =	simm.s32 $0x16400;
	[dreg:$0xa] =	wrdreg s26  }
0xc: {  	s12 =	simm.s32 $0x17400;
	s13 =	simm.s32 $0x18400;
	[dreg:$0xb] =	wrdreg s28  }
0xd: {  	s14 =	simm.s32 $0x19400;
	s15 =	simm.s32 $0x1;
	[dreg:$0xc] =	wrdreg s29  }
0xe: {  	s16 =	simm.s32 $0x0;
	s6 =	smul.u32 $0x32000, s0;
	[dreg:$0xd] =	wrdreg s30  }
0xf: {  	s18 =	sshll.u32 s0, $0x1;
	s7 =	smul.u32 $0x19000, s5;
	[dreg:$0xe] =	wrdreg s8  }
0x10: {  	s8 =	simm.s32 $0x6400;
	[dreg:$0xf] =	wrdreg s9;
	s6 =	sadd.s32 s6, s4  }
0x11: {  	[dreg:$0x10] =	wrdreg s31;
	s6 =	sadd.s32 s7, s6;
	s7 =	sor.u32 s5, s18  }
0x12: {  	s5 =	ssub.s32 $0x2, s5;
	s6 =	sadd.s32 $0x19E00, s6;
	s7 =	smul.u32 $0xC80, s7  }
0x13: {  	s9 =	simm.s32 $0x14400;
	s25 =	sshrl.u32 s5, $0x1;
	[dreg:$0x3] =	wrdreg s6  }
0x14: {  	s5 =	ssub.s32 s5, s25;
	s6 =	simm.s32 $0x2;
	s4 =	sadd.s32 s7, s4  }
0x15: {  	s5 =	smax.u32 s5, $0x1;
	s7 =	simm.s32 $0x80;
	s4 =	sadd.s32 $0xE00, s4  }
.LBB2_1:
0x16: {  	[tilespmem:s3], [sflag:$0x2] =	stream.linear.gather [hbm4b:s4+s3], $0x6400, $0x38;
	[tilespmem:$0x1A400] =	vst v63  }
0x17: {  	_ =	swait.ge [sflag:s6], $0x6400  }
0x18: {  	[sflag:s6] =	ssyncset.done $0x0  }
0x19: {  	s17 =	simm.s32 $0x0;
	[sflag:s6] =	ssyncadd.s32 $0xFFFF9C00  }
0x1a: {  	[tilespmem:s8], [sflag:$0x1] =	stream.indirect.gather [hbm4b:s2+s7], $0x20, s17, s7, $0xb8;
	[tilespmem:$0x1A400] =	vst v63  }
0x1b: {  	s24 =	simm.s32 $0x80;
	s18 =	rddreg [dreg:$0x4]  }
0x1c: {  	[tilespmem:s18], [sflag:$0x1] =	stream.indirect.gather [hbm4b:s2+s7], $0x20, s24, s7, $0xb8;
	[tilespmem:$0x1A400] =	vst v63  }
0x1d: {  	s25 =	simm.s32 $0x100;
	s19 =	rddreg [dreg:$0x5]  }
0x1e: {  	[tilespmem:s19], [sflag:$0x1] =	stream.indirect.gather [hbm4b:s2+s7], $0x20, s25, s7, $0xb8;
	[tilespmem:$0x1A400] =	vst v63  }
0x1f: {  	s28 =	simm.s32 $0x180;
	s26 =	rddreg [dreg:$0x6]  }
0x20: {  	[tilespmem:s26], [sflag:$0x1] =	stream.indirect.gather [hbm4b:s2+s7], $0x20, s28, s7, $0xb8;
	[tilespmem:$0x1A400] =	vst v63  }
0x21: {  	s30 =	simm.s32 $0x200;
	s29 =	rddreg [dreg:$0x7]  }
0x22: {  	[tilespmem:s29], [sflag:$0x1] =	stream.indirect.gather [hbm4b:s2+s7], $0x20, s30, s7, $0xb8;
	[tilespmem:$0x1A400] =	vst v63  }
0x23: {  	s31 =	rddreg [dreg:$0x8];
	s19 =	simm.s32 $0x280  }
0x24: {  	[tilespmem:s31], [sflag:$0x1] =	stream.indirect.gather [hbm4b:s2+s7], $0x20, s19, s7, $0xb8;
	[tilespmem:$0x1A400] =	vst v63  }
0x25: {  	s21 =	simm.s32 $0x300;
	s20 =	rddreg [dreg:$0x9]  }
0x26: {  	[tilespmem:s20], [sflag:$0x1] =	stream.indirect.gather [hbm4b:s2+s7], $0x20, s21, s7, $0xb8;
	[tilespmem:$0x1A400] =	vst v63  }
0x27: {  	s23 =	simm.s32 $0x380;
	s22 =	rddreg [dreg:$0xa]  }
0x28: {  	[tilespmem:s22], [sflag:$0x1] =	stream.indirect.gather [hbm4b:s2+s7], $0x20, s23, s7, $0xb8;
	[tilespmem:$0x1A400] =	vst v63  }
0x29: {  	s24 =	rddreg [dreg:$0xb];
	s25 =	simm.s32 $0x400  }
0x2a: {  	[tilespmem:s24], [sflag:$0x1] =	stream.indirect.gather [hbm4b:s2+s7], $0x20, s25, s7, $0xb8;
	[tilespmem:$0x1A400] =	vst v63  }
0x2b: {  	s26 =	rddreg [dreg:$0xc];
	s28 =	simm.s32 $0x480  }
0x2c: {  	[tilespmem:s26], [sflag:$0x1] =	stream.indirect.gather [hbm4b:s2+s7], $0x20, s28, s7, $0xb8;
	[tilespmem:$0x1A400] =	vst v63  }
0x2d: {  	s29 =	rddreg [dreg:$0xd];
	s30 =	simm.s32 $0x500  }
0x2e: {  	[tilespmem:s29], [sflag:$0x1] =	stream.indirect.gather [hbm4b:s2+s7], $0x20, s30, s7, $0xb8;
	[tilespmem:$0x1A400] =	vst v63  }
0x2f: {  	s31 =	rddreg [dreg:$0xe];
	s19 =	simm.s32 $0x580  }
0x30: {  	[tilespmem:s31], [sflag:$0x1] =	stream.indirect.gather [hbm4b:s2+s7], $0x20, s19, s7, $0xb8;
	[tilespmem:$0x1A400] =	vst v63  }
0x31: {  	s20 =	rddreg [dreg:$0xf];
	s21 =	simm.s32 $0x600  }
0x32: {  	[tilespmem:s20], [sflag:$0x1] =	stream.indirect.gather [hbm4b:s2+s7], $0x20, s21, s7, $0xb8;
	[tilespmem:$0x1A400] =	vst v63  }
0x33: {  	s22 =	rddreg [dreg:$0x10];
	s23 =	simm.s32 $0x680  }
0x34: {  	[tilespmem:s22], [sflag:$0x1] =	stream.indirect.gather [hbm4b:s2+s7], $0x20, s23, s7, $0xb8;
	[tilespmem:$0x1A400] =	vst v63  }
0x35: {  	s24 =	simm.s32 $0x700  }
0x36: {  	[tilespmem:s9], [sflag:$0x1] =	stream.indirect.gather [hbm4b:s2+s7], $0x20, s24, s7, $0xb8;
	[tilespmem:$0x1A400] =	vst v63  }
0x37: {  	s25 =	simm.s32 $0x780  }
0x38: {  	[tilespmem:s10], [sflag:$0x1] =	stream.indirect.gather [hbm4b:s2+s7], $0x20, s25, s7, $0xb8;
	[tilespmem:$0x1A400] =	vst v63  }
0x39: {  	s26 =	simm.s32 $0x800  }
0x3a: {  	[tilespmem:s11], [sflag:$0x1] =	stream.indirect.gather [hbm4b:s2+s7], $0x20, s26, s7, $0xb8;
	[tilespmem:$0x1A400] =	vst v63  }
0x3b: {  	s28 =	simm.s32 $0x880  }
0x3c: {  	[tilespmem:s12], [sflag:$0x1] =	stream.indirect.gather [hbm4b:s2+s7], $0x20, s28, s7, $0xb8;
	[tilespmem:$0x1A400] =	vst v63  }
0x3d: {  	s29 =	simm.s32 $0x900  }
0x3e: {  	[tilespmem:s13], [sflag:$0x1] =	stream.indirect.gather [hbm4b:s2+s7], $0x20, s29, s7, $0xb8;
	[tilespmem:$0x1A400] =	vst v63  }
0x3f: {  	s30 =	simm.s32 $0x980  }
0x40: {  	[tilespmem:s14], [sflag:$0x1] =	stream.indirect.gather [hbm4b:s2+s7], $0x20, s30, s7, $0xb8;
	[tilespmem:$0x1A400] =	vst v63  }
0x41: {  	_ =	swait.ge [sflag:s15], $0x1000  }
0x42: {  	[sflag:s15] =	ssyncset.done $0x0  }
0x43: {  	[sflag:s15] =	ssyncadd.s32 $0xFFFFF000  }
0x44: {  	_ =	swait.ge [sflag:s15], $0x1000  }
0x45: {  	[sflag:s15] =	ssyncset.done $0x0  }
0x46: {  	[sflag:s15] =	ssyncadd.s32 $0xFFFFF000  }
0x47: {  	_ =	swait.ge [sflag:s15], $0x1000  }
0x48: {  	[sflag:s15] =	ssyncset.done $0x0  }
0x49: {  	[sflag:s15] =	ssyncadd.s32 $0xFFFFF000  }
0x4a: {  	_ =	swait.ge [sflag:s15], $0x1000  }
0x4b: {  	[sflag:s15] =	ssyncset.done $0x0  }
0x4c: {  	[sflag:s15] =	ssyncadd.s32 $0xFFFFF000  }
0x4d: {  	_ =	swait.ge [sflag:s15], $0x1000  }
0x4e: {  	[sflag:s15] =	ssyncset.done $0x0  }
0x4f: {  	[sflag:s15] =	ssyncadd.s32 $0xFFFFF000  }
0x50: {  	_ =	swait.ge [sflag:s15], $0x1000  }
0x51: {  	[sflag:s15] =	ssyncset.done $0x0  }
0x52: {  	[sflag:s15] =	ssyncadd.s32 $0xFFFFF000  }
0x53: {  	_ =	swait.ge [sflag:s15], $0x1000  }
0x54: {  	[sflag:s15] =	ssyncset.done $0x0  }
0x55: {  	[sflag:s15] =	ssyncadd.s32 $0xFFFFF000  }
0x56: {  	_ =	swait.ge [sflag:s15], $0x1000  }
0x57: {  	[sflag:s15] =	ssyncset.done $0x0  }
0x58: {  	[sflag:s15] =	ssyncadd.s32 $0xFFFFF000  }
0x59: {  	_ =	swait.ge [sflag:s15], $0x1000  }
0x5a: {  	[sflag:s15] =	ssyncset.done $0x0  }
0x5b: {  	[sflag:s15] =	ssyncadd.s32 $0xFFFFF000  }
0x5c: {  	_ =	swait.ge [sflag:s15], $0x1000  }
0x5d: {  	[sflag:s15] =	ssyncset.done $0x0  }
0x5e: {  	[sflag:s15] =	ssyncadd.s32 $0xFFFFF000  }
0x5f: {  	_ =	swait.ge [sflag:s15], $0x1000  }
0x60: {  	[sflag:s15] =	ssyncset.done $0x0  }
0x61: {  	[sflag:s15] =	ssyncadd.s32 $0xFFFFF000  }
0x62: {  	_ =	swait.ge [sflag:s15], $0x1000  }
0x63: {  	[sflag:s15] =	ssyncset.done $0x0  }
0x64: {  	[sflag:s15] =	ssyncadd.s32 $0xFFFFF000  }
0x65: {  	_ =	swait.ge [sflag:s15], $0x1000  }
0x66: {  	[sflag:s15] =	ssyncset.done $0x0  }
0x67: {  	[sflag:s15] =	ssyncadd.s32 $0xFFFFF000  }
0x68: {  	_ =	swait.ge [sflag:s15], $0x1000  }
0x69: {  	[sflag:s15] =	ssyncset.done $0x0  }
0x6a: {  	[sflag:s15] =	ssyncadd.s32 $0xFFFFF000  }
0x6b: {  	_ =	swait.ge [sflag:s15], $0x1000  }
0x6c: {  	[sflag:s15] =	ssyncset.done $0x0  }
0x6d: {  	[sflag:s15] =	ssyncadd.s32 $0xFFFFF000  }
0x6e: {  	_ =	swait.ge [sflag:s15], $0x1000  }
0x6f: {  	[sflag:s15] =	ssyncset.done $0x0  }
0x70: {  	[sflag:s15] =	ssyncadd.s32 $0xFFFFF000  }
0x71: {  	_ =	swait.ge [sflag:s15], $0x1000  }
0x72: {  	[sflag:s15] =	ssyncset.done $0x0  }
0x73: {  	[sflag:s15] =	ssyncadd.s32 $0xFFFFF000  }
0x74: {  	_ =	swait.ge [sflag:s15], $0x1000  }
0x75: {  	[sflag:s15] =	ssyncset.done $0x0  }
0x76: {  	[sflag:s15] =	ssyncadd.s32 $0xFFFFF000  }
0x77: {  	_ =	swait.ge [sflag:s15], $0x1000  }
0x78: {  	[sflag:s15] =	ssyncset.done $0x0  }
0x79: {  	[sflag:s15] =	ssyncadd.s32 $0xFFFFF000  }
0x7a: {  	_ =	swait.ge [sflag:s15], $0x1000  }
0x7b: {  	s31 =	rddreg [dreg:$0x3];
	[sflag:s15] =	ssyncset.done $0x0  }
0x7c: {  	[sflag:s15] =	ssyncadd.s32 $0xFFFFF000;
	s17 =	sadd.s32 $0x0, s31  }
0x7d: {  	[hbm4b:s17+s3] =	stream.linear.scatter [tilespmem:s8], [sflag:$0x2], $0x14000, $0x38;
	[tilespmem:$0x1A400] =	vst v63  }
0x7e: {  	_ =	swait.ge [sflag:s6], $0x14000  }
0x7f: {  	s21 =	simm.s32 $0x5000;
	s17 =	simm.s32 $0x2800;
	[sflag:s6] =	ssyncset.done $0x0  }
.LBB2_2:
0x80: {  	s20 =	sshra.s32 s17, $0x2;
	[sflag:s6] =	ssyncadd.s32 $0xFFFEC000  }
0x81: {  	[tilespmem:s8], [sflag:$0x1] =	stream.indirect.gather [hbm4b:s2+s7], $0x20, s20, s7, $0xb8;
	[tilespmem:$0x1A400] =	vst v63  }
0x82: {  	s22 =	rddreg [dreg:$0x4];
	s23 =	sadd.s32 $0x80, s20  }
0x83: {  	[tilespmem:s22], [sflag:$0x1] =	stream.indirect.gather [hbm4b:s2+s7], $0x20, s23, s7, $0xb8;
	[tilespmem:$0x1A400] =	vst v63  }
0x84: {  	s24 =	rddreg [dreg:$0x5];
	s25 =	sadd.s32 $0x100, s20  }
0x85: {  	[tilespmem:s24], [sflag:$0x1] =	stream.indirect.gather [hbm4b:s2+s7], $0x20, s25, s7, $0xb8;
	[tilespmem:$0x1A400] =	vst v63  }
0x86: {  	s26 =	rddreg [dreg:$0x6];
	s28 =	sadd.s32 $0x180, s20  }
0x87: {  	[tilespmem:s26], [sflag:$0x1] =	stream.indirect.gather [hbm4b:s2+s7], $0x20, s28, s7, $0xb8;
	[tilespmem:$0x1A400] =	vst v63  }
0x88: {  	s29 =	rddreg [dreg:$0x7];
	s30 =	sadd.s32 $0x200, s20  }
0x89: {  	[tilespmem:s29], [sflag:$0x1] =	stream.indirect.gather [hbm4b:s2+s7], $0x20, s30, s7, $0xb8;
	[tilespmem:$0x1A400] =	vst v63  }
0x8a: {  	s31 =	rddreg [dreg:$0x8];
	s23 =	sadd.s32 $0x280, s20  }
0x8b: {  	[tilespmem:s31], [sflag:$0x1] =	stream.indirect.gather [hbm4b:s2+s7], $0x20, s23, s7, $0xb8;
	[tilespmem:$0x1A400] =	vst v63  }
0x8c: {  	s24 =	rddreg [dreg:$0x9];
	s25 =	sadd.s32 $0x300, s20  }
0x8d: {  	[tilespmem:s24], [sflag:$0x1] =	stream.indirect.gather [hbm4b:s2+s7], $0x20, s25, s7, $0xb8;
	[tilespmem:$0x1A400] =	vst v63  }
0x8e: {  	s26 =	rddreg [dreg:$0xa];
	s28 =	sadd.s32 $0x380, s20  }
0x8f: {  	[tilespmem:s26], [sflag:$0x1] =	stream.indirect.gather [hbm4b:s2+s7], $0x20, s28, s7, $0xb8;
	[tilespmem:$0x1A400] =	vst v63  }
0x90: {  	s29 =	rddreg [dreg:$0xb];
	s30 =	sadd.s32 $0x400, s20  }
0x91: {  	[tilespmem:s29], [sflag:$0x1] =	stream.indirect.gather [hbm4b:s2+s7], $0x20, s30, s7, $0xb8;
	[tilespmem:$0x1A400] =	vst v63  }
0x92: {  	s31 =	rddreg [dreg:$0xc];
	s23 =	sadd.s32 $0x480, s20  }
0x93: {  	[tilespmem:s31], [sflag:$0x1] =	stream.indirect.gather [hbm4b:s2+s7], $0x20, s23, s7, $0xb8;
	[tilespmem:$0x1A400] =	vst v63  }
0x94: {  	s24 =	rddreg [dreg:$0xd];
	s25 =	sadd.s32 $0x500, s20  }
0x95: {  	[tilespmem:s24], [sflag:$0x1] =	stream.indirect.gather [hbm4b:s2+s7], $0x20, s25, s7, $0xb8;
	[tilespmem:$0x1A400] =	vst v63  }
0x96: {  	s26 =	rddreg [dreg:$0xe];
	s28 =	sadd.s32 $0x580, s20  }
0x97: {  	[tilespmem:s26], [sflag:$0x1] =	stream.indirect.gather [hbm4b:s2+s7], $0x20, s28, s7, $0xb8;
	[tilespmem:$0x1A400] =	vst v63  }
0x98: {  	s29 =	rddreg [dreg:$0xf];
	s30 =	sadd.s32 $0x600, s20  }
0x99: {  	[tilespmem:s29], [sflag:$0x1] =	stream.indirect.gather [hbm4b:s2+s7], $0x20, s30, s7, $0xb8;
	[tilespmem:$0x1A400] =	vst v63  }
0x9a: {  	s31 =	rddreg [dreg:$0x10];
	s24 =	sadd.s32 $0x680, s20  }
0x9b: {  	[tilespmem:s31], [sflag:$0x1] =	stream.indirect.gather [hbm4b:s2+s7], $0x20, s24, s7, $0xb8;
	[tilespmem:$0x1A400] =	vst v63  }
0x9c: {  	s25 =	sadd.s32 $0x700, s20  }
0x9d: {  	[tilespmem:s9], [sflag:$0x1] =	stream.indirect.gather [hbm4b:s2+s7], $0x20, s25, s7, $0xb8;
	[tilespmem:$0x1A400] =	vst v63  }
0x9e: {  	s26 =	sadd.s32 $0x780, s20  }
0x9f: {  	[tilespmem:s10], [sflag:$0x1] =	stream.indirect.gather [hbm4b:s2+s7], $0x20, s26, s7, $0xb8;
	[tilespmem:$0x1A400] =	vst v63  }
0xa0: {  	s28 =	sadd.s32 $0x800, s20  }
0xa1: {  	[tilespmem:s11], [sflag:$0x1] =	stream.indirect.gather [hbm4b:s2+s7], $0x20, s28, s7, $0xb8;
	[tilespmem:$0x1A400] =	vst v63  }
0xa2: {  	s29 =	sadd.s32 $0x880, s20  }
0xa3: {  	[tilespmem:s12], [sflag:$0x1] =	stream.indirect.gather [hbm4b:s2+s7], $0x20, s29, s7, $0xb8;
	[tilespmem:$0x1A400] =	vst v63  }
0xa4: {  	s30 =	sadd.s32 $0x900, s20  }
0xa5: {  	[tilespmem:s13], [sflag:$0x1] =	stream.indirect.gather [hbm4b:s2+s7], $0x20, s30, s7, $0xb8;
	[tilespmem:$0x1A400] =	vst v63  }
0xa6: {  	s20 =	sadd.s32 $0x980, s20  }
0xa7: {  	[tilespmem:s14], [sflag:$0x1] =	stream.indirect.gather [hbm4b:s2+s7], $0x20, s20, s7, $0xb8;
	[tilespmem:$0x1A400] =	vst v63  }
0xa8: {  	_ =	swait.ge [sflag:s15], $0x1000  }
0xa9: {  	[sflag:s15] =	ssyncset.done $0x0  }
0xaa: {  	[sflag:s15] =	ssyncadd.s32 $0xFFFFF000  }
0xab: {  	_ =	swait.ge [sflag:s15], $0x1000  }
0xac: {  	[sflag:s15] =	ssyncset.done $0x0  }
0xad: {  	[sflag:s15] =	ssyncadd.s32 $0xFFFFF000  }
0xae: {  	_ =	swait.ge [sflag:s15], $0x1000  }
0xaf: {  	[sflag:s15] =	ssyncset.done $0x0  }
0xb0: {  	[sflag:s15] =	ssyncadd.s32 $0xFFFFF000  }
0xb1: {  	_ =	swait.ge [sflag:s15], $0x1000  }
0xb2: {  	[sflag:s15] =	ssyncset.done $0x0  }
0xb3: {  	[sflag:s15] =	ssyncadd.s32 $0xFFFFF000  }
0xb4: {  	_ =	swait.ge [sflag:s15], $0x1000  }
0xb5: {  	[sflag:s15] =	ssyncset.done $0x0  }
0xb6: {  	[sflag:s15] =	ssyncadd.s32 $0xFFFFF000  }
0xb7: {  	_ =	swait.ge [sflag:s15], $0x1000  }
0xb8: {  	[sflag:s15] =	ssyncset.done $0x0  }
0xb9: {  	[sflag:s15] =	ssyncadd.s32 $0xFFFFF000  }
0xba: {  	_ =	swait.ge [sflag:s15], $0x1000  }
0xbb: {  	[sflag:s15] =	ssyncset.done $0x0  }
0xbc: {  	[sflag:s15] =	ssyncadd.s32 $0xFFFFF000  }
0xbd: {  	_ =	swait.ge [sflag:s15], $0x1000  }
0xbe: {  	[sflag:s15] =	ssyncset.done $0x0  }
0xbf: {  	[sflag:s15] =	ssyncadd.s32 $0xFFFFF000  }
0xc0: {  	_ =	swait.ge [sflag:s15], $0x1000  }
0xc1: {  	[sflag:s15] =	ssyncset.done $0x0  }
0xc2: {  	[sflag:s15] =	ssyncadd.s32 $0xFFFFF000  }
0xc3: {  	_ =	swait.ge [sflag:s15], $0x1000  }
0xc4: {  	[sflag:s15] =	ssyncset.done $0x0  }
0xc5: {  	[sflag:s15] =	ssyncadd.s32 $0xFFFFF000  }
0xc6: {  	_ =	swait.ge [sflag:s15], $0x1000  }
0xc7: {  	[sflag:s15] =	ssyncset.done $0x0  }
0xc8: {  	[sflag:s15] =	ssyncadd.s32 $0xFFFFF000  }
0xc9: {  	_ =	swait.ge [sflag:s15], $0x1000  }
0xca: {  	[sflag:s15] =	ssyncset.done $0x0  }
0xcb: {  	[sflag:s15] =	ssyncadd.s32 $0xFFFFF000  }
0xcc: {  	_ =	swait.ge [sflag:s15], $0x1000  }
0xcd: {  	[sflag:s15] =	ssyncset.done $0x0  }
0xce: {  	[sflag:s15] =	ssyncadd.s32 $0xFFFFF000  }
0xcf: {  	_ =	swait.ge [sflag:s15], $0x1000  }
0xd0: {  	[sflag:s15] =	ssyncset.done $0x0  }
0xd1: {  	[sflag:s15] =	ssyncadd.s32 $0xFFFFF000  }
0xd2: {  	_ =	swait.ge [sflag:s15], $0x1000  }
0xd3: {  	[sflag:s15] =	ssyncset.done $0x0  }
0xd4: {  	[sflag:s15] =	ssyncadd.s32 $0xFFFFF000  }
0xd5: {  	_ =	swait.ge [sflag:s15], $0x1000  }
0xd6: {  	[sflag:s15] =	ssyncset.done $0x0  }
0xd7: {  	[sflag:s15] =	ssyncadd.s32 $0xFFFFF000  }
0xd8: {  	_ =	swait.ge [sflag:s15], $0x1000  }
0xd9: {  	[sflag:s15] =	ssyncset.done $0x0  }
0xda: {  	[sflag:s15] =	ssyncadd.s32 $0xFFFFF000  }
0xdb: {  	_ =	swait.ge [sflag:s15], $0x1000  }
0xdc: {  	[sflag:s15] =	ssyncset.done $0x0  }
0xdd: {  	[sflag:s15] =	ssyncadd.s32 $0xFFFFF000  }
0xde: {  	_ =	swait.ge [sflag:s15], $0x1000  }
0xdf: {  	[sflag:s15] =	ssyncset.done $0x0  }
0xe0: {  	[sflag:s15] =	ssyncadd.s32 $0xFFFFF000  }
0xe1: {  	p0 =	sne.s32 s21, $0x16800;
	_ =	swait.ge [sflag:s15], $0x1000  }
.Ltmp0:
0xe2: {  	s31 =	rddreg [dreg:$0x3];
	[sflag:s15] =	ssyncset.done $0x0;
	(pc) =	sbr.rel @p0 .LBB2_2-.Ltmp0, $4  }
0xe3: {  	[sflag:s15] =	ssyncadd.s32 $0xFFFFF000;
	s20 =	sadd.s32 s17, s31  }
0xe4: {  	[hbm4b:s20+s3] =	stream.linear.scatter [tilespmem:s8], [sflag:$0x2], $0x14000, $0x38;
	[tilespmem:$0x1A400] =	vst v63  }
0xe5: {  	s19 =	smov.u32 s21;
	s18 =	sadd.s32 $0x2800, s21;
	_ =	swait.ge [sflag:s6], $0x14000  }
0xe6: {  	s21 =	smov.u32 s18;
	s17 =	smov.u32 s19;
	[sflag:s6] =	ssyncset.done $0x0  }
0xe7: {  	s18 =	sshra.s32 s17, $0x2;
	[sflag:s6] =	ssyncadd.s32 $0xFFFEC000  }
0xe8: {  	[tilespmem:s8], [sflag:$0x1] =	stream.indirect.gather [hbm4b:s2+s7], $0x20, s18, s7, $0xb8;
	[tilespmem:$0x1A400] =	vst v63  }
0xe9: {  	s19 =	rddreg [dreg:$0x4];
	s20 =	sadd.s32 $0x80, s18  }
0xea: {  	[tilespmem:s19], [sflag:$0x1] =	stream.indirect.gather [hbm4b:s2+s7], $0x20, s20, s7, $0xb8;
	[tilespmem:$0x1A400] =	vst v63  }
0xeb: {  	s21 =	rddreg [dreg:$0x5];
	s20 =	sadd.s32 $0x100, s18  }
0xec: {  	[tilespmem:s21], [sflag:$0x1] =	stream.indirect.gather [hbm4b:s2+s7], $0x20, s20, s7, $0xb8;
	[tilespmem:$0x1A400] =	vst v63  }
0xed: {  	s22 =	rddreg [dreg:$0x6];
	s23 =	sadd.s32 $0x180, s18  }
0xee: {  	[tilespmem:s22], [sflag:$0x1] =	stream.indirect.gather [hbm4b:s2+s7], $0x20, s23, s7, $0xb8;
	[tilespmem:$0x1A400] =	vst v63  }
0xef: {  	s24 =	rddreg [dreg:$0x7];
	s25 =	sadd.s32 $0x200, s18  }
0xf0: {  	[tilespmem:s24], [sflag:$0x1] =	stream.indirect.gather [hbm4b:s2+s7], $0x20, s25, s7, $0xb8;
	[tilespmem:$0x1A400] =	vst v63  }
0xf1: {  	s26 =	rddreg [dreg:$0x8];
	s28 =	sadd.s32 $0x280, s18  }
0xf2: {  	[tilespmem:s26], [sflag:$0x1] =	stream.indirect.gather [hbm4b:s2+s7], $0x20, s28, s7, $0xb8;
	[tilespmem:$0x1A400] =	vst v63  }
0xf3: {  	s29 =	rddreg [dreg:$0x9];
	s30 =	sadd.s32 $0x300, s18  }
0xf4: {  	[tilespmem:s29], [sflag:$0x1] =	stream.indirect.gather [hbm4b:s2+s7], $0x20, s30, s7, $0xb8;
	[tilespmem:$0x1A400] =	vst v63  }
0xf5: {  	s31 =	rddreg [dreg:$0xa];
	s21 =	sadd.s32 $0x380, s18  }
0xf6: {  	[tilespmem:s31], [sflag:$0x1] =	stream.indirect.gather [hbm4b:s2+s7], $0x20, s21, s7, $0xb8;
	[tilespmem:$0x1A400] =	vst v63  }
0xf7: {  	s22 =	rddreg [dreg:$0xb];
	s23 =	sadd.s32 $0x400, s18  }
0xf8: {  	[tilespmem:s22], [sflag:$0x1] =	stream.indirect.gather [hbm4b:s2+s7], $0x20, s23, s7, $0xb8;
	[tilespmem:$0x1A400] =	vst v63  }
0xf9: {  	s24 =	rddreg [dreg:$0xc];
	s25 =	sadd.s32 $0x480, s18  }
0xfa: {  	[tilespmem:s24], [sflag:$0x1] =	stream.indirect.gather [hbm4b:s2+s7], $0x20, s25, s7, $0xb8;
	[tilespmem:$0x1A400] =	vst v63  }
0xfb: {  	s26 =	rddreg [dreg:$0xd];
	s28 =	sadd.s32 $0x500, s18  }
0xfc: {  	[tilespmem:s26], [sflag:$0x1] =	stream.indirect.gather [hbm4b:s2+s7], $0x20, s28, s7, $0xb8;
	[tilespmem:$0x1A400] =	vst v63  }
0xfd: {  	s29 =	rddreg [dreg:$0xe];
	s30 =	sadd.s32 $0x580, s18  }
0xfe: {  	[tilespmem:s29], [sflag:$0x1] =	stream.indirect.gather [hbm4b:s2+s7], $0x20, s30, s7, $0xb8;
	[tilespmem:$0x1A400] =	vst v63  }
0xff: {  	s20 =	sadd.s32 $0x600, s18;
	s31 =	rddreg [dreg:$0xf]  }
0x100: {  	[tilespmem:s31], [sflag:$0x1] =	stream.indirect.gather [hbm4b:s2+s7], $0x20, s20, s7, $0xb8;
	[tilespmem:$0x1A400] =	vst v63  }
0x101: {  	s22 =	rddreg [dreg:$0x10];
	s23 =	sadd.s32 $0x680, s18  }
0x102: {  	[tilespmem:s22], [sflag:$0x1] =	stream.indirect.gather [hbm4b:s2+s7], $0x20, s23, s7, $0xb8;
	[tilespmem:$0x1A400] =	vst v63  }
0x103: {  	s24 =	sadd.s32 $0x700, s18  }
0x104: {  	[tilespmem:s9], [sflag:$0x1] =	stream.indirect.gather [hbm4b:s2+s7], $0x20, s24, s7, $0xb8;
	[tilespmem:$0x1A400] =	vst v63  }
0x105: {  	s25 =	sadd.s32 $0x780, s18  }
0x106: {  	[tilespmem:s10], [sflag:$0x1] =	stream.indirect.gather [hbm4b:s2+s7], $0x20, s25, s7, $0xb8;
	[tilespmem:$0x1A400] =	vst v63  }
0x107: {  	s26 =	sadd.s32 $0x800, s18  }
0x108: {  	[tilespmem:s11], [sflag:$0x1] =	stream.indirect.gather [hbm4b:s2+s7], $0x20, s26, s7, $0xb8;
	[tilespmem:$0x1A400] =	vst v63  }
0x109: {  	s28 =	sadd.s32 $0x880, s18  }
0x10a: {  	[tilespmem:s12], [sflag:$0x1] =	stream.indirect.gather [hbm4b:s2+s7], $0x20, s28, s7, $0xb8;
	[tilespmem:$0x1A400] =	vst v63  }
0x10b: {  	s29 =	sadd.s32 $0x900, s18  }
0x10c: {  	[tilespmem:s13], [sflag:$0x1] =	stream.indirect.gather [hbm4b:s2+s7], $0x20, s29, s7, $0xb8;
	[tilespmem:$0x1A400] =	vst v63  }
0x10d: {  	s18 =	sadd.s32 $0x980, s18  }
0x10e: {  	[tilespmem:s14], [sflag:$0x1] =	stream.indirect.gather [hbm4b:s2+s7], $0x20, s18, s7, $0xb8;
	[tilespmem:$0x1A400] =	vst v63  }
0x10f: {  	_ =	swait.ge [sflag:s15], $0x1000  }
0x110: {  	[sflag:s15] =	ssyncset.done $0x0  }
0x111: {  	[sflag:s15] =	ssyncadd.s32 $0xFFFFF000  }
0x112: {  	_ =	swait.ge [sflag:s15], $0x1000  }
0x113: {  	[sflag:s15] =	ssyncset.done $0x0  }
0x114: {  	[sflag:s15] =	ssyncadd.s32 $0xFFFFF000  }
0x115: {  	_ =	swait.ge [sflag:s15], $0x1000  }
0x116: {  	[sflag:s15] =	ssyncset.done $0x0  }
0x117: {  	[sflag:s15] =	ssyncadd.s32 $0xFFFFF000  }
0x118: {  	_ =	swait.ge [sflag:s15], $0x1000  }
0x119: {  	[sflag:s15] =	ssyncset.done $0x0  }
0x11a: {  	[sflag:s15] =	ssyncadd.s32 $0xFFFFF000  }
0x11b: {  	_ =	swait.ge [sflag:s15], $0x1000  }
0x11c: {  	[sflag:s15] =	ssyncset.done $0x0  }
0x11d: {  	[sflag:s15] =	ssyncadd.s32 $0xFFFFF000  }
0x11e: {  	_ =	swait.ge [sflag:s15], $0x1000  }
0x11f: {  	[sflag:s15] =	ssyncset.done $0x0  }
0x120: {  	[sflag:s15] =	ssyncadd.s32 $0xFFFFF000  }
0x121: {  	_ =	swait.ge [sflag:s15], $0x1000  }
0x122: {  	[sflag:s15] =	ssyncset.done $0x0  }
0x123: {  	[sflag:s15] =	ssyncadd.s32 $0xFFFFF000  }
0x124: {  	_ =	swait.ge [sflag:s15], $0x1000  }
0x125: {  	[sflag:s15] =	ssyncset.done $0x0  }
0x126: {  	[sflag:s15] =	ssyncadd.s32 $0xFFFFF000  }
0x127: {  	_ =	swait.ge [sflag:s15], $0x1000  }
0x128: {  	[sflag:s15] =	ssyncset.done $0x0  }
0x129: {  	[sflag:s15] =	ssyncadd.s32 $0xFFFFF000  }
0x12a: {  	_ =	swait.ge [sflag:s15], $0x1000  }
0x12b: {  	[sflag:s15] =	ssyncset.done $0x0  }
0x12c: {  	[sflag:s15] =	ssyncadd.s32 $0xFFFFF000  }
0x12d: {  	_ =	swait.ge [sflag:s15], $0x1000  }
0x12e: {  	[sflag:s15] =	ssyncset.done $0x0  }
0x12f: {  	[sflag:s15] =	ssyncadd.s32 $0xFFFFF000  }
0x130: {  	_ =	swait.ge [sflag:s15], $0x1000  }
0x131: {  	[sflag:s15] =	ssyncset.done $0x0  }
0x132: {  	[sflag:s15] =	ssyncadd.s32 $0xFFFFF000  }
0x133: {  	_ =	swait.ge [sflag:s15], $0x1000  }
0x134: {  	[sflag:s15] =	ssyncset.done $0x0  }
0x135: {  	[sflag:s15] =	ssyncadd.s32 $0xFFFFF000  }
0x136: {  	_ =	swait.ge [sflag:s15], $0x1000  }
0x137: {  	[sflag:s15] =	ssyncset.done $0x0  }
0x138: {  	[sflag:s15] =	ssyncadd.s32 $0xFFFFF000  }
0x139: {  	_ =	swait.ge [sflag:s15], $0x1000  }
0x13a: {  	[sflag:s15] =	ssyncset.done $0x0  }
0x13b: {  	[sflag:s15] =	ssyncadd.s32 $0xFFFFF000  }
0x13c: {  	_ =	swait.ge [sflag:s15], $0x1000  }
0x13d: {  	[sflag:s15] =	ssyncset.done $0x0  }
0x13e: {  	[sflag:s15] =	ssyncadd.s32 $0xFFFFF000  }
0x13f: {  	_ =	swait.ge [sflag:s15], $0x1000  }
0x140: {  	[sflag:s15] =	ssyncset.done $0x0  }
0x141: {  	[sflag:s15] =	ssyncadd.s32 $0xFFFFF000  }
0x142: {  	_ =	swait.ge [sflag:s15], $0x1000  }
0x143: {  	[sflag:s15] =	ssyncset.done $0x0  }
0x144: {  	[sflag:s15] =	ssyncadd.s32 $0xFFFFF000  }
0x145: {  	_ =	swait.ge [sflag:s15], $0x1000  }
0x146: {  	[sflag:s15] =	ssyncset.done $0x0  }
0x147: {  	[sflag:s15] =	ssyncadd.s32 $0xFFFFF000  }
0x148: {  	s16 =	sadd.s32 $0x1, s16;
	_ =	swait.ge [sflag:s15], $0x1000  }
0x149: {  	p0 =	sne.s32 s16, s5;
	s30 =	rddreg [dreg:$0x3];
	[sflag:s15] =	ssyncset.done $0x0  }
.Ltmp1:
0x14a: {  	[sflag:s15] =	ssyncadd.s32 $0xFFFFF000;
	s31 =	sadd.s32 s17, s30;
	(pc) =	sbr.rel @p0 .LBB2_1-.Ltmp1, $4  }
0x14b: {  	[hbm4b:s31+s3] =	stream.linear.scatter [tilespmem:s8], [sflag:$0x2], $0x14000, $0x38;
	[tilespmem:$0x1A400] =	vst v63  }
0x14c: {  	_ =	swait.ge [sflag:s6], $0x14000  }
0x14d: {  	[sflag:s6] =	ssyncset.done $0x0  }
0x14e: {  	[sflag:s6] =	ssyncadd.s32 $0xFFFEC000  }
0x14f: {  	_ =	sfence.sel $0x180000  }
0x150: {  	[bflag:$0x0] =	sbarrier.arrive $0xFFFF  }
0x151: {  	p0 =	sne.s32 s0, $0x0;
	_ =	strace $0x90000047  }
0x152: {  	s0 =	sadd.s32 @!p0 $0x100000, s1;
	[bflag:$0x2] =	sbarrier.arrive $0xFFFF  }
0x153: {  	[sflag:s0] =	ssyncadd.tile.s32 @!p0 $0x1;
	_ =	shalt  }
.Lfunc_end2:
_tile_overlayer_lowered:
.L_overlay_start_2:
0x154: {  	(tag) =	ssettag $0x2  }
0x155: {  	s0 =	rddreg [dreg:$0x0];
	s2 =	stileid.u32  }
0x156: {  	s1 =	rddreg [dreg:$0x1];
	p0 =	sne.s32 s2, $0x0  }
0x157: {  	s3 =	rddreg [dreg:$0x2];
	[bflag:$0x3] =	sbarrier.arrive $0xFFFF;
	s2 =	simm.s32 @!p0 $0x1C02  }
0x158: {  	[timem:s3], [sflag:s2] =	dma.local @!p0 [hbm:s0], s1  }
0x159: {  	s0 =	simm.s32 @!p0 $0x2  }
0x15a: {  	_ =	swait.ge @!p0 [sflag:s0], s1  }
0x15b: {  	s1 =	ssub.s32 @!p0 $0x0, s1;
	[sflag:s0] =	ssyncset.done @!p0 $0x0  }
0x15c: {  	[sflag:s0] =	ssyncadd.s32 @!p0 s1  }
0x15d: {  	[bflag:$0x3] =	sbarrier.arrive $0xFFFF  }
0x15e: {  	_ =	shalt  }

</sc_bundles>
